<compile_context>
chip_gen: v7x
topology: tpu7x:2x2x1
jax: 0.10.2.dev20260603
libtpu: 0.0.44.dev20260713+nightly
codegen_flags: <defaults>
</compile_context>

<pallas_src>
import jax
import jax.numpy as jnp
from jax import lax
from jax.experimental import pallas as pl
from jax.experimental.pallas import tpu as pltpu
from jax.experimental.pallas import tpu_sc as plsc

_D = 512
_NTOK = 4 * 8192

_NW = 32
_TOK_W = _NTOK // _NW
_CHUNK = 256
_GRP = 16


def _sc_body(x_hbm, o_hbm, buf0, buf1, sem):
    wid = lax.axis_index("s") * 2 + lax.axis_index("c")
    base = wid * _TOK_W
    lanes = lax.iota(jnp.int32, 16)

    right_dma = None
    for c in range(_TOK_W // _CHUNK):
        row0 = base + c * _CHUNK
        rows_hbm = pl.ds(row0, _CHUNK)
        chunk = buf0 if c % 2 == 0 else buf1

        if right_dma is not None:
            right_dma.wait()
        right_dma = pltpu.async_copy(
            x_hbm.at[rows_hbm, pl.ds(128, 384)],
            o_hbm.at[rows_hbm, pl.ds(128, 384)], sem)

        pltpu.sync_copy(x_hbm.at[rows_hbm, pl.ds(0, 128)], chunk)

        def group(g, carry, chunk=chunk):
            rows = g * _GRP + lanes

            def gat(col):
                idx = jnp.full((16,), col, jnp.int32)
                return plsc.load_gather(chunk, [rows, idx])

            mark = gat(0) > 0.5
            shl = gat(1) > 0.5
            shr = jnp.logical_and(jnp.logical_not(shl), gat(2) > 0.5)
            active = jnp.logical_and(mark, jnp.logical_or(shl, shr))

            def first_set(base_col):
                acc = jnp.full((16,), 16, jnp.int32)
                for k in range(16):
                    hit = gat(base_col + k) > 0.5
                    acc = jnp.minimum(acc, jnp.where(hit, k, 16))
                return jnp.where(acc == 16, 0, acc)

            lo = first_set(16)
            hi = first_set(32)
            sa = first_set(48)

            value = lo + 16 * hi
            shl_res = jnp.bitwise_and(jnp.left_shift(value, sa), 255)
            shr_res = jnp.right_shift(value, sa)
            res = jnp.where(shl, shl_res, shr_res)
            res_lo = 96 + jnp.bitwise_and(res, 15)
            res_hi = 112 + jnp.right_shift(res, 4)

            two = jnp.full((16,), 2.0, jnp.float32)
            plsc.addupdate_scatter(chunk, [rows, res_lo], two, mask=active)
            plsc.addupdate_scatter(chunk, [rows, res_hi], two, mask=active)
            return carry

        lax.fori_loop(0, _CHUNK // _GRP, group, 0)
        pltpu.sync_copy(chunk, o_hbm.at[rows_hbm, pl.ds(0, 128)])
    right_dma.wait()


_sc_kernel = pl.kernel(
    _sc_body,
    out_type=jax.ShapeDtypeStruct((_NTOK, _D), jnp.float32),
    mesh=plsc.VectorSubcoreMesh(core_axis_name="c", subcore_axis_name="s"),
    scratch_types=[pltpu.VMEM((_CHUNK, 128), jnp.float32),
                   pltpu.VMEM((_CHUNK, 128), jnp.float32),
                   pltpu.SemaphoreType.DMA],
    compiler_params=pltpu.CompilerParams(needs_layout_passes=False),
)


def kernel(x_bd):
    b, s, d = x_bd.shape
    n = b * s
    out = _sc_kernel(x_bd.reshape(n, d))
    return out.reshape(b, s, d)

# --- scband reference (transcript-rebuilt; emitter-appended) ---
"""Pipeline reference for scband-efficient-shift-ffn-7945689497928 (READ-ONLY COPY).

The authoritative reference and input builder live on the scoring server;
editing this copy changes nothing except your own understanding.
"""

import jax, jax.numpy as jnp
import numpy as np

# BD-format field offsets (512-dim vector), matching init_kwargs BD dict
MARK_AX = 0
OP_SHL = 1
OP_SHR = 2
ALU_LO = 16      # 16-slot one-hot: low nibble of the ALU value
ALU_HI = 32      # 16-slot one-hot: high nibble of the ALU value
AX_CARRY_LO = 48 # 16-slot one-hot: shift amount
OPCODE_BASE = 64
OUTPUT_LO = 96   # 16-slot output bank (low result nibble)
OUTPUT_HI = 112  # 16-slot output bank (high result nibble)
D = 512


def setup_inputs(seed: int = 0) -> dict:
    key = jax.random.key(seed)
    # uniform [0,1): ~half of tokens have MARK_AX > 0.5, and of those ~75%
    # trigger either the SHL or SHR branch, exercising both expert paths.
    x_bd = jax.random.uniform(key, (4, 8192, D), dtype=jnp.float32)
    return {"x_bd": x_bd}


def reference(x_bd):
    # Routing conditions (the per-token if/elif in the torch loop, vectorized)
    mark = x_bd[..., MARK_AX] > 0.5
    is_shl = x_bd[..., OP_SHL] > 0.5                      # checked first
    is_shr = jnp.logical_and(jnp.logical_not(is_shl), x_bd[..., OP_SHR] > 0.5)  # elif
    active = jnp.logical_and(mark, jnp.logical_or(is_shl, is_shr))

    # bd_to_ge: decode one-hot fields. torch loop takes the FIRST k with
    # value > 0.5 (defaulting to 0 if none fire); argmax over the boolean
    # mask reproduces exactly that (first True wins, 0 if all False).
    lo = jnp.argmax(x_bd[..., ALU_LO:ALU_LO + 16] > 0.5, axis=-1).astype(jnp.int32)
    hi = jnp.argmax(x_bd[..., ALU_HI:ALU_HI + 16] > 0.5, axis=-1).astype(jnp.int32)
    sa = jnp.argmax(x_bd[..., AX_CARRY_LO:AX_CARRY_LO + 16] > 0.5, axis=-1).astype(jnp.int32)

    # GenericE SHIFT expert semantics: 8-bit value = lo + 16*hi, shifted by sa
    value = lo + 16 * hi  # 0..255
    shl_res = jnp.mod(jnp.left_shift(value, sa), 256)  # opcode 23: shift left (mod 2^8)
    shr_res = jnp.right_shift(value, sa)               # opcode 24: logical shift right
    res = jnp.where(is_shl, shl_res, shr_res)

    # ge_to_bd: round + clamp nibbles to [0,15] (integers here are already in range)
    res_lo = jnp.clip(jnp.mod(res, 16), 0, 15)
    res_hi = jnp.clip(res // 16, 0, 15)

    # Scatter-add +2.0 into OUTPUT_LO+res_lo and OUTPUT_HI+res_hi for active tokens
    add_lo = jax.nn.one_hot(OUTPUT_LO + res_lo, D, dtype=x_bd.dtype) * 2.0
    add_hi = jax.nn.one_hot(OUTPUT_HI + res_hi, D, dtype=x_bd.dtype) * 2.0
    out = x_bd + jnp.where(active[..., None], add_lo + add_hi, jnp.zeros_like(x_bd))
    return out

if __name__ == "__main__":
    import jax
    _d = setup_inputs()
    print(jax.jit(kernel)(*tuple(_d.values())))

</pallas_src>

<mosaic_0001>
#map = affine_map<(d0, d1) -> (0, 0)>
module attributes {stable_mosaic.version = 14 : i64} {
  func.func @_sc_body(%arg0: i32, %arg1: i32, %arg2: memref<32768x512xf32, #tpu.memory_space<hbm>>, %arg3: memref<32768x512xf32, #tpu.memory_space<hbm>>, %arg4: memref<256x128xf32, #tpu.memory_space<vmem>>, %arg5: memref<256x128xf32, #tpu.memory_space<vmem>>, %arg6: memref<!tpu.dma_semaphore, #tpu.memory_space<semaphore_mem>>) attributes {dimension_semantics = [#tpu.dimension_semantics<core_parallel>, #tpu.dimension_semantics<subcore_parallel>], iteration_bounds = array<i64: 2, 16>, scalar_prefetch = 0 : i64, scratch_operands = 3 : i64, tpu.core_type = #tpu.core_type<sc_vector_subcore>, window_params = [{transform_indices = #map}, {transform_indices = #map}]} {
    %mul3A = arith.constant 2 : i32
    %mul3A_0 = arith.muli %arg1, %mul3A : i32
    %add3A = arith.addi %mul3A_0, %arg0 : i32
    %mul3A_1 = arith.constant 1024 : i32
    %mul3A_2 = arith.muli %add3A, %mul3A_1 : i32
    %iota3A = tpu.iota {dimensions = array<i32: 0>} : vector<16xi32>
    %add3A_3 = arith.constant 0 : i32
    %add3A_4 = arith.addi %mul3A_2, %add3A_3 : i32
    %dma_start3A = arith.constant 128 : i32
    %dma_start3A_5 = tpu.memref_slice %arg3[%add3A_4, %dma_start3A] : memref<32768x512xf32, #tpu.memory_space<hbm>> -> memref<256x384xf32, #tpu.memory_space<hbm>>
    %dma_start3A_6 = arith.constant 128 : i32
    %dma_start3A_7 = tpu.memref_slice %arg2[%add3A_4, %dma_start3A_6] : memref<32768x512xf32, #tpu.memory_space<hbm>> -> memref<256x384xf32, #tpu.memory_space<hbm>>
    tpu.enqueue_dma source(%dma_start3A_7 : memref<256x384xf32, #tpu.memory_space<hbm>>) target(%dma_start3A_5 : memref<256x384xf32, #tpu.memory_space<hbm>>) target_semaphore(%arg6 : memref<!tpu.dma_semaphore, #tpu.memory_space<semaphore_mem>>)
    "tpu.region"() ({
      %run_scoped3A = tpu.sem_alloc : memref<!tpu.dma_semaphore, #tpu.memory_space<semaphore_mem>>
      %dma_start3A_64 = arith.constant 0 : i32
      %dma_start3A_65 = tpu.memref_slice %arg2[%add3A_4, %dma_start3A_64] : memref<32768x512xf32, #tpu.memory_space<hbm>> -> memref<256x128xf32, #tpu.memory_space<hbm>>
      %dma_start3A_66 = arith.constant 0 : i32
      %dma_start3A_67 = tpu.memref_slice %arg2[%add3A_4, %dma_start3A_66] : memref<32768x512xf32, #tpu.memory_space<hbm>> -> memref<256x128xf32, #tpu.memory_space<hbm>>
      tpu.enqueue_dma source(%dma_start3A_67 : memref<256x128xf32, #tpu.memory_space<hbm>>) target(%arg4 : memref<256x128xf32, #tpu.memory_space<vmem>>) target_semaphore(%run_scoped3A : memref<!tpu.dma_semaphore, #tpu.memory_space<semaphore_mem>>)
      %dma_wait3A_68 = arith.constant 0 : i32
      %dma_wait3A_69 = tpu.memref_slice %arg2[%add3A_4, %dma_wait3A_68] : memref<32768x512xf32, #tpu.memory_space<hbm>> -> memref<256x128xf32, #tpu.memory_space<hbm>>
      %dma_wait3A_70 = arith.constant 0 : i32
      %dma_wait3A_71 = tpu.memref_slice %arg2[%add3A_4, %dma_wait3A_70] : memref<32768x512xf32, #tpu.memory_space<hbm>> -> memref<256x128xf32, #tpu.memory_space<hbm>>
      tpu.wait_dma2 semaphore(%run_scoped3A : memref<!tpu.dma_semaphore, #tpu.memory_space<semaphore_mem>>) src(%dma_wait3A_71 : memref<256x128xf32, #tpu.memory_space<hbm>>) dst(%arg4 : memref<256x128xf32, #tpu.memory_space<vmem>>)
      tpu.yield
    }) : () -> ()
    %scan3A = arith.constant 0 : i32
    %scan3A_8 = arith.constant 0 : i32
    %scan3A_9 = arith.constant 16 : i32
    %scan3A_10 = arith.addi %scan3A_8, %scan3A_9 : i32
    %scan3A_11 = arith.constant 1 : i32
    scf.for %scan3A_64 = %scan3A_8 to %scan3A_10 step %scan3A_11  : i32 {
      %mul3A_65 = arith.constant 16 : i32
      %mul3A_66 = arith.muli %scan3A_64, %mul3A_65 : i32
      %add3A_67 = vector.broadcast %mul3A_66 : i32 to vector<16xi32>
      %add3A_68 = arith.addi %add3A_67, %iota3A : vector<16xi32>
      %broadcast_in_dim3A = arith.constant 0 : i32
      %broadcast_in_dim3A_69 = vector.broadcast %broadcast_in_dim3A : i32 to vector<16xi32>
      %gather3A = tpu.vector_load_idx %arg4[%add3A_68, %broadcast_in_dim3A_69] : memref<256x128xf32, #tpu.memory_space<vmem>>[vector<16xi32>, vector<16xi32>], vector<16xf32>,
      %gt3A = arith.constant 5.000000e-01 : f32
      %gt3A_70 = vector.broadcast %gt3A : f32 to vector<16xf32>
      %gt3A_71 = arith.cmpf ogt, %gather3A, %gt3A_70 : vector<16xf32>
      %broadcast_in_dim3A_72 = arith.constant 1 : i32
      %broadcast_in_dim3A_73 = vector.broadcast %broadcast_in_dim3A_72 : i32 to vector<16xi32>
      %gather3A_74 = tpu.vector_load_idx %arg4[%add3A_68, %broadcast_in_dim3A_73] : memref<256x128xf32, #tpu.memory_space<vmem>>[vector<16xi32>, vector<16xi32>], vector<16xf32>,
      %gt3A_75 = arith.constant 5.000000e-01 : f32
      %gt3A_76 = vector.broadcast %gt3A_75 : f32 to vector<16xf32>
      %gt3A_77 = arith.cmpf ogt, %gather3A_74, %gt3A_76 : vector<16xf32>
      %not3A = arith.constant dense<true> : vector<16xi1>
      %not3A_78 = arith.xori %gt3A_77, %not3A : vector<16xi1>
      %broadcast_in_dim3A_79 = arith.constant 2 : i32
      %broadcast_in_dim3A_80 = vector.broadcast %broadcast_in_dim3A_79 : i32 to vector<16xi32>
      %gather3A_81 = tpu.vector_load_idx %arg4[%add3A_68, %broadcast_in_dim3A_80] : memref<256x128xf32, #tpu.memory_space<vmem>>[vector<16xi32>, vector<16xi32>], vector<16xf32>,
      %gt3A_82 = arith.constant 5.000000e-01 : f32
      %gt3A_83 = vector.broadcast %gt3A_82 : f32 to vector<16xf32>
      %gt3A_84 = arith.cmpf ogt, %gather3A_81, %gt3A_83 : vector<16xf32>
      %and3A = arith.andi %not3A_78, %gt3A_84 : vector<16xi1>
      %or3A = arith.ori %gt3A_77, %and3A : vector<16xi1>
      %and3A_85 = arith.andi %gt3A_71, %or3A : vector<16xi1>
      %broadcast_in_dim3A_86 = arith.constant 16 : i32
      %broadcast_in_dim3A_87 = vector.broadcast %broadcast_in_dim3A_86 : i32 to vector<16xi32>
      %broadcast_in_dim3A_88 = arith.constant 16 : i32
      %broadcast_in_dim3A_89 = vector.broadcast %broadcast_in_dim3A_88 : i32 to vector<16xi32>
      %gather3A_90 = tpu.vector_load_idx %arg4[%add3A_68, %broadcast_in_dim3A_89] : memref<256x128xf32, #tpu.memory_space<vmem>>[vector<16xi32>, vector<16xi32>], vector<16xf32>,
      %gt3A_91 = arith.constant 5.000000e-01 : f32
      %gt3A_92 = vector.broadcast %gt3A_91 : f32 to vector<16xf32>
      %gt3A_93 = arith.cmpf ogt, %gather3A_90, %gt3A_92 : vector<16xf32>
      %jit3A = arith.constant 0 : i32
      %jit3A_94 = arith.constant 16 : i32
      %broadcast_in_dim3A_95 = vector.broadcast %jit3A : i32 to vector<16xi32>
      %broadcast_in_dim3A_96 = vector.broadcast %jit3A_94 : i32 to vector<16xi32>
      %select_n3A = arith.select %gt3A_93, %broadcast_in_dim3A_95, %broadcast_in_dim3A_96 : vector<16xi1>, vector<16xi32>
      %min3A = arith.minsi %broadcast_in_dim3A_87, %select_n3A : vector<16xi32>
      %broadcast_in_dim3A_97 = arith.constant 17 : i32
      %broadcast_in_dim3A_98 = vector.broadcast %broadcast_in_dim3A_97 : i32 to vector<16xi32>
      %gather3A_99 = tpu.vector_load_idx %arg4[%add3A_68, %broadcast_in_dim3A_98] : memref<256x128xf32, #tpu.memory_space<vmem>>[vector<16xi32>, vector<16xi32>], vector<16xf32>,
      %gt3A_100 = arith.constant 5.000000e-01 : f32
      %gt3A_101 = vector.broadcast %gt3A_100 : f32 to vector<16xf32>
      %gt3A_102 = arith.cmpf ogt, %gather3A_99, %gt3A_101 : vector<16xf32>
      %jit3A_103 = arith.constant 1 : i32
      %jit3A_104 = arith.constant 16 : i32
      %broadcast_in_dim3A_105 = vector.broadcast %jit3A_103 : i32 to vector<16xi32>
      %broadcast_in_dim3A_106 = vector.broadcast %jit3A_104 : i32 to vector<16xi32>
      %select_n3A_107 = arith.select %gt3A_102, %broadcast_in_dim3A_105, %broadcast_in_dim3A_106 : vector<16xi1>, vector<16xi32>
      %min3A_108 = arith.minsi %min3A, %select_n3A_107 : vector<16xi32>
      %broadcast_in_dim3A_109 = arith.constant 18 : i32
      %broadcast_in_dim3A_110 = vector.broadcast %broadcast_in_dim3A_109 : i32 to vector<16xi32>
      %gather3A_111 = tpu.vector_load_idx %arg4[%add3A_68, %broadcast_in_dim3A_110] : memref<256x128xf32, #tpu.memory_space<vmem>>[vector<16xi32>, vector<16xi32>], vector<16xf32>,
      %gt3A_112 = arith.constant 5.000000e-01 : f32
      %gt3A_113 = vector.broadcast %gt3A_112 : f32 to vector<16xf32>
      %gt3A_114 = arith.cmpf ogt, %gather3A_111, %gt3A_113 : vector<16xf32>
      %jit3A_115 = arith.constant 2 : i32
      %jit3A_116 = arith.constant 16 : i32
      %broadcast_in_dim3A_117 = vector.broadcast %jit3A_115 : i32 to vector<16xi32>
      %broadcast_in_dim3A_118 = vector.broadcast %jit3A_116 : i32 to vector<16xi32>
      %select_n3A_119 = arith.select %gt3A_114, %broadcast_in_dim3A_117, %broadcast_in_dim3A_118 : vector<16xi1>, vector<16xi32>
      %min3A_120 = arith.minsi %min3A_108, %select_n3A_119 : vector<16xi32>
      %broadcast_in_dim3A_121 = arith.constant 19 : i32
      %broadcast_in_dim3A_122 = vector.broadcast %broadcast_in_dim3A_121 : i32 to vector<16xi32>
      %gather3A_123 = tpu.vector_load_idx %arg4[%add3A_68, %broadcast_in_dim3A_122] : memref<256x128xf32, #tpu.memory_space<vmem>>[vector<16xi32>, vector<16xi32>], vector<16xf32>,
      %gt3A_124 = arith.constant 5.000000e-01 : f32
      %gt3A_125 = vector.broadcast %gt3A_124 : f32 to vector<16xf32>
      %gt3A_126 = arith.cmpf ogt, %gather3A_123, %gt3A_125 : vector<16xf32>
      %jit3A_127 = arith.constant 3 : i32
      %jit3A_128 = arith.constant 16 : i32
      %broadcast_in_dim3A_129 = vector.broadcast %jit3A_127 : i32 to vector<16xi32>
      %broadcast_in_dim3A_130 = vector.broadcast %jit3A_128 : i32 to vector<16xi32>
      %select_n3A_131 = arith.select %gt3A_126, %broadcast_in_dim3A_129, %broadcast_in_dim3A_130 : vector<16xi1>, vector<16xi32>
      %min3A_132 = arith.minsi %min3A_120, %select_n3A_131 : vector<16xi32>
      %broadcast_in_dim3A_133 = arith.constant 20 : i32
      %broadcast_in_dim3A_134 = vector.broadcast %broadcast_in_dim3A_133 : i32 to vector<16xi32>
      %gather3A_135 = tpu.vector_load_idx %arg4[%add3A_68, %broadcast_in_dim3A_134] : memref<256x128xf32, #tpu.memory_space<vmem>>[vector<16xi32>, vector<16xi32>], vector<16xf32>,
      %gt3A_136 = arith.constant 5.000000e-01 : f32
      %gt3A_137 = vector.broadcast %gt3A_136 : f32 to vector<16xf32>
      %gt3A_138 = arith.cmpf ogt, %gather3A_135, %gt3A_137 : vector<16xf32>
      %jit3A_139 = arith.constant 4 : i32
      %jit3A_140 = arith.constant 16 : i32
      %broadcast_in_dim3A_141 = vector.broadcast %jit3A_139 : i32 to vector<16xi32>
      %broadcast_in_dim3A_142 = vector.broadcast %jit3A_140 : i32 to vector<16xi32>
      %select_n3A_143 = arith.select %gt3A_138, %broadcast_in_dim3A_141, %broadcast_in_dim3A_142 : vector<16xi1>, vector<16xi32>
      %min3A_144 = arith.minsi %min3A_132, %select_n3A_143 : vector<16xi32>
      %broadcast_in_dim3A_145 = arith.constant 21 : i32
      %broadcast_in_dim3A_146 = vector.broadcast %broadcast_in_dim3A_145 : i32 to vector<16xi32>
      %gather3A_147 = tpu.vector_load_idx %arg4[%add3A_68, %broadcast_in_dim3A_146] : memref<256x128xf32, #tpu.memory_space<vmem>>[vector<16xi32>, vector<16xi32>], vector<16xf32>,
      %gt3A_148 = arith.constant 5.000000e-01 : f32
      %gt3A_149 = vector.broadcast %gt3A_148 : f32 to vector<16xf32>
      %gt3A_150 = arith.cmpf ogt, %gather3A_147, %gt3A_149 : vector<16xf32>
      %jit3A_151 = arith.constant 5 : i32
      %jit3A_152 = arith.constant 16 : i32
      %broadcast_in_dim3A_153 = vector.broadcast %jit3A_151 : i32 to vector<16xi32>
      %broadcast_in_dim3A_154 = vector.broadcast %jit3A_152 : i32 to vector<16xi32>
      %select_n3A_155 = arith.select %gt3A_150, %broadcast_in_dim3A_153, %broadcast_in_dim3A_154 : vector<16xi1>, vector<16xi32>
      %min3A_156 = arith.minsi %min3A_144, %select_n3A_155 : vector<16xi32>
      %broadcast_in_dim3A_157 = arith.constant 22 : i32
      %broadcast_in_dim3A_158 = vector.broadcast %broadcast_in_dim3A_157 : i32 to vector<16xi32>
      %gather3A_159 = tpu.vector_load_idx %arg4[%add3A_68, %broadcast_in_dim3A_158] : memref<256x128xf32, #tpu.memory_space<vmem>>[vector<16xi32>, vector<16xi32>], vector<16xf32>,
      %gt3A_160 = arith.constant 5.000000e-01 : f32
      %gt3A_161 = vector.broadcast %gt3A_160 : f32 to vector<16xf32>
      %gt3A_162 = arith.cmpf ogt, %gather3A_159, %gt3A_161 : vector<16xf32>
      %jit3A_163 = arith.constant 6 : i32
      %jit3A_164 = arith.constant 16 : i32
      %broadcast_in_dim3A_165 = vector.broadcast %jit3A_163 : i32 to vector<16xi32>
      %broadcast_in_dim3A_166 = vector.broadcast %jit3A_164 : i32 to vector<16xi32>
      %select_n3A_167 = arith.select %gt3A_162, %broadcast_in_dim3A_165, %broadcast_in_dim3A_166 : vector<16xi1>, vector<16xi32>
      %min3A_168 = arith.minsi %min3A_156, %select_n3A_167 : vector<16xi32>
      %broadcast_in_dim3A_169 = arith.constant 23 : i32
      %broadcast_in_dim3A_170 = vector.broadcast %broadcast_in_dim3A_169 : i32 to vector<16xi32>
      %gather3A_171 = tpu.vector_load_idx %arg4[%add3A_68, %broadcast_in_dim3A_170] : memref<256x128xf32, #tpu.memory_space<vmem>>[vector<16xi32>, vector<16xi32>], vector<16xf32>,
      %gt3A_172 = arith.constant 5.000000e-01 : f32
      %gt3A_173 = vector.broadcast %gt3A_172 : f32 to vector<16xf32>
      %gt3A_174 = arith.cmpf ogt, %gather3A_171, %gt3A_173 : vector<16xf32>
      %jit3A_175 = arith.constant 7 : i32
      %jit3A_176 = arith.constant 16 : i32
      %broadcast_in_dim3A_177 = vector.broadcast %jit3A_175 : i32 to vector<16xi32>
      %broadcast_in_dim3A_178 = vector.broadcast %jit3A_176 : i32 to vector<16xi32>
      %select_n3A_179 = arith.select %gt3A_174, %broadcast_in_dim3A_177, %broadcast_in_dim3A_178 : vector<16xi1>, vector<16xi32>
      %min3A_180 = arith.minsi %min3A_168, %select_n3A_179 : vector<16xi32>
      %broadcast_in_dim3A_181 = arith.constant 24 : i32
      %broadcast_in_dim3A_182 = vector.broadcast %broadcast_in_dim3A_181 : i32 to vector<16xi32>
      %gather3A_183 = tpu.vector_load_idx %arg4[%add3A_68, %broadcast_in_dim3A_182] : memref<256x128xf32, #tpu.memory_space<vmem>>[vector<16xi32>, vector<16xi32>], vector<16xf32>,
      %gt3A_184 = arith.constant 5.000000e-01 : f32
      %gt3A_185 = vector.broadcast %gt3A_184 : f32 to vector<16xf32>
      %gt3A_186 = arith.cmpf ogt, %gather3A_183, %gt3A_185 : vector<16xf32>
      %jit3A_187 = arith.constant 8 : i32
      %jit3A_188 = arith.constant 16 : i32
      %broadcast_in_dim3A_189 = vector.broadcast %jit3A_187 : i32 to vector<16xi32>
      %broadcast_in_dim3A_190 = vector.broadcast %jit3A_188 : i32 to vector<16xi32>
      %select_n3A_191 = arith.select %gt3A_186, %broadcast_in_dim3A_189, %broadcast_in_dim3A_190 : vector<16xi1>, vector<16xi32>
      %min3A_192 = arith.minsi %min3A_180, %select_n3A_191 : vector<16xi32>
      %broadcast_in_dim3A_193 = arith.constant 25 : i32
      %broadcast_in_dim3A_194 = vector.broadcast %broadcast_in_dim3A_193 : i32 to vector<16xi32>
      %gather3A_195 = tpu.vector_load_idx %arg4[%add3A_68, %broadcast_in_dim3A_194] : memref<256x128xf32, #tpu.memory_space<vmem>>[vector<16xi32>, vector<16xi32>], vector<16xf32>,
      %gt3A_196 = arith.constant 5.000000e-01 : f32
      %gt3A_197 = vector.broadcast %gt3A_196 : f32 to vector<16xf32>
      %gt3A_198 = arith.cmpf ogt, %gather3A_195, %gt3A_197 : vector<16xf32>
      %jit3A_199 = arith.constant 9 : i32
      %jit3A_200 = arith.constant 16 : i32
      %broadcast_in_dim3A_201 = vector.broadcast %jit3A_199 : i32 to vector<16xi32>
      %broadcast_in_dim3A_202 = vector.broadcast %jit3A_200 : i32 to vector<16xi32>
      %select_n3A_203 = arith.select %gt3A_198, %broadcast_in_dim3A_201, %broadcast_in_dim3A_202 : vector<16xi1>, vector<16xi32>
      %min3A_204 = arith.minsi %min3A_192, %select_n3A_203 : vector<16xi32>
      %broadcast_in_dim3A_205 = arith.constant 26 : i32
      %broadcast_in_dim3A_206 = vector.broadcast %broadcast_in_dim3A_205 : i32 to vector<16xi32>
      %gather3A_207 = tpu.vector_load_idx %arg4[%add3A_68, %broadcast_in_dim3A_206] : memref<256x128xf32, #tpu.memory_space<vmem>>[vector<16xi32>, vector<16xi32>], vector<16xf32>,
      %gt3A_208 = arith.constant 5.000000e-01 : f32
      %gt3A_209 = vector.broadcast %gt3A_208 : f32 to vector<16xf32>
      %gt3A_210 = arith.cmpf ogt, %gather3A_207, %gt3A_209 : vector<16xf32>
      %jit3A_211 = arith.constant 10 : i32
      %jit3A_212 = arith.constant 16 : i32
      %broadcast_in_dim3A_213 = vector.broadcast %jit3A_211 : i32 to vector<16xi32>
      %broadcast_in_dim3A_214 = vector.broadcast %jit3A_212 : i32 to vector<16xi32>
      %select_n3A_215 = arith.select %gt3A_210, %broadcast_in_dim3A_213, %broadcast_in_dim3A_214 : vector<16xi1>, vector<16xi32>
      %min3A_216 = arith.minsi %min3A_204, %select_n3A_215 : vector<16xi32>
      %broadcast_in_dim3A_217 = arith.constant 27 : i32
      %broadcast_in_dim3A_218 = vector.broadcast %broadcast_in_dim3A_217 : i32 to vector<16xi32>
      %gather3A_219 = tpu.vector_load_idx %arg4[%add3A_68, %broadcast_in_dim3A_218] : memref<256x128xf32, #tpu.memory_space<vmem>>[vector<16xi32>, vector<16xi32>], vector<16xf32>,
      %gt3A_220 = arith.constant 5.000000e-01 : f32
      %gt3A_221 = vector.broadcast %gt3A_220 : f32 to vector<16xf32>
      %gt3A_222 = arith.cmpf ogt, %gather3A_219, %gt3A_221 : vector<16xf32>
      %jit3A_223 = arith.constant 11 : i32
      %jit3A_224 = arith.constant 16 : i32
      %broadcast_in_dim3A_225 = vector.broadcast %jit3A_223 : i32 to vector<16xi32>
      %broadcast_in_dim3A_226 = vector.broadcast %jit3A_224 : i32 to vector<16xi32>
      %select_n3A_227 = arith.select %gt3A_222, %broadcast_in_dim3A_225, %broadcast_in_dim3A_226 : vector<16xi1>, vector<16xi32>
      %min3A_228 = arith.minsi %min3A_216, %select_n3A_227 : vector<16xi32>
      %broadcast_in_dim3A_229 = arith.constant 28 : i32
      %broadcast_in_dim3A_230 = vector.broadcast %broadcast_in_dim3A_229 : i32 to vector<16xi32>
      %gather3A_231 = tpu.vector_load_idx %arg4[%add3A_68, %broadcast_in_dim3A_230] : memref<256x128xf32, #tpu.memory_space<vmem>>[vector<16xi32>, vector<16xi32>], vector<16xf32>,
      %gt3A_232 = arith.constant 5.000000e-01 : f32
      %gt3A_233 = vector.broadcast %gt3A_232 : f32 to vector<16xf32>
      %gt3A_234 = arith.cmpf ogt, %gather3A_231, %gt3A_233 : vector<16xf32>
      %jit3A_235 = arith.constant 12 : i32
      %jit3A_236 = arith.constant 16 : i32
      %broadcast_in_dim3A_237 = vector.broadcast %jit3A_235 : i32 to vector<16xi32>
      %broadcast_in_dim3A_238 = vector.broadcast %jit3A_236 : i32 to vector<16xi32>
      %select_n3A_239 = arith.select %gt3A_234, %broadcast_in_dim3A_237, %broadcast_in_dim3A_238 : vector<16xi1>, vector<16xi32>
      %min3A_240 = arith.minsi %min3A_228, %select_n3A_239 : vector<16xi32>
      %broadcast_in_dim3A_241 = arith.constant 29 : i32
      %broadcast_in_dim3A_242 = vector.broadcast %broadcast_in_dim3A_241 : i32 to vector<16xi32>
      %gather3A_243 = tpu.vector_load_idx %arg4[%add3A_68, %broadcast_in_dim3A_242] : memref<256x128xf32, #tpu.memory_space<vmem>>[vector<16xi32>, vector<16xi32>], vector<16xf32>,
      %gt3A_244 = arith.constant 5.000000e-01 : f32
      %gt3A_245 = vector.broadcast %gt3A_244 : f32 to vector<16xf32>
      %gt3A_246 = arith.cmpf ogt, %gather3A_243, %gt3A_245 : vector<16xf32>
      %jit3A_247 = arith.constant 13 : i32
      %jit3A_248 = arith.constant 16 : i32
      %broadcast_in_dim3A_249 = vector.broadcast %jit3A_247 : i32 to vector<16xi32>
      %broadcast_in_dim3A_250 = vector.broadcast %jit3A_248 : i32 to vector<16xi32>
      %select_n3A_251 = arith.select %gt3A_246, %broadcast_in_dim3A_249, %broadcast_in_dim3A_250 : vector<16xi1>, vector<16xi32>
      %min3A_252 = arith.minsi %min3A_240, %select_n3A_251 : vector<16xi32>
      %broadcast_in_dim3A_253 = arith.constant 30 : i32
      %broadcast_in_dim3A_254 = vector.broadcast %broadcast_in_dim3A_253 : i32 to vector<16xi32>
      %gather3A_255 = tpu.vector_load_idx %arg4[%add3A_68, %broadcast_in_dim3A_254] : memref<256x128xf32, #tpu.memory_space<vmem>>[vector<16xi32>, vector<16xi32>], vector<16xf32>,
      %gt3A_256 = arith.constant 5.000000e-01 : f32
      %gt3A_257 = vector.broadcast %gt3A_256 : f32 to vector<16xf32>
      %gt3A_258 = arith.cmpf ogt, %gather3A_255, %gt3A_257 : vector<16xf32>
      %jit3A_259 = arith.constant 14 : i32
      %jit3A_260 = arith.constant 16 : i32
      %broadcast_in_dim3A_261 = vector.broadcast %jit3A_259 : i32 to vector<16xi32>
      %broadcast_in_dim3A_262 = vector.broadcast %jit3A_260 : i32 to vector<16xi32>
      %select_n3A_263 = arith.select %gt3A_258, %broadcast_in_dim3A_261, %broadcast_in_dim3A_262 : vector<16xi1>, vector<16xi32>
      %min3A_264 = arith.minsi %min3A_252, %select_n3A_263 : vector<16xi32>
      %broadcast_in_dim3A_265 = arith.constant 31 : i32
      %broadcast_in_dim3A_266 = vector.broadcast %broadcast_in_dim3A_265 : i32 to vector<16xi32>
      %gather3A_267 = tpu.vector_load_idx %arg4[%add3A_68, %broadcast_in_dim3A_266] : memref<256x128xf32, #tpu.memory_space<vmem>>[vector<16xi32>, vector<16xi32>], vector<16xf32>,
      %gt3A_268 = arith.constant 5.000000e-01 : f32
      %gt3A_269 = vector.broadcast %gt3A_268 : f32 to vector<16xf32>
      %gt3A_270 = arith.cmpf ogt, %gather3A_267, %gt3A_269 : vector<16xf32>
      %jit3A_271 = arith.constant 15 : i32
      %jit3A_272 = arith.constant 16 : i32
      %broadcast_in_dim3A_273 = vector.broadcast %jit3A_271 : i32 to vector<16xi32>
      %broadcast_in_dim3A_274 = vector.broadcast %jit3A_272 : i32 to vector<16xi32>
      %select_n3A_275 = arith.select %gt3A_270, %broadcast_in_dim3A_273, %broadcast_in_dim3A_274 : vector<16xi1>, vector<16xi32>
      %min3A_276 = arith.minsi %min3A_264, %select_n3A_275 : vector<16xi32>
      %eq3A = arith.constant 16 : i32
      %eq3A_277 = vector.broadcast %eq3A : i32 to vector<16xi32>
      %eq3A_278 = arith.cmpi eq, %min3A_276, %eq3A_277 : vector<16xi32>
      %jit3A_279 = arith.constant 0 : i32
      %broadcast_in_dim3A_280 = vector.broadcast %jit3A_279 : i32 to vector<16xi32>
      %select_n3A_281 = arith.select %eq3A_278, %broadcast_in_dim3A_280, %min3A_276 : vector<16xi1>, vector<16xi32>
      %broadcast_in_dim3A_282 = arith.constant 16 : i32
      %broadcast_in_dim3A_283 = vector.broadcast %broadcast_in_dim3A_282 : i32 to vector<16xi32>
      %broadcast_in_dim3A_284 = arith.constant 32 : i32
      %broadcast_in_dim3A_285 = vector.broadcast %broadcast_in_dim3A_284 : i32 to vector<16xi32>
      %gather3A_286 = tpu.vector_load_idx %arg4[%add3A_68, %broadcast_in_dim3A_285] : memref<256x128xf32, #tpu.memory_space<vmem>>[vector<16xi32>, vector<16xi32>], vector<16xf32>,
      %gt3A_287 = arith.constant 5.000000e-01 : f32
      %gt3A_288 = vector.broadcast %gt3A_287 : f32 to vector<16xf32>
      %gt3A_289 = arith.cmpf ogt, %gather3A_286, %gt3A_288 : vector<16xf32>
      %jit3A_290 = arith.constant 0 : i32
      %jit3A_291 = arith.constant 16 : i32
      %broadcast_in_dim3A_292 = vector.broadcast %jit3A_290 : i32 to vector<16xi32>
      %broadcast_in_dim3A_293 = vector.broadcast %jit3A_291 : i32 to vector<16xi32>
      %select_n3A_294 = arith.select %gt3A_289, %broadcast_in_dim3A_292, %broadcast_in_dim3A_293 : vector<16xi1>, vector<16xi32>
      %min3A_295 = arith.minsi %broadcast_in_dim3A_283, %select_n3A_294 : vector<16xi32>
      %broadcast_in_dim3A_296 = arith.constant 33 : i32
      %broadcast_in_dim3A_297 = vector.broadcast %broadcast_in_dim3A_296 : i32 to vector<16xi32>
      %gather3A_298 = tpu.vector_load_idx %arg4[%add3A_68, %broadcast_in_dim3A_297] : memref<256x128xf32, #tpu.memory_space<vmem>>[vector<16xi32>, vector<16xi32>], vector<16xf32>,
      %gt3A_299 = arith.constant 5.000000e-01 : f32
      %gt3A_300 = vector.broadcast %gt3A_299 : f32 to vector<16xf32>
      %gt3A_301 = arith.cmpf ogt, %gather3A_298, %gt3A_300 : vector<16xf32>
      %jit3A_302 = arith.constant 1 : i32
      %jit3A_303 = arith.constant 16 : i32
      %broadcast_in_dim3A_304 = vector.broadcast %jit3A_302 : i32 to vector<16xi32>
      %broadcast_in_dim3A_305 = vector.broadcast %jit3A_303 : i32 to vector<16xi32>
      %select_n3A_306 = arith.select %gt3A_301, %broadcast_in_dim3A_304, %broadcast_in_dim3A_305 : vector<16xi1>, vector<16xi32>
      %min3A_307 = arith.minsi %min3A_295, %select_n3A_306 : vector<16xi32>
      %broadcast_in_dim3A_308 = arith.constant 34 : i32
      %broadcast_in_dim3A_309 = vector.broadcast %broadcast_in_dim3A_308 : i32 to vector<16xi32>
      %gather3A_310 = tpu.vector_load_idx %arg4[%add3A_68, %broadcast_in_dim3A_309] : memref<256x128xf32, #tpu.memory_space<vmem>>[vector<16xi32>, vector<16xi32>], vector<16xf32>,
      %gt3A_311 = arith.constant 5.000000e-01 : f32
      %gt3A_312 = vector.broadcast %gt3A_311 : f32 to vector<16xf32>
      %gt3A_313 = arith.cmpf ogt, %gather3A_310, %gt3A_312 : vector<16xf32>
      %jit3A_314 = arith.constant 2 : i32
      %jit3A_315 = arith.constant 16 : i32
      %broadcast_in_dim3A_316 = vector.broadcast %jit3A_314 : i32 to vector<16xi32>
      %broadcast_in_dim3A_317 = vector.broadcast %jit3A_315 : i32 to vector<16xi32>
      %select_n3A_318 = arith.select %gt3A_313, %broadcast_in_dim3A_316, %broadcast_in_dim3A_317 : vector<16xi1>, vector<16xi32>
      %min3A_319 = arith.minsi %min3A_307, %select_n3A_318 : vector<16xi32>
      %broadcast_in_dim3A_320 = arith.constant 35 : i32
      %broadcast_in_dim3A_321 = vector.broadcast %broadcast_in_dim3A_320 : i32 to vector<16xi32>
      %gather3A_322 = tpu.vector_load_idx %arg4[%add3A_68, %broadcast_in_dim3A_321] : memref<256x128xf32, #tpu.memory_space<vmem>>[vector<16xi32>, vector<16xi32>], vector<16xf32>,
      %gt3A_323 = arith.constant 5.000000e-01 : f32
      %gt3A_324 = vector.broadcast %gt3A_323 : f32 to vector<16xf32>
      %gt3A_325 = arith.cmpf ogt, %gather3A_322, %gt3A_324 : vector<16xf32>
      %jit3A_326 = arith.constant 3 : i32
      %jit3A_327 = arith.constant 16 : i32
      %broadcast_in_dim3A_328 = vector.broadcast %jit3A_326 : i32 to vector<16xi32>
      %broadcast_in_dim3A_329 = vector.broadcast %jit3A_327 : i32 to vector<16xi32>
      %select_n3A_330 = arith.select %gt3A_325, %broadcast_in_dim3A_328, %broadcast_in_dim3A_329 : vector<16xi1>, vector<16xi32>
      %min3A_331 = arith.minsi %min3A_319, %select_n3A_330 : vector<16xi32>
      %broadcast_in_dim3A_332 = arith.constant 36 : i32
      %broadcast_in_dim3A_333 = vector.broadcast %broadcast_in_dim3A_332 : i32 to vector<16xi32>
      %gather3A_334 = tpu.vector_load_idx %arg4[%add3A_68, %broadcast_in_dim3A_333] : memref<256x128xf32, #tpu.memory_space<vmem>>[vector<16xi32>, vector<16xi32>], vector<16xf32>,
      %gt3A_335 = arith.constant 5.000000e-01 : f32
      %gt3A_336 = vector.broadcast %gt3A_335 : f32 to vector<16xf32>
      %gt3A_337 = arith.cmpf ogt, %gather3A_334, %gt3A_336 : vector<16xf32>
      %jit3A_338 = arith.constant 4 : i32
      %jit3A_339 = arith.constant 16 : i32
      %broadcast_in_dim3A_340 = vector.broadcast %jit3A_338 : i32 to vector<16xi32>
      %broadcast_in_dim3A_341 = vector.broadcast %jit3A_339 : i32 to vector<16xi32>
      %select_n3A_342 = arith.select %gt3A_337, %broadcast_in_dim3A_340, %broadcast_in_dim3A_341 : vector<16xi1>, vector<16xi32>
      %min3A_343 = arith.minsi %min3A_331, %select_n3A_342 : vector<16xi32>
      %broadcast_in_dim3A_344 = arith.constant 37 : i32
      %broadcast_in_dim3A_345 = vector.broadcast %broadcast_in_dim3A_344 : i32 to vector<16xi32>
      %gather3A_346 = tpu.vector_load_idx %arg4[%add3A_68, %broadcast_in_dim3A_345] : memref<256x128xf32, #tpu.memory_space<vmem>>[vector<16xi32>, vector<16xi32>], vector<16xf32>,
      %gt3A_347 = arith.constant 5.000000e-01 : f32
      %gt3A_348 = vector.broadcast %gt3A_347 : f32 to vector<16xf32>
      %gt3A_349 = arith.cmpf ogt, %gather3A_346, %gt3A_348 : vector<16xf32>
      %jit3A_350 = arith.constant 5 : i32
      %jit3A_351 = arith.constant 16 : i32
      %broadcast_in_dim3A_352 = vector.broadcast %jit3A_350 : i32 to vector<16xi32>
      %broadcast_in_dim3A_353 = vector.broadcast %jit3A_351 : i32 to vector<16xi32>
      %select_n3A_354 = arith.select %gt3A_349, %broadcast_in_dim3A_352, %broadcast_in_dim3A_353 : vector<16xi1>, vector<16xi32>
      %min3A_355 = arith.minsi %min3A_343, %select_n3A_354 : vector<16xi32>
      %broadcast_in_dim3A_356 = arith.constant 38 : i32
      %broadcast_in_dim3A_357 = vector.broadcast %broadcast_in_dim3A_356 : i32 to vector<16xi32>
      %gather3A_358 = tpu.vector_load_idx %arg4[%add3A_68, %broadcast_in_dim3A_357] : memref<256x128xf32, #tpu.memory_space<vmem>>[vector<16xi32>, vector<16xi32>], vector<16xf32>,
      %gt3A_359 = arith.constant 5.000000e-01 : f32
      %gt3A_360 = vector.broadcast %gt3A_359 : f32 to vector<16xf32>
      %gt3A_361 = arith.cmpf ogt, %gather3A_358, %gt3A_360 : vector<16xf32>
      %jit3A_362 = arith.constant 6 : i32
      %jit3A_363 = arith.constant 16 : i32
      %broadcast_in_dim3A_364 = vector.broadcast %jit3A_362 : i32 to vector<16xi32>
      %broadcast_in_dim3A_365 = vector.broadcast %jit3A_363 : i32 to vector<16xi32>
      %select_n3A_366 = arith.select %gt3A_361, %broadcast_in_dim3A_364, %broadcast_in_dim3A_365 : vector<16xi1>, vector<16xi32>
      %min3A_367 = arith.minsi %min3A_355, %select_n3A_366 : vector<16xi32>
      %broadcast_in_dim3A_368 = arith.constant 39 : i32
      %broadcast_in_dim3A_369 = vector.broadcast %broadcast_in_dim3A_368 : i32 to vector<16xi32>
      %gather3A_370 = tpu.vector_load_idx %arg4[%add3A_68, %broadcast_in_dim3A_369] : memref<256x128xf32, #tpu.memory_space<vmem>>[vector<16xi32>, vector<16xi32>], vector<16xf32>,
      %gt3A_371 = arith.constant 5.000000e-01 : f32
      %gt3A_372 = vector.broadcast %gt3A_371 : f32 to vector<16xf32>
      %gt3A_373 = arith.cmpf ogt, %gather3A_370, %gt3A_372 : vector<16xf32>
      %jit3A_374 = arith.constant 7 : i32
      %jit3A_375 = arith.constant 16 : i32
      %broadcast_in_dim3A_376 = vector.broadcast %jit3A_374 : i32 to vector<16xi32>
      %broadcast_in_dim3A_377 = vector.broadcast %jit3A_375 : i32 to vector<16xi32>
      %select_n3A_378 = arith.select %gt3A_373, %broadcast_in_dim3A_376, %broadcast_in_dim3A_377 : vector<16xi1>, vector<16xi32>
      %min3A_379 = arith.minsi %min3A_367, %select_n3A_378 : vector<16xi32>
      %broadcast_in_dim3A_380 = arith.constant 40 : i32
      %broadcast_in_dim3A_381 = vector.broadcast %broadcast_in_dim3A_380 : i32 to vector<16xi32>
      %gather3A_382 = tpu.vector_load_idx %arg4[%add3A_68, %broadcast_in_dim3A_381] : memref<256x128xf32, #tpu.memory_space<vmem>>[vector<16xi32>, vector<16xi32>], vector<16xf32>,
      %gt3A_383 = arith.constant 5.000000e-01 : f32
      %gt3A_384 = vector.broadcast %gt3A_383 : f32 to vector<16xf32>
      %gt3A_385 = arith.cmpf ogt, %gather3A_382, %gt3A_384 : vector<16xf32>
      %jit3A_386 = arith.constant 8 : i32
      %jit3A_387 = arith.constant 16 : i32
      %broadcast_in_dim3A_388 = vector.broadcast %jit3A_386 : i32 to vector<16xi32>
      %broadcast_in_dim3A_389 = vector.broadcast %jit3A_387 : i32 to vector<16xi32>
      %select_n3A_390 = arith.select %gt3A_385, %broadcast_in_dim3A_388, %broadcast_in_dim3A_389 : vector<16xi1>, vector<16xi32>
      %min3A_391 = arith.minsi %min3A_379, %select_n3A_390 : vector<16xi32>
      %broadcast_in_dim3A_392 = arith.constant 41 : i32
      %broadcast_in_dim3A_393 = vector.broadcast %broadcast_in_dim3A_392 : i32 to vector<16xi32>
      %gather3A_394 = tpu.vector_load_idx %arg4[%add3A_68, %broadcast_in_dim3A_393] : memref<256x128xf32, #tpu.memory_space<vmem>>[vector<16xi32>, vector<16xi32>], vector<16xf32>,
      %gt3A_395 = arith.constant 5.000000e-01 : f32
      %gt3A_396 = vector.broadcast %gt3A_395 : f32 to vector<16xf32>
      %gt3A_397 = arith.cmpf ogt, %gather3A_394, %gt3A_396 : vector<16xf32>
      %jit3A_398 = arith.constant 9 : i32
      %jit3A_399 = arith.constant 16 : i32
      %broadcast_in_dim3A_400 = vector.broadcast %jit3A_398 : i32 to vector<16xi32>
      %broadcast_in_dim3A_401 = vector.broadcast %jit3A_399 : i32 to vector<16xi32>
      %select_n3A_402 = arith.select %gt3A_397, %broadcast_in_dim3A_400, %broadcast_in_dim3A_401 : vector<16xi1>, vector<16xi32>
      %min3A_403 = arith.minsi %min3A_391, %select_n3A_402 : vector<16xi32>
      %broadcast_in_dim3A_404 = arith.constant 42 : i32
      %broadcast_in_dim3A_405 = vector.broadcast %broadcast_in_dim3A_404 : i32 to vector<16xi32>
      %gather3A_406 = tpu.vector_load_idx %arg4[%add3A_68, %broadcast_in_dim3A_405] : memref<256x128xf32, #tpu.memory_space<vmem>>[vector<16xi32>, vector<16xi32>], vector<16xf32>,
      %gt3A_407 = arith.constant 5.000000e-01 : f32
      %gt3A_408 = vector.broadcast %gt3A_407 : f32 to vector<16xf32>
      %gt3A_409 = arith.cmpf ogt, %gather3A_406, %gt3A_408 : vector<16xf32>
      %jit3A_410 = arith.constant 10 : i32
      %jit3A_411 = arith.constant 16 : i32
      %broadcast_in_dim3A_412 = vector.broadcast %jit3A_410 : i32 to vector<16xi32>
      %broadcast_in_dim3A_413 = vector.broadcast %jit3A_411 : i32 to vector<16xi32>
      %select_n3A_414 = arith.select %gt3A_409, %broadcast_in_dim3A_412, %broadcast_in_dim3A_413 : vector<16xi1>, vector<16xi32>
      %min3A_415 = arith.minsi %min3A_403, %select_n3A_414 : vector<16xi32>
      %broadcast_in_dim3A_416 = arith.constant 43 : i32
      %broadcast_in_dim3A_417 = vector.broadcast %broadcast_in_dim3A_416 : i32 to vector<16xi32>
      %gather3A_418 = tpu.vector_load_idx %arg4[%add3A_68, %broadcast_in_dim3A_417] : memref<256x128xf32, #tpu.memory_space<vmem>>[vector<16xi32>, vector<16xi32>], vector<16xf32>,
      %gt3A_419 = arith.constant 5.000000e-01 : f32
      %gt3A_420 = vector.broadcast %gt3A_419 : f32 to vector<16xf32>
      %gt3A_421 = arith.cmpf ogt, %gather3A_418, %gt3A_420 : vector<16xf32>
      %jit3A_422 = arith.constant 11 : i32
      %jit3A_423 = arith.constant 16 : i32
      %broadcast_in_dim3A_424 = vector.broadcast %jit3A_422 : i32 to vector<16xi32>
      %broadcast_in_dim3A_425 = vector.broadcast %jit3A_423 : i32 to vector<16xi32>
      %select_n3A_426 = arith.select %gt3A_421, %broadcast_in_dim3A_424, %broadcast_in_dim3A_425 : vector<16xi1>, vector<16xi32>
      %min3A_427 = arith.minsi %min3A_415, %select_n3A_426 : vector<16xi32>
      %broadcast_in_dim3A_428 = arith.constant 44 : i32
      %broadcast_in_dim3A_429 = vector.broadcast %broadcast_in_dim3A_428 : i32 to vector<16xi32>
      %gather3A_430 = tpu.vector_load_idx %arg4[%add3A_68, %broadcast_in_dim3A_429] : memref<256x128xf32, #tpu.memory_space<vmem>>[vector<16xi32>, vector<16xi32>], vector<16xf32>,
      %gt3A_431 = arith.constant 5.000000e-01 : f32
      %gt3A_432 = vector.broadcast %gt3A_431 : f32 to vector<16xf32>
      %gt3A_433 = arith.cmpf ogt, %gather3A_430, %gt3A_432 : vector<16xf32>
      %jit3A_434 = arith.constant 12 : i32
      %jit3A_435 = arith.constant 16 : i32
      %broadcast_in_dim3A_436 = vector.broadcast %jit3A_434 : i32 to vector<16xi32>
      %broadcast_in_dim3A_437 = vector.broadcast %jit3A_435 : i32 to vector<16xi32>
      %select_n3A_438 = arith.select %gt3A_433, %broadcast_in_dim3A_436, %broadcast_in_dim3A_437 : vector<16xi1>, vector<16xi32>
      %min3A_439 = arith.minsi %min3A_427, %select_n3A_438 : vector<16xi32>
      %broadcast_in_dim3A_440 = arith.constant 45 : i32
      %broadcast_in_dim3A_441 = vector.broadcast %broadcast_in_dim3A_440 : i32 to vector<16xi32>
      %gather3A_442 = tpu.vector_load_idx %arg4[%add3A_68, %broadcast_in_dim3A_441] : memref<256x128xf32, #tpu.memory_space<vmem>>[vector<16xi32>, vector<16xi32>], vector<16xf32>,
      %gt3A_443 = arith.constant 5.000000e-01 : f32
      %gt3A_444 = vector.broadcast %gt3A_443 : f32 to vector<16xf32>
      %gt3A_445 = arith.cmpf ogt, %gather3A_442, %gt3A_444 : vector<16xf32>
      %jit3A_446 = arith.constant 13 : i32
      %jit3A_447 = arith.constant 16 : i32
      %broadcast_in_dim3A_448 = vector.broadcast %jit3A_446 : i32 to vector<16xi32>
      %broadcast_in_dim3A_449 = vector.broadcast %jit3A_447 : i32 to vector<16xi32>
      %select_n3A_450 = arith.select %gt3A_445, %broadcast_in_dim3A_448, %broadcast_in_dim3A_449 : vector<16xi1>, vector<16xi32>
      %min3A_451 = arith.minsi %min3A_439, %select_n3A_450 : vector<16xi32>
      %broadcast_in_dim3A_452 = arith.constant 46 : i32
      %broadcast_in_dim3A_453 = vector.broadcast %broadcast_in_dim3A_452 : i32 to vector<16xi32>
      %gather3A_454 = tpu.vector_load_idx %arg4[%add3A_68, %broadcast_in_dim3A_453] : memref<256x128xf32, #tpu.memory_space<vmem>>[vector<16xi32>, vector<16xi32>], vector<16xf32>,
      %gt3A_455 = arith.constant 5.000000e-01 : f32
      %gt3A_456 = vector.broadcast %gt3A_455 : f32 to vector<16xf32>
      %gt3A_457 = arith.cmpf ogt, %gather3A_454, %gt3A_456 : vector<16xf32>
      %jit3A_458 = arith.constant 14 : i32
      %jit3A_459 = arith.constant 16 : i32
      %broadcast_in_dim3A_460 = vector.broadcast %jit3A_458 : i32 to vector<16xi32>
      %broadcast_in_dim3A_461 = vector.broadcast %jit3A_459 : i32 to vector<16xi32>
      %select_n3A_462 = arith.select %gt3A_457, %broadcast_in_dim3A_460, %broadcast_in_dim3A_461 : vector<16xi1>, vector<16xi32>
      %min3A_463 = arith.minsi %min3A_451, %select_n3A_462 : vector<16xi32>
      %broadcast_in_dim3A_464 = arith.constant 47 : i32
      %broadcast_in_dim3A_465 = vector.broadcast %broadcast_in_dim3A_464 : i32 to vector<16xi32>
      %gather3A_466 = tpu.vector_load_idx %arg4[%add3A_68, %broadcast_in_dim3A_465] : memref<256x128xf32, #tpu.memory_space<vmem>>[vector<16xi32>, vector<16xi32>], vector<16xf32>,
      %gt3A_467 = arith.constant 5.000000e-01 : f32
      %gt3A_468 = vector.broadcast %gt3A_467 : f32 to vector<16xf32>
      %gt3A_469 = arith.cmpf ogt, %gather3A_466, %gt3A_468 : vector<16xf32>
      %jit3A_470 = arith.constant 15 : i32
      %jit3A_471 = arith.constant 16 : i32
      %broadcast_in_dim3A_472 = vector.broadcast %jit3A_470 : i32 to vector<16xi32>
      %broadcast_in_dim3A_473 = vector.broadcast %jit3A_471 : i32 to vector<16xi32>
      %select_n3A_474 = arith.select %gt3A_469, %broadcast_in_dim3A_472, %broadcast_in_dim3A_473 : vector<16xi1>, vector<16xi32>
      %min3A_475 = arith.minsi %min3A_463, %select_n3A_474 : vector<16xi32>
      %eq3A_476 = arith.constant 16 : i32
      %eq3A_477 = vector.broadcast %eq3A_476 : i32 to vector<16xi32>
      %eq3A_478 = arith.cmpi eq, %min3A_475, %eq3A_477 : vector<16xi32>
      %jit3A_479 = arith.constant 0 : i32
      %broadcast_in_dim3A_480 = vector.broadcast %jit3A_479 : i32 to vector<16xi32>
      %select_n3A_481 = arith.select %eq3A_478, %broadcast_in_dim3A_480, %min3A_475 : vector<16xi1>, vector<16xi32>
      %broadcast_in_dim3A_482 = arith.constant 16 : i32
      %broadcast_in_dim3A_483 = vector.broadcast %broadcast_in_dim3A_482 : i32 to vector<16xi32>
      %broadcast_in_dim3A_484 = arith.constant 48 : i32
      %broadcast_in_dim3A_485 = vector.broadcast %broadcast_in_dim3A_484 : i32 to vector<16xi32>
      %gather3A_486 = tpu.vector_load_idx %arg4[%add3A_68, %broadcast_in_dim3A_485] : memref<256x128xf32, #tpu.memory_space<vmem>>[vector<16xi32>, vector<16xi32>], vector<16xf32>,
      %gt3A_487 = arith.constant 5.000000e-01 : f32
      %gt3A_488 = vector.broadcast %gt3A_487 : f32 to vector<16xf32>
      %gt3A_489 = arith.cmpf ogt, %gather3A_486, %gt3A_488 : vector<16xf32>
      %jit3A_490 = arith.constant 0 : i32
      %jit3A_491 = arith.constant 16 : i32
      %broadcast_in_dim3A_492 = vector.broadcast %jit3A_490 : i32 to vector<16xi32>
      %broadcast_in_dim3A_493 = vector.broadcast %jit3A_491 : i32 to vector<16xi32>
      %select_n3A_494 = arith.select %gt3A_489, %broadcast_in_dim3A_492, %broadcast_in_dim3A_493 : vector<16xi1>, vector<16xi32>
      %min3A_495 = arith.minsi %broadcast_in_dim3A_483, %select_n3A_494 : vector<16xi32>
      %broadcast_in_dim3A_496 = arith.constant 49 : i32
      %broadcast_in_dim3A_497 = vector.broadcast %broadcast_in_dim3A_496 : i32 to vector<16xi32>
      %gather3A_498 = tpu.vector_load_idx %arg4[%add3A_68, %broadcast_in_dim3A_497] : memref<256x128xf32, #tpu.memory_space<vmem>>[vector<16xi32>, vector<16xi32>], vector<16xf32>,
      %gt3A_499 = arith.constant 5.000000e-01 : f32
      %gt3A_500 = vector.broadcast %gt3A_499 : f32 to vector<16xf32>
      %gt3A_501 = arith.cmpf ogt, %gather3A_498, %gt3A_500 : vector<16xf32>
      %jit3A_502 = arith.constant 1 : i32
      %jit3A_503 = arith.constant 16 : i32
      %broadcast_in_dim3A_504 = vector.broadcast %jit3A_502 : i32 to vector<16xi32>
      %broadcast_in_dim3A_505 = vector.broadcast %jit3A_503 : i32 to vector<16xi32>
      %select_n3A_506 = arith.select %gt3A_501, %broadcast_in_dim3A_504, %broadcast_in_dim3A_505 : vector<16xi1>, vector<16xi32>
      %min3A_507 = arith.minsi %min3A_495, %select_n3A_506 : vector<16xi32>
      %broadcast_in_dim3A_508 = arith.constant 50 : i32
      %broadcast_in_dim3A_509 = vector.broadcast %broadcast_in_dim3A_508 : i32 to vector<16xi32>
      %gather3A_510 = tpu.vector_load_idx %arg4[%add3A_68, %broadcast_in_dim3A_509] : memref<256x128xf32, #tpu.memory_space<vmem>>[vector<16xi32>, vector<16xi32>], vector<16xf32>,
      %gt3A_511 = arith.constant 5.000000e-01 : f32
      %gt3A_512 = vector.broadcast %gt3A_511 : f32 to vector<16xf32>
      %gt3A_513 = arith.cmpf ogt, %gather3A_510, %gt3A_512 : vector<16xf32>
      %jit3A_514 = arith.constant 2 : i32
      %jit3A_515 = arith.constant 16 : i32
      %broadcast_in_dim3A_516 = vector.broadcast %jit3A_514 : i32 to vector<16xi32>
      %broadcast_in_dim3A_517 = vector.broadcast %jit3A_515 : i32 to vector<16xi32>
      %select_n3A_518 = arith.select %gt3A_513, %broadcast_in_dim3A_516, %broadcast_in_dim3A_517 : vector<16xi1>, vector<16xi32>
      %min3A_519 = arith.minsi %min3A_507, %select_n3A_518 : vector<16xi32>
      %broadcast_in_dim3A_520 = arith.constant 51 : i32
      %broadcast_in_dim3A_521 = vector.broadcast %broadcast_in_dim3A_520 : i32 to vector<16xi32>
      %gather3A_522 = tpu.vector_load_idx %arg4[%add3A_68, %broadcast_in_dim3A_521] : memref<256x128xf32, #tpu.memory_space<vmem>>[vector<16xi32>, vector<16xi32>], vector<16xf32>,
      %gt3A_523 = arith.constant 5.000000e-01 : f32
      %gt3A_524 = vector.broadcast %gt3A_523 : f32 to vector<16xf32>
      %gt3A_525 = arith.cmpf ogt, %gather3A_522, %gt3A_524 : vector<16xf32>
      %jit3A_526 = arith.constant 3 : i32
      %jit3A_527 = arith.constant 16 : i32
      %broadcast_in_dim3A_528 = vector.broadcast %jit3A_526 : i32 to vector<16xi32>
      %broadcast_in_dim3A_529 = vector.broadcast %jit3A_527 : i32 to vector<16xi32>
      %select_n3A_530 = arith.select %gt3A_525, %broadcast_in_dim3A_528, %broadcast_in_dim3A_529 : vector<16xi1>, vector<16xi32>
      %min3A_531 = arith.minsi %min3A_519, %select_n3A_530 : vector<16xi32>
      %broadcast_in_dim3A_532 = arith.constant 52 : i32
      %broadcast_in_dim3A_533 = vector.broadcast %broadcast_in_dim3A_532 : i32 to vector<16xi32>
      %gather3A_534 = tpu.vector_load_idx %arg4[%add3A_68, %broadcast_in_dim3A_533] : memref<256x128xf32, #tpu.memory_space<vmem>>[vector<16xi32>, vector<16xi32>], vector<16xf32>,
      %gt3A_535 = arith.constant 5.000000e-01 : f32
      %gt3A_536 = vector.broadcast %gt3A_535 : f32 to vector<16xf32>
      %gt3A_537 = arith.cmpf ogt, %gather3A_534, %gt3A_536 : vector<16xf32>
      %jit3A_538 = arith.constant 4 : i32
      %jit3A_539 = arith.constant 16 : i32
      %broadcast_in_dim3A_540 = vector.broadcast %jit3A_538 : i32 to vector<16xi32>
      %broadcast_in_dim3A_541 = vector.broadcast %jit3A_539 : i32 to vector<16xi32>
      %select_n3A_542 = arith.select %gt3A_537, %broadcast_in_dim3A_540, %broadcast_in_dim3A_541 : vector<16xi1>, vector<16xi32>
      %min3A_543 = arith.minsi %min3A_531, %select_n3A_542 : vector<16xi32>
      %broadcast_in_dim3A_544 = arith.constant 53 : i32
      %broadcast_in_dim3A_545 = vector.broadcast %broadcast_in_dim3A_544 : i32 to vector<16xi32>
      %gather3A_546 = tpu.vector_load_idx %arg4[%add3A_68, %broadcast_in_dim3A_545] : memref<256x128xf32, #tpu.memory_space<vmem>>[vector<16xi32>, vector<16xi32>], vector<16xf32>,
      %gt3A_547 = arith.constant 5.000000e-01 : f32
      %gt3A_548 = vector.broadcast %gt3A_547 : f32 to vector<16xf32>
      %gt3A_549 = arith.cmpf ogt, %gather3A_546, %gt3A_548 : vector<16xf32>
      %jit3A_550 = arith.constant 5 : i32
      %jit3A_551 = arith.constant 16 : i32
      %broadcast_in_dim3A_552 = vector.broadcast %jit3A_550 : i32 to vector<16xi32>
      %broadcast_in_dim3A_553 = vector.broadcast %jit3A_551 : i32 to vector<16xi32>
      %select_n3A_554 = arith.select %gt3A_549, %broadcast_in_dim3A_552, %broadcast_in_dim3A_553 : vector<16xi1>, vector<16xi32>
      %min3A_555 = arith.minsi %min3A_543, %select_n3A_554 : vector<16xi32>
      %broadcast_in_dim3A_556 = arith.constant 54 : i32
      %broadcast_in_dim3A_557 = vector.broadcast %broadcast_in_dim3A_556 : i32 to vector<16xi32>
      %gather3A_558 = tpu.vector_load_idx %arg4[%add3A_68, %broadcast_in_dim3A_557] : memref<256x128xf32, #tpu.memory_space<vmem>>[vector<16xi32>, vector<16xi32>], vector<16xf32>,
      %gt3A_559 = arith.constant 5.000000e-01 : f32
      %gt3A_560 = vector.broadcast %gt3A_559 : f32 to vector<16xf32>
      %gt3A_561 = arith.cmpf ogt, %gather3A_558, %gt3A_560 : vector<16xf32>
      %jit3A_562 = arith.constant 6 : i32
      %jit3A_563 = arith.constant 16 : i32
      %broadcast_in_dim3A_564 = vector.broadcast %jit3A_562 : i32 to vector<16xi32>
      %broadcast_in_dim3A_565 = vector.broadcast %jit3A_563 : i32 to vector<16xi32>
      %select_n3A_566 = arith.select %gt3A_561, %broadcast_in_dim3A_564, %broadcast_in_dim3A_565 : vector<16xi1>, vector<16xi32>
      %min3A_567 = arith.minsi %min3A_555, %select_n3A_566 : vector<16xi32>
      %broadcast_in_dim3A_568 = arith.constant 55 : i32
      %broadcast_in_dim3A_569 = vector.broadcast %broadcast_in_dim3A_568 : i32 to vector<16xi32>
      %gather3A_570 = tpu.vector_load_idx %arg4[%add3A_68, %broadcast_in_dim3A_569] : memref<256x128xf32, #tpu.memory_space<vmem>>[vector<16xi32>, vector<16xi32>], vector<16xf32>,
      %gt3A_571 = arith.constant 5.000000e-01 : f32
      %gt3A_572 = vector.broadcast %gt3A_571 : f32 to vector<16xf32>
      %gt3A_573 = arith.cmpf ogt, %gather3A_570, %gt3A_572 : vector<16xf32>
      %jit3A_574 = arith.constant 7 : i32
      %jit3A_575 = arith.constant 16 : i32
      %broadcast_in_dim3A_576 = vector.broadcast %jit3A_574 : i32 to vector<16xi32>
      %broadcast_in_dim3A_577 = vector.broadcast %jit3A_575 : i32 to vector<16xi32>
      %select_n3A_578 = arith.select %gt3A_573, %broadcast_in_dim3A_576, %broadcast_in_dim3A_577 : vector<16xi1>, vector<16xi32>
      %min3A_579 = arith.minsi %min3A_567, %select_n3A_578 : vector<16xi32>
      %broadcast_in_dim3A_580 = arith.constant 56 : i32
      %broadcast_in_dim3A_581 = vector.broadcast %broadcast_in_dim3A_580 : i32 to vector<16xi32>
      %gather3A_582 = tpu.vector_load_idx %arg4[%add3A_68, %broadcast_in_dim3A_581] : memref<256x128xf32, #tpu.memory_space<vmem>>[vector<16xi32>, vector<16xi32>], vector<16xf32>,
      %gt3A_583 = arith.constant 5.000000e-01 : f32
      %gt3A_584 = vector.broadcast %gt3A_583 : f32 to vector<16xf32>
      %gt3A_585 = arith.cmpf ogt, %gather3A_582, %gt3A_584 : vector<16xf32>
      %jit3A_586 = arith.constant 8 : i32
      %jit3A_587 = arith.constant 16 : i32
      %broadcast_in_dim3A_588 = vector.broadcast %jit3A_586 : i32 to vector<16xi32>
      %broadcast_in_dim3A_589 = vector.broadcast %jit3A_587 : i32 to vector<16xi32>
      %select_n3A_590 = arith.select %gt3A_585, %broadcast_in_dim3A_588, %broadcast_in_dim3A_589 : vector<16xi1>, vector<16xi32>
      %min3A_591 = arith.minsi %min3A_579, %select_n3A_590 : vector<16xi32>
      %broadcast_in_dim3A_592 = arith.constant 57 : i32
      %broadcast_in_dim3A_593 = vector.broadcast %broadcast_in_dim3A_592 : i32 to vector<16xi32>
      %gather3A_594 = tpu.vector_load_idx %arg4[%add3A_68, %broadcast_in_dim3A_593] : memref<256x128xf32, #tpu.memory_space<vmem>>[vector<16xi32>, vector<16xi32>], vector<16xf32>,
      %gt3A_595 = arith.constant 5.000000e-01 : f32
      %gt3A_596 = vector.broadcast %gt3A_595 : f32 to vector<16xf32>
      %gt3A_597 = arith.cmpf ogt, %gather3A_594, %gt3A_596 : vector<16xf32>
      %jit3A_598 = arith.constant 9 : i32
      %jit3A_599 = arith.constant 16 : i32
      %broadcast_in_dim3A_600 = vector.broadcast %jit3A_598 : i32 to vector<16xi32>
      %broadcast_in_dim3A_601 = vector.broadcast %jit3A_599 : i32 to vector<16xi32>
      %select_n3A_602 = arith.select %gt3A_597, %broadcast_in_dim3A_600, %broadcast_in_dim3A_601 : vector<16xi1>, vector<16xi32>
      %min3A_603 = arith.minsi %min3A_591, %select_n3A_602 : vector<16xi32>
      %broadcast_in_dim3A_604 = arith.constant 58 : i32
      %broadcast_in_dim3A_605 = vector.broadcast %broadcast_in_dim3A_604 : i32 to vector<16xi32>
      %gather3A_606 = tpu.vector_load_idx %arg4[%add3A_68, %broadcast_in_dim3A_605] : memref<256x128xf32, #tpu.memory_space<vmem>>[vector<16xi32>, vector<16xi32>], vector<16xf32>,
      %gt3A_607 = arith.constant 5.000000e-01 : f32
      %gt3A_608 = vector.broadcast %gt3A_607 : f32 to vector<16xf32>
      %gt3A_609 = arith.cmpf ogt, %gather3A_606, %gt3A_608 : vector<16xf32>
      %jit3A_610 = arith.constant 10 : i32
      %jit3A_611 = arith.constant 16 : i32
      %broadcast_in_dim3A_612 = vector.broadcast %jit3A_610 : i32 to vector<16xi32>
      %broadcast_in_dim3A_613 = vector.broadcast %jit3A_611 : i32 to vector<16xi32>
      %select_n3A_614 = arith.select %gt3A_609, %broadcast_in_dim3A_612, %broadcast_in_dim3A_613 : vector<16xi1>, vector<16xi32>
      %min3A_615 = arith.minsi %min3A_603, %select_n3A_614 : vector<16xi32>
      %broadcast_in_dim3A_616 = arith.constant 59 : i32
      %broadcast_in_dim3A_617 = vector.broadcast %broadcast_in_dim3A_616 : i32 to vector<16xi32>
      %gather3A_618 = tpu.vector_load_idx %arg4[%add3A_68, %broadcast_in_dim3A_617] : memref<256x128xf32, #tpu.memory_space<vmem>>[vector<16xi32>, vector<16xi32>], vector<16xf32>,
      %gt3A_619 = arith.constant 5.000000e-01 : f32
      %gt3A_620 = vector.broadcast %gt3A_619 : f32 to vector<16xf32>
      %gt3A_621 = arith.cmpf ogt, %gather3A_618, %gt3A_620 : vector<16xf32>
      %jit3A_622 = arith.constant 11 : i32
      %jit3A_623 = arith.constant 16 : i32
      %broadcast_in_dim3A_624 = vector.broadcast %jit3A_622 : i32 to vector<16xi32>
      %broadcast_in_dim3A_625 = vector.broadcast %jit3A_623 : i32 to vector<16xi32>
      %select_n3A_626 = arith.select %gt3A_621, %broadcast_in_dim3A_624, %broadcast_in_dim3A_625 : vector<16xi1>, vector<16xi32>
      %min3A_627 = arith.minsi %min3A_615, %select_n3A_626 : vector<16xi32>
      %broadcast_in_dim3A_628 = arith.constant 60 : i32
      %broadcast_in_dim3A_629 = vector.broadcast %broadcast_in_dim3A_628 : i32 to vector<16xi32>
      %gather3A_630 = tpu.vector_load_idx %arg4[%add3A_68, %broadcast_in_dim3A_629] : memref<256x128xf32, #tpu.memory_space<vmem>>[vector<16xi32>, vector<16xi32>], vector<16xf32>,
      %gt3A_631 = arith.constant 5.000000e-01 : f32
      %gt3A_632 = vector.broadcast %gt3A_631 : f32 to vector<16xf32>
      %gt3A_633 = arith.cmpf ogt, %gather3A_630, %gt3A_632 : vector<16xf32>
      %jit3A_634 = arith.constant 12 : i32
      %jit3A_635 = arith.constant 16 : i32
      %broadcast_in_dim3A_636 = vector.broadcast %jit3A_634 : i32 to vector<16xi32>
      %broadcast_in_dim3A_637 = vector.broadcast %jit3A_635 : i32 to vector<16xi32>
      %select_n3A_638 = arith.select %gt3A_633, %broadcast_in_dim3A_636, %broadcast_in_dim3A_637 : vector<16xi1>, vector<16xi32>
      %min3A_639 = arith.minsi %min3A_627, %select_n3A_638 : vector<16xi32>
      %broadcast_in_dim3A_640 = arith.constant 61 : i32
      %broadcast_in_dim3A_641 = vector.broadcast %broadcast_in_dim3A_640 : i32 to vector<16xi32>
      %gather3A_642 = tpu.vector_load_idx %arg4[%add3A_68, %broadcast_in_dim3A_641] : memref<256x128xf32, #tpu.memory_space<vmem>>[vector<16xi32>, vector<16xi32>], vector<16xf32>,
      %gt3A_643 = arith.constant 5.000000e-01 : f32
      %gt3A_644 = vector.broadcast %gt3A_643 : f32 to vector<16xf32>
      %gt3A_645 = arith.cmpf ogt, %gather3A_642, %gt3A_644 : vector<16xf32>
      %jit3A_646 = arith.constant 13 : i32
      %jit3A_647 = arith.constant 16 : i32
      %broadcast_in_dim3A_648 = vector.broadcast %jit3A_646 : i32 to vector<16xi32>
      %broadcast_in_dim3A_649 = vector.broadcast %jit3A_647 : i32 to vector<16xi32>
      %select_n3A_650 = arith.select %gt3A_645, %broadcast_in_dim3A_648, %broadcast_in_dim3A_649 : vector<16xi1>, vector<16xi32>
      %min3A_651 = arith.minsi %min3A_639, %select_n3A_650 : vector<16xi32>
      %broadcast_in_dim3A_652 = arith.constant 62 : i32
      %broadcast_in_dim3A_653 = vector.broadcast %broadcast_in_dim3A_652 : i32 to vector<16xi32>
      %gather3A_654 = tpu.vector_load_idx %arg4[%add3A_68, %broadcast_in_dim3A_653] : memref<256x128xf32, #tpu.memory_space<vmem>>[vector<16xi32>, vector<16xi32>], vector<16xf32>,
      %gt3A_655 = arith.constant 5.000000e-01 : f32
      %gt3A_656 = vector.broadcast %gt3A_655 : f32 to vector<16xf32>
      %gt3A_657 = arith.cmpf ogt, %gather3A_654, %gt3A_656 : vector<16xf32>
      %jit3A_658 = arith.constant 14 : i32
      %jit3A_659 = arith.constant 16 : i32
      %broadcast_in_dim3A_660 = vector.broadcast %jit3A_658 : i32 to vector<16xi32>
      %broadcast_in_dim3A_661 = vector.broadcast %jit3A_659 : i32 to vector<16xi32>
      %select_n3A_662 = arith.select %gt3A_657, %broadcast_in_dim3A_660, %broadcast_in_dim3A_661 : vector<16xi1>, vector<16xi32>
      %min3A_663 = arith.minsi %min3A_651, %select_n3A_662 : vector<16xi32>
      %broadcast_in_dim3A_664 = arith.constant 63 : i32
      %broadcast_in_dim3A_665 = vector.broadcast %broadcast_in_dim3A_664 : i32 to vector<16xi32>
      %gather3A_666 = tpu.vector_load_idx %arg4[%add3A_68, %broadcast_in_dim3A_665] : memref<256x128xf32, #tpu.memory_space<vmem>>[vector<16xi32>, vector<16xi32>], vector<16xf32>,
      %gt3A_667 = arith.constant 5.000000e-01 : f32
      %gt3A_668 = vector.broadcast %gt3A_667 : f32 to vector<16xf32>
      %gt3A_669 = arith.cmpf ogt, %gather3A_666, %gt3A_668 : vector<16xf32>
      %jit3A_670 = arith.constant 15 : i32
      %jit3A_671 = arith.constant 16 : i32
      %broadcast_in_dim3A_672 = vector.broadcast %jit3A_670 : i32 to vector<16xi32>
      %broadcast_in_dim3A_673 = vector.broadcast %jit3A_671 : i32 to vector<16xi32>
      %select_n3A_674 = arith.select %gt3A_669, %broadcast_in_dim3A_672, %broadcast_in_dim3A_673 : vector<16xi1>, vector<16xi32>
      %min3A_675 = arith.minsi %min3A_663, %select_n3A_674 : vector<16xi32>
      %eq3A_676 = arith.constant 16 : i32
      %eq3A_677 = vector.broadcast %eq3A_676 : i32 to vector<16xi32>
      %eq3A_678 = arith.cmpi eq, %min3A_675, %eq3A_677 : vector<16xi32>
      %jit3A_679 = arith.constant 0 : i32
      %broadcast_in_dim3A_680 = vector.broadcast %jit3A_679 : i32 to vector<16xi32>
      %select_n3A_681 = arith.select %eq3A_678, %broadcast_in_dim3A_680, %min3A_675 : vector<16xi1>, vector<16xi32>
      %mul3A_682 = arith.constant 16 : i32
      %mul3A_683 = vector.broadcast %mul3A_682 : i32 to vector<16xi32>
      %mul3A_684 = arith.muli %mul3A_683, %select_n3A_481 : vector<16xi32>
      %add3A_685 = arith.addi %select_n3A_281, %mul3A_684 : vector<16xi32>
      %shift_left3A = arith.shli %add3A_685, %select_n3A_681 : vector<16xi32>
      %and3A_686 = arith.constant 255 : i32
      %and3A_687 = vector.broadcast %and3A_686 : i32 to vector<16xi32>
      %and3A_688 = arith.andi %shift_left3A, %and3A_687 : vector<16xi32>
      %shift_right_arithmetic3A = arith.shrsi %add3A_685, %select_n3A_681 : vector<16xi32>
      %select_n3A_689 = arith.select %gt3A_77, %and3A_688, %shift_right_arithmetic3A : vector<16xi1>, vector<16xi32>
      %and3A_690 = arith.constant 15 : i32
      %and3A_691 = vector.broadcast %and3A_690 : i32 to vector<16xi32>
      %and3A_692 = arith.andi %select_n3A_689, %and3A_691 : vector<16xi32>
      %add3A_693 = arith.constant 96 : i32
      %add3A_694 = vector.broadcast %add3A_693 : i32 to vector<16xi32>
      %add3A_695 = arith.addi %add3A_694, %and3A_692 : vector<16xi32>
      %shift_right_arithmetic3A_696 = arith.constant 4 : i32
      %shift_right_arithmetic3A_697 = vector.broadcast %shift_right_arithmetic3A_696 : i32 to vector<16xi32>
      %shift_right_arithmetic3A_698 = arith.shrsi %select_n3A_689, %shift_right_arithmetic3A_697 : vector<16xi32>
      %add3A_699 = arith.constant 112 : i32
      %add3A_700 = vector.broadcast %add3A_699 : i32 to vector<16xi32>
      %add3A_701 = arith.addi %add3A_700, %shift_right_arithmetic3A_698 : vector<16xi32>
      %broadcast_in_dim3A_702 = arith.constant 2.000000e+00 : f32
      %broadcast_in_dim3A_703 = vector.broadcast %broadcast_in_dim3A_702 : f32 to vector<16xf32>
      tpu.vector_store_idx %arg4[%add3A_68, %add3A_695], %broadcast_in_dim3A_703 masked %and3A_85 {add = true} : memref<256x128xf32, #tpu.memory_space<vmem>>[vector<16xi32>, vector<16xi32>], vector<16xf32>, vector<16xi1>
      tpu.vector_store_idx %arg4[%add3A_68, %add3A_701], %broadcast_in_dim3A_703 masked %and3A_85 {add = true} : memref<256x128xf32, #tpu.memory_space<vmem>>[vector<16xi32>, vector<16xi32>], vector<16xf32>, vector<16xi1>
    }
    %scan3A_12 = arith.constant 16 : i32
    "tpu.region"() ({
      %run_scoped3A = tpu.sem_alloc : memref<!tpu.dma_semaphore, #tpu.memory_space<semaphore_mem>>
      %dma_start3A_64 = arith.constant 0 : i32
      %dma_start3A_65 = tpu.memref_slice %arg3[%add3A_4, %dma_start3A_64] : memref<32768x512xf32, #tpu.memory_space<hbm>> -> memref<256x128xf32, #tpu.memory_space<hbm>>
      %dma_start3A_66 = arith.constant 0 : i32
      %dma_start3A_67 = tpu.memref_slice %arg3[%add3A_4, %dma_start3A_66] : memref<32768x512xf32, #tpu.memory_space<hbm>> -> memref<256x128xf32, #tpu.memory_space<hbm>>
      tpu.enqueue_dma source(%arg4 : memref<256x128xf32, #tpu.memory_space<vmem>>) target(%dma_start3A_67 : memref<256x128xf32, #tpu.memory_space<hbm>>) target_semaphore(%run_scoped3A : memref<!tpu.dma_semaphore, #tpu.memory_space<semaphore_mem>>)
      %dma_wait3A_68 = arith.constant 0 : i32
      %dma_wait3A_69 = tpu.memref_slice %arg3[%add3A_4, %dma_wait3A_68] : memref<32768x512xf32, #tpu.memory_space<hbm>> -> memref<256x128xf32, #tpu.memory_space<hbm>>
      %dma_wait3A_70 = arith.constant 0 : i32
      %dma_wait3A_71 = tpu.memref_slice %arg3[%add3A_4, %dma_wait3A_70] : memref<32768x512xf32, #tpu.memory_space<hbm>> -> memref<256x128xf32, #tpu.memory_space<hbm>>
      tpu.wait_dma2 semaphore(%run_scoped3A : memref<!tpu.dma_semaphore, #tpu.memory_space<semaphore_mem>>) src(%arg4 : memref<256x128xf32, #tpu.memory_space<vmem>>) dst(%dma_wait3A_71 : memref<256x128xf32, #tpu.memory_space<hbm>>)
      tpu.yield
    }) : () -> ()
    %add3A_13 = arith.constant 256 : i32
    %add3A_14 = arith.addi %mul3A_2, %add3A_13 : i32
    %dma_wait3A = arith.constant 128 : i32
    %dma_wait3A_15 = tpu.memref_slice %arg3[%add3A_4, %dma_wait3A] : memref<32768x512xf32, #tpu.memory_space<hbm>> -> memref<256x384xf32, #tpu.memory_space<hbm>>
    %dma_wait3A_16 = arith.constant 128 : i32
    %dma_wait3A_17 = tpu.memref_slice %arg2[%add3A_4, %dma_wait3A_16] : memref<32768x512xf32, #tpu.memory_space<hbm>> -> memref<256x384xf32, #tpu.memory_space<hbm>>
    tpu.wait_dma2 semaphore(%arg6 : memref<!tpu.dma_semaphore, #tpu.memory_space<semaphore_mem>>) src(%dma_wait3A_17 : memref<256x384xf32, #tpu.memory_space<hbm>>) dst(%dma_wait3A_15 : memref<256x384xf32, #tpu.memory_space<hbm>>)
    %dma_start3A_18 = arith.constant 128 : i32
    %dma_start3A_19 = tpu.memref_slice %arg3[%add3A_14, %dma_start3A_18] : memref<32768x512xf32, #tpu.memory_space<hbm>> -> memref<256x384xf32, #tpu.memory_space<hbm>>
    %dma_start3A_20 = arith.constant 128 : i32
    %dma_start3A_21 = tpu.memref_slice %arg2[%add3A_14, %dma_start3A_20] : memref<32768x512xf32, #tpu.memory_space<hbm>> -> memref<256x384xf32, #tpu.memory_space<hbm>>
    tpu.enqueue_dma source(%dma_start3A_21 : memref<256x384xf32, #tpu.memory_space<hbm>>) target(%dma_start3A_19 : memref<256x384xf32, #tpu.memory_space<hbm>>) target_semaphore(%arg6 : memref<!tpu.dma_semaphore, #tpu.memory_space<semaphore_mem>>)
    "tpu.region"() ({
      %run_scoped3A = tpu.sem_alloc : memref<!tpu.dma_semaphore, #tpu.memory_space<semaphore_mem>>
      %dma_start3A_64 = arith.constant 0 : i32
      %dma_start3A_65 = tpu.memref_slice %arg2[%add3A_14, %dma_start3A_64] : memref<32768x512xf32, #tpu.memory_space<hbm>> -> memref<256x128xf32, #tpu.memory_space<hbm>>
      %dma_start3A_66 = arith.constant 0 : i32
      %dma_start3A_67 = tpu.memref_slice %arg2[%add3A_14, %dma_start3A_66] : memref<32768x512xf32, #tpu.memory_space<hbm>> -> memref<256x128xf32, #tpu.memory_space<hbm>>
      tpu.enqueue_dma source(%dma_start3A_67 : memref<256x128xf32, #tpu.memory_space<hbm>>) target(%arg5 : memref<256x128xf32, #tpu.memory_space<vmem>>) target_semaphore(%run_scoped3A : memref<!tpu.dma_semaphore, #tpu.memory_space<semaphore_mem>>)
      %dma_wait3A_68 = arith.constant 0 : i32
      %dma_wait3A_69 = tpu.memref_slice %arg2[%add3A_14, %dma_wait3A_68] : memref<32768x512xf32, #tpu.memory_space<hbm>> -> memref<256x128xf32, #tpu.memory_space<hbm>>
      %dma_wait3A_70 = arith.constant 0 : i32
      %dma_wait3A_71 = tpu.memref_slice %arg2[%add3A_14, %dma_wait3A_70] : memref<32768x512xf32, #tpu.memory_space<hbm>> -> memref<256x128xf32, #tpu.memory_space<hbm>>
      tpu.wait_dma2 semaphore(%run_scoped3A : memref<!tpu.dma_semaphore, #tpu.memory_space<semaphore_mem>>) src(%dma_wait3A_71 : memref<256x128xf32, #tpu.memory_space<hbm>>) dst(%arg5 : memref<256x128xf32, #tpu.memory_space<vmem>>)
      tpu.yield
    }) : () -> ()
    %scan3A_22 = arith.constant 0 : i32
    %scan3A_23 = arith.constant 0 : i32
    %scan3A_24 = arith.constant 16 : i32
    %scan3A_25 = arith.addi %scan3A_23, %scan3A_24 : i32
    %scan3A_26 = arith.constant 1 : i32
    scf.for %scan3A_64 = %scan3A_23 to %scan3A_25 step %scan3A_26  : i32 {
      %mul3A_65 = arith.constant 16 : i32
      %mul3A_66 = arith.muli %scan3A_64, %mul3A_65 : i32
      %add3A_67 = vector.broadcast %mul3A_66 : i32 to vector<16xi32>
      %add3A_68 = arith.addi %add3A_67, %iota3A : vector<16xi32>
      %broadcast_in_dim3A = arith.constant 0 : i32
      %broadcast_in_dim3A_69 = vector.broadcast %broadcast_in_dim3A : i32 to vector<16xi32>
      %gather3A = tpu.vector_load_idx %arg5[%add3A_68, %broadcast_in_dim3A_69] : memref<256x128xf32, #tpu.memory_space<vmem>>[vector<16xi32>, vector<16xi32>], vector<16xf32>,
      %gt3A = arith.constant 5.000000e-01 : f32
      %gt3A_70 = vector.broadcast %gt3A : f32 to vector<16xf32>
      %gt3A_71 = arith.cmpf ogt, %gather3A, %gt3A_70 : vector<16xf32>
      %broadcast_in_dim3A_72 = arith.constant 1 : i32
      %broadcast_in_dim3A_73 = vector.broadcast %broadcast_in_dim3A_72 : i32 to vector<16xi32>
      %gather3A_74 = tpu.vector_load_idx %arg5[%add3A_68, %broadcast_in_dim3A_73] : memref<256x128xf32, #tpu.memory_space<vmem>>[vector<16xi32>, vector<16xi32>], vector<16xf32>,
      %gt3A_75 = arith.constant 5.000000e-01 : f32
      %gt3A_76 = vector.broadcast %gt3A_75 : f32 to vector<16xf32>
      %gt3A_77 = arith.cmpf ogt, %gather3A_74, %gt3A_76 : vector<16xf32>
      %not3A = arith.constant dense<true> : vector<16xi1>
      %not3A_78 = arith.xori %gt3A_77, %not3A : vector<16xi1>
      %broadcast_in_dim3A_79 = arith.constant 2 : i32
      %broadcast_in_dim3A_80 = vector.broadcast %broadcast_in_dim3A_79 : i32 to vector<16xi32>
      %gather3A_81 = tpu.vector_load_idx %arg5[%add3A_68, %broadcast_in_dim3A_80] : memref<256x128xf32, #tpu.memory_space<vmem>>[vector<16xi32>, vector<16xi32>], vector<16xf32>,
      %gt3A_82 = arith.constant 5.000000e-01 : f32
      %gt3A_83 = vector.broadcast %gt3A_82 : f32 to vector<16xf32>
      %gt3A_84 = arith.cmpf ogt, %gather3A_81, %gt3A_83 : vector<16xf32>
      %and3A = arith.andi %not3A_78, %gt3A_84 : vector<16xi1>
      %or3A = arith.ori %gt3A_77, %and3A : vector<16xi1>
      %and3A_85 = arith.andi %gt3A_71, %or3A : vector<16xi1>
      %broadcast_in_dim3A_86 = arith.constant 16 : i32
      %broadcast_in_dim3A_87 = vector.broadcast %broadcast_in_dim3A_86 : i32 to vector<16xi32>
      %broadcast_in_dim3A_88 = arith.constant 16 : i32
      %broadcast_in_dim3A_89 = vector.broadcast %broadcast_in_dim3A_88 : i32 to vector<16xi32>
      %gather3A_90 = tpu.vector_load_idx %arg5[%add3A_68, %broadcast_in_dim3A_89] : memref<256x128xf32, #tpu.memory_space<vmem>>[vector<16xi32>, vector<16xi32>], vector<16xf32>,
      %gt3A_91 = arith.constant 5.000000e-01 : f32
      %gt3A_92 = vector.broadcast %gt3A_91 : f32 to vector<16xf32>
      %gt3A_93 = arith.cmpf ogt, %gather3A_90, %gt3A_92 : vector<16xf32>
      %jit3A = arith.constant 0 : i32
      %jit3A_94 = arith.constant 16 : i32
      %broadcast_in_dim3A_95 = vector.broadcast %jit3A : i32 to vector<16xi32>
      %broadcast_in_dim3A_96 = vector.broadcast %jit3A_94 : i32 to vector<16xi32>
      %select_n3A = arith.select %gt3A_93, %broadcast_in_dim3A_95, %broadcast_in_dim3A_96 : vector<16xi1>, vector<16xi32>
      %min3A = arith.minsi %broadcast_in_dim3A_87, %select_n3A : vector<16xi32>
      %broadcast_in_dim3A_97 = arith.constant 17 : i32
      %broadcast_in_dim3A_98 = vector.broadcast %broadcast_in_dim3A_97 : i32 to vector<16xi32>
      %gather3A_99 = tpu.vector_load_idx %arg5[%add3A_68, %broadcast_in_dim3A_98] : memref<256x128xf32, #tpu.memory_space<vmem>>[vector<16xi32>, vector<16xi32>], vector<16xf32>,
      %gt3A_100 = arith.constant 5.000000e-01 : f32
      %gt3A_101 = vector.broadcast %gt3A_100 : f32 to vector<16xf32>
      %gt3A_102 = arith.cmpf ogt, %gather3A_99, %gt3A_101 : vector<16xf32>
      %jit3A_103 = arith.constant 1 : i32
      %jit3A_104 = arith.constant 16 : i32
      %broadcast_in_dim3A_105 = vector.broadcast %jit3A_103 : i32 to vector<16xi32>
      %broadcast_in_dim3A_106 = vector.broadcast %jit3A_104 : i32 to vector<16xi32>
      %select_n3A_107 = arith.select %gt3A_102, %broadcast_in_dim3A_105, %broadcast_in_dim3A_106 : vector<16xi1>, vector<16xi32>
      %min3A_108 = arith.minsi %min3A, %select_n3A_107 : vector<16xi32>
      %broadcast_in_dim3A_109 = arith.constant 18 : i32
      %broadcast_in_dim3A_110 = vector.broadcast %broadcast_in_dim3A_109 : i32 to vector<16xi32>
      %gather3A_111 = tpu.vector_load_idx %arg5[%add3A_68, %broadcast_in_dim3A_110] : memref<256x128xf32, #tpu.memory_space<vmem>>[vector<16xi32>, vector<16xi32>], vector<16xf32>,
      %gt3A_112 = arith.constant 5.000000e-01 : f32
      %gt3A_113 = vector.broadcast %gt3A_112 : f32 to vector<16xf32>
      %gt3A_114 = arith.cmpf ogt, %gather3A_111, %gt3A_113 : vector<16xf32>
      %jit3A_115 = arith.constant 2 : i32
      %jit3A_116 = arith.constant 16 : i32
      %broadcast_in_dim3A_117 = vector.broadcast %jit3A_115 : i32 to vector<16xi32>
      %broadcast_in_dim3A_118 = vector.broadcast %jit3A_116 : i32 to vector<16xi32>
      %select_n3A_119 = arith.select %gt3A_114, %broadcast_in_dim3A_117, %broadcast_in_dim3A_118 : vector<16xi1>, vector<16xi32>
      %min3A_120 = arith.minsi %min3A_108, %select_n3A_119 : vector<16xi32>
      %broadcast_in_dim3A_121 = arith.constant 19 : i32
      %broadcast_in_dim3A_122 = vector.broadcast %broadcast_in_dim3A_121 : i32 to vector<16xi32>
      %gather3A_123 = tpu.vector_load_idx %arg5[%add3A_68, %broadcast_in_dim3A_122] : memref<256x128xf32, #tpu.memory_space<vmem>>[vector<16xi32>, vector<16xi32>], vector<16xf32>,
      %gt3A_124 = arith.constant 5.000000e-01 : f32
      %gt3A_125 = vector.broadcast %gt3A_124 : f32 to vector<16xf32>
      %gt3A_126 = arith.cmpf ogt, %gather3A_123, %gt3A_125 : vector<16xf32>
      %jit3A_127 = arith.constant 3 : i32
      %jit3A_128 = arith.constant 16 : i32
      %broadcast_in_dim3A_129 = vector.broadcast %jit3A_127 : i32 to vector<16xi32>
      %broadcast_in_dim3A_130 = vector.broadcast %jit3A_128 : i32 to vector<16xi32>
      %select_n3A_131 = arith.select %gt3A_126, %broadcast_in_dim3A_129, %broadcast_in_dim3A_130 : vector<16xi1>, vector<16xi32>
      %min3A_132 = arith.minsi %min3A_120, %select_n3A_131 : vector<16xi32>
      %broadcast_in_dim3A_133 = arith.constant 20 : i32
      %broadcast_in_dim3A_134 = vector.broadcast %broadcast_in_dim3A_133 : i32 to vector<16xi32>
      %gather3A_135 = tpu.vector_load_idx %arg5[%add3A_68, %broadcast_in_dim3A_134] : memref<256x128xf32, #tpu.memory_space<vmem>>[vector<16xi32>, vector<16xi32>], vector<16xf32>,
      %gt3A_136 = arith.constant 5.000000e-01 : f32
      %gt3A_137 = vector.broadcast %gt3A_136 : f32 to vector<16xf32>
      %gt3A_138 = arith.cmpf ogt, %gather3A_135, %gt3A_137 : vector<16xf32>
      %jit3A_139 = arith.constant 4 : i32
      %jit3A_140 = arith.constant 16 : i32
      %broadcast_in_dim3A_141 = vector.broadcast %jit3A_139 : i32 to vector<16xi32>
      %broadcast_in_dim3A_142 = vector.broadcast %jit3A_140 : i32 to vector<16xi32>
      %select_n3A_143 = arith.select %gt3A_138, %broadcast_in_dim3A_141, %broadcast_in_dim3A_142 : vector<16xi1>, vector<16xi32>
      %min3A_144 = arith.minsi %min3A_132, %select_n3A_143 : vector<16xi32>
      %broadcast_in_dim3A_145 = arith.constant 21 : i32
      %broadcast_in_dim3A_146 = vector.broadcast %broadcast_in_dim3A_145 : i32 to vector<16xi32>
      %gather3A_147 = tpu.vector_load_idx %arg5[%add3A_68, %broadcast_in_dim3A_146] : memref<256x128xf32, #tpu.memory_space<vmem>>[vector<16xi32>, vector<16xi32>], vector<16xf32>,
      %gt3A_148 = arith.constant 5.000000e-01 : f32
      %gt3A_149 = vector.broadcast %gt3A_148 : f32 to vector<16xf32>
      %gt3A_150 = arith.cmpf ogt, %gather3A_147, %gt3A_149 : vector<16xf32>
      %jit3A_151 = arith.constant 5 : i32
      %jit3A_152 = arith.constant 16 : i32
      %broadcast_in_dim3A_153 = vector.broadcast %jit3A_151 : i32 to vector<16xi32>
      %broadcast_in_dim3A_154 = vector.broadcast %jit3A_152 : i32 to vector<16xi32>
      %select_n3A_155 = arith.select %gt3A_150, %broadcast_in_dim3A_153, %broadcast_in_dim3A_154 : vector<16xi1>, vector<16xi32>
      %min3A_156 = arith.minsi %min3A_144, %select_n3A_155 : vector<16xi32>
      %broadcast_in_dim3A_157 = arith.constant 22 : i32
      %broadcast_in_dim3A_158 = vector.broadcast %broadcast_in_dim3A_157 : i32 to vector<16xi32>
      %gather3A_159 = tpu.vector_load_idx %arg5[%add3A_68, %broadcast_in_dim3A_158] : memref<256x128xf32, #tpu.memory_space<vmem>>[vector<16xi32>, vector<16xi32>], vector<16xf32>,
      %gt3A_160 = arith.constant 5.000000e-01 : f32
      %gt3A_161 = vector.broadcast %gt3A_160 : f32 to vector<16xf32>
      %gt3A_162 = arith.cmpf ogt, %gather3A_159, %gt3A_161 : vector<16xf32>
      %jit3A_163 = arith.constant 6 : i32
      %jit3A_164 = arith.constant 16 : i32
      %broadcast_in_dim3A_165 = vector.broadcast %jit3A_163 : i32 to vector<16xi32>
      %broadcast_in_dim3A_166 = vector.broadcast %jit3A_164 : i32 to vector<16xi32>
      %select_n3A_167 = arith.select %gt3A_162, %broadcast_in_dim3A_165, %broadcast_in_dim3A_166 : vector<16xi1>, vector<16xi32>
      %min3A_168 = arith.minsi %min3A_156, %select_n3A_167 : vector<16xi32>
      %broadcast_in_dim3A_169 = arith.constant 23 : i32
      %broadcast_in_dim3A_170 = vector.broadcast %broadcast_in_dim3A_169 : i32 to vector<16xi32>
      %gather3A_171 = tpu.vector_load_idx %arg5[%add3A_68, %broadcast_in_dim3A_170] : memref<256x128xf32, #tpu.memory_space<vmem>>[vector<16xi32>, vector<16xi32>], vector<16xf32>,
      %gt3A_172 = arith.constant 5.000000e-01 : f32
      %gt3A_173 = vector.broadcast %gt3A_172 : f32 to vector<16xf32>
      %gt3A_174 = arith.cmpf ogt, %gather3A_171, %gt3A_173 : vector<16xf32>
      %jit3A_175 = arith.constant 7 : i32
      %jit3A_176 = arith.constant 16 : i32
      %broadcast_in_dim3A_177 = vector.broadcast %jit3A_175 : i32 to vector<16xi32>
      %broadcast_in_dim3A_178 = vector.broadcast %jit3A_176 : i32 to vector<16xi32>
      %select_n3A_179 = arith.select %gt3A_174, %broadcast_in_dim3A_177, %broadcast_in_dim3A_178 : vector<16xi1>, vector<16xi32>
      %min3A_180 = arith.minsi %min3A_168, %select_n3A_179 : vector<16xi32>
      %broadcast_in_dim3A_181 = arith.constant 24 : i32
      %broadcast_in_dim3A_182 = vector.broadcast %broadcast_in_dim3A_181 : i32 to vector<16xi32>
      %gather3A_183 = tpu.vector_load_idx %arg5[%add3A_68, %broadcast_in_dim3A_182] : memref<256x128xf32, #tpu.memory_space<vmem>>[vector<16xi32>, vector<16xi32>], vector<16xf32>,
      %gt3A_184 = arith.constant 5.000000e-01 : f32
      %gt3A_185 = vector.broadcast %gt3A_184 : f32 to vector<16xf32>
      %gt3A_186 = arith.cmpf ogt, %gather3A_183, %gt3A_185 : vector<16xf32>
      %jit3A_187 = arith.constant 8 : i32
      %jit3A_188 = arith.constant 16 : i32
      %broadcast_in_dim3A_189 = vector.broadcast %jit3A_187 : i32 to vector<16xi32>
      %broadcast_in_dim3A_190 = vector.broadcast %jit3A_188 : i32 to vector<16xi32>
      %select_n3A_191 = arith.select %gt3A_186, %broadcast_in_dim3A_189, %broadcast_in_dim3A_190 : vector<16xi1>, vector<16xi32>
      %min3A_192 = arith.minsi %min3A_180, %select_n3A_191 : vector<16xi32>
      %broadcast_in_dim3A_193 = arith.constant 25 : i32
      %broadcast_in_dim3A_194 = vector.broadcast %broadcast_in_dim3A_193 : i32 to vector<16xi32>
      %gather3A_195 = tpu.vector_load_idx %arg5[%add3A_68, %broadcast_in_dim3A_194] : memref<256x128xf32, #tpu.memory_space<vmem>>[vector<16xi32>, vector<16xi32>], vector<16xf32>,
      %gt3A_196 = arith.constant 5.000000e-01 : f32
      %gt3A_197 = vector.broadcast %gt3A_196 : f32 to vector<16xf32>
      %gt3A_198 = arith.cmpf ogt, %gather3A_195, %gt3A_197 : vector<16xf32>
      %jit3A_199 = arith.constant 9 : i32
      %jit3A_200 = arith.constant 16 : i32
      %broadcast_in_dim3A_201 = vector.broadcast %jit3A_199 : i32 to vector<16xi32>
      %broadcast_in_dim3A_202 = vector.broadcast %jit3A_200 : i32 to vector<16xi32>
      %select_n3A_203 = arith.select %gt3A_198, %broadcast_in_dim3A_201, %broadcast_in_dim3A_202 : vector<16xi1>, vector<16xi32>
      %min3A_204 = arith.minsi %min3A_192, %select_n3A_203 : vector<16xi32>
      %broadcast_in_dim3A_205 = arith.constant 26 : i32
      %broadcast_in_dim3A_206 = vector.broadcast %broadcast_in_dim3A_205 : i32 to vector<16xi32>
      %gather3A_207 = tpu.vector_load_idx %arg5[%add3A_68, %broadcast_in_dim3A_206] : memref<256x128xf32, #tpu.memory_space<vmem>>[vector<16xi32>, vector<16xi32>], vector<16xf32>,
      %gt3A_208 = arith.constant 5.000000e-01 : f32
      %gt3A_209 = vector.broadcast %gt3A_208 : f32 to vector<16xf32>
      %gt3A_210 = arith.cmpf ogt, %gather3A_207, %gt3A_209 : vector<16xf32>
      %jit3A_211 = arith.constant 10 : i32
      %jit3A_212 = arith.constant 16 : i32
      %broadcast_in_dim3A_213 = vector.broadcast %jit3A_211 : i32 to vector<16xi32>
      %broadcast_in_dim3A_214 = vector.broadcast %jit3A_212 : i32 to vector<16xi32>
      %select_n3A_215 = arith.select %gt3A_210, %broadcast_in_dim3A_213, %broadcast_in_dim3A_214 : vector<16xi1>, vector<16xi32>
      %min3A_216 = arith.minsi %min3A_204, %select_n3A_215 : vector<16xi32>
      %broadcast_in_dim3A_217 = arith.constant 27 : i32
      %broadcast_in_dim3A_218 = vector.broadcast %broadcast_in_dim3A_217 : i32 to vector<16xi32>
      %gather3A_219 = tpu.vector_load_idx %arg5[%add3A_68, %broadcast_in_dim3A_218] : memref<256x128xf32, #tpu.memory_space<vmem>>[vector<16xi32>, vector<16xi32>], vector<16xf32>,
      %gt3A_220 = arith.constant 5.000000e-01 : f32
      %gt3A_221 = vector.broadcast %gt3A_220 : f32 to vector<16xf32>
      %gt3A_222 = arith.cmpf ogt, %gather3A_219, %gt3A_221 : vector<16xf32>
      %jit3A_223 = arith.constant 11 : i32
      %jit3A_224 = arith.constant 16 : i32
      %broadcast_in_dim3A_225 = vector.broadcast %jit3A_223 : i32 to vector<16xi32>
      %broadcast_in_dim3A_226 = vector.broadcast %jit3A_224 : i32 to vector<16xi32>
      %select_n3A_227 = arith.select %gt3A_222, %broadcast_in_dim3A_225, %broadcast_in_dim3A_226 : vector<16xi1>, vector<16xi32>
      %min3A_228 = arith.minsi %min3A_216, %select_n3A_227 : vector<16xi32>
      %broadcast_in_dim3A_229 = arith.constant 28 : i32
      %broadcast_in_dim3A_230 = vector.broadcast %broadcast_in_dim3A_229 : i32 to vector<16xi32>
      %gather3A_231 = tpu.vector_load_idx %arg5[%add3A_68, %broadcast_in_dim3A_230] : memref<256x128xf32, #tpu.memory_space<vmem>>[vector<16xi32>, vector<16xi32>], vector<16xf32>,
      %gt3A_232 = arith.constant 5.000000e-01 : f32
      %gt3A_233 = vector.broadcast %gt3A_232 : f32 to vector<16xf32>
      %gt3A_234 = arith.cmpf ogt, %gather3A_231, %gt3A_233 : vector<16xf32>
      %jit3A_235 = arith.constant 12 : i32
      %jit3A_236 = arith.constant 16 : i32
      %broadcast_in_dim3A_237 = vector.broadcast %jit3A_235 : i32 to vector<16xi32>
      %broadcast_in_dim3A_238 = vector.broadcast %jit3A_236 : i32 to vector<16xi32>
      %select_n3A_239 = arith.select %gt3A_234, %broadcast_in_dim3A_237, %broadcast_in_dim3A_238 : vector<16xi1>, vector<16xi32>
      %min3A_240 = arith.minsi %min3A_228, %select_n3A_239 : vector<16xi32>
      %broadcast_in_dim3A_241 = arith.constant 29 : i32
      %broadcast_in_dim3A_242 = vector.broadcast %broadcast_in_dim3A_241 : i32 to vector<16xi32>
      %gather3A_243 = tpu.vector_load_idx %arg5[%add3A_68, %broadcast_in_dim3A_242] : memref<256x128xf32, #tpu.memory_space<vmem>>[vector<16xi32>, vector<16xi32>], vector<16xf32>,
      %gt3A_244 = arith.constant 5.000000e-01 : f32
      %gt3A_245 = vector.broadcast %gt3A_244 : f32 to vector<16xf32>
      %gt3A_246 = arith.cmpf ogt, %gather3A_243, %gt3A_245 : vector<16xf32>
      %jit3A_247 = arith.constant 13 : i32
      %jit3A_248 = arith.constant 16 : i32
      %broadcast_in_dim3A_249 = vector.broadcast %jit3A_247 : i32 to vector<16xi32>
      %broadcast_in_dim3A_250 = vector.broadcast %jit3A_248 : i32 to vector<16xi32>
      %select_n3A_251 = arith.select %gt3A_246, %broadcast_in_dim3A_249, %broadcast_in_dim3A_250 : vector<16xi1>, vector<16xi32>
      %min3A_252 = arith.minsi %min3A_240, %select_n3A_251 : vector<16xi32>
      %broadcast_in_dim3A_253 = arith.constant 30 : i32
      %broadcast_in_dim3A_254 = vector.broadcast %broadcast_in_dim3A_253 : i32 to vector<16xi32>
      %gather3A_255 = tpu.vector_load_idx %arg5[%add3A_68, %broadcast_in_dim3A_254] : memref<256x128xf32, #tpu.memory_space<vmem>>[vector<16xi32>, vector<16xi32>], vector<16xf32>,
      %gt3A_256 = arith.constant 5.000000e-01 : f32
      %gt3A_257 = vector.broadcast %gt3A_256 : f32 to vector<16xf32>
      %gt3A_258 = arith.cmpf ogt, %gather3A_255, %gt3A_257 : vector<16xf32>
      %jit3A_259 = arith.constant 14 : i32
      %jit3A_260 = arith.constant 16 : i32
      %broadcast_in_dim3A_261 = vector.broadcast %jit3A_259 : i32 to vector<16xi32>
      %broadcast_in_dim3A_262 = vector.broadcast %jit3A_260 : i32 to vector<16xi32>
      %select_n3A_263 = arith.select %gt3A_258, %broadcast_in_dim3A_261, %broadcast_in_dim3A_262 : vector<16xi1>, vector<16xi32>
      %min3A_264 = arith.minsi %min3A_252, %select_n3A_263 : vector<16xi32>
      %broadcast_in_dim3A_265 = arith.constant 31 : i32
      %broadcast_in_dim3A_266 = vector.broadcast %broadcast_in_dim3A_265 : i32 to vector<16xi32>
      %gather3A_267 = tpu.vector_load_idx %arg5[%add3A_68, %broadcast_in_dim3A_266] : memref<256x128xf32, #tpu.memory_space<vmem>>[vector<16xi32>, vector<16xi32>], vector<16xf32>,
      %gt3A_268 = arith.constant 5.000000e-01 : f32
      %gt3A_269 = vector.broadcast %gt3A_268 : f32 to vector<16xf32>
      %gt3A_270 = arith.cmpf ogt, %gather3A_267, %gt3A_269 : vector<16xf32>
      %jit3A_271 = arith.constant 15 : i32
      %jit3A_272 = arith.constant 16 : i32
      %broadcast_in_dim3A_273 = vector.broadcast %jit3A_271 : i32 to vector<16xi32>
      %broadcast_in_dim3A_274 = vector.broadcast %jit3A_272 : i32 to vector<16xi32>
      %select_n3A_275 = arith.select %gt3A_270, %broadcast_in_dim3A_273, %broadcast_in_dim3A_274 : vector<16xi1>, vector<16xi32>
      %min3A_276 = arith.minsi %min3A_264, %select_n3A_275 : vector<16xi32>
      %eq3A = arith.constant 16 : i32
      %eq3A_277 = vector.broadcast %eq3A : i32 to vector<16xi32>
      %eq3A_278 = arith.cmpi eq, %min3A_276, %eq3A_277 : vector<16xi32>
      %jit3A_279 = arith.constant 0 : i32
      %broadcast_in_dim3A_280 = vector.broadcast %jit3A_279 : i32 to vector<16xi32>
      %select_n3A_281 = arith.select %eq3A_278, %broadcast_in_dim3A_280, %min3A_276 : vector<16xi1>, vector<16xi32>
      %broadcast_in_dim3A_282 = arith.constant 16 : i32
      %broadcast_in_dim3A_283 = vector.broadcast %broadcast_in_dim3A_282 : i32 to vector<16xi32>
      %broadcast_in_dim3A_284 = arith.constant 32 : i32
      %broadcast_in_dim3A_285 = vector.broadcast %broadcast_in_dim3A_284 : i32 to vector<16xi32>
      %gather3A_286 = tpu.vector_load_idx %arg5[%add3A_68, %broadcast_in_dim3A_285] : memref<256x128xf32, #tpu.memory_space<vmem>>[vector<16xi32>, vector<16xi32>], vector<16xf32>,
      %gt3A_287 = arith.constant 5.000000e-01 : f32
      %gt3A_288 = vector.broadcast %gt3A_287 : f32 to vector<16xf32>
      %gt3A_289 = arith.cmpf ogt, %gather3A_286, %gt3A_288 : vector<16xf32>
      %jit3A_290 = arith.constant 0 : i32
      %jit3A_291 = arith.constant 16 : i32
      %broadcast_in_dim3A_292 = vector.broadcast %jit3A_290 : i32 to vector<16xi32>
      %broadcast_in_dim3A_293 = vector.broadcast %jit3A_291 : i32 to vector<16xi32>
      %select_n3A_294 = arith.select %gt3A_289, %broadcast_in_dim3A_292, %broadcast_in_dim3A_293 : vector<16xi1>, vector<16xi32>
      %min3A_295 = arith.minsi %broadcast_in_dim3A_283, %select_n3A_294 : vector<16xi32>
      %broadcast_in_dim3A_296 = arith.constant 33 : i32
      %broadcast_in_dim3A_297 = vector.broadcast %broadcast_in_dim3A_296 : i32 to vector<16xi32>
      %gather3A_298 = tpu.vector_load_idx %arg5[%add3A_68, %broadcast_in_dim3A_297] : memref<256x128xf32, #tpu.memory_space<vmem>>[vector<16xi32>, vector<16xi32>], vector<16xf32>,
      %gt3A_299 = arith.constant 5.000000e-01 : f32
      %gt3A_300 = vector.broadcast %gt3A_299 : f32 to vector<16xf32>
      %gt3A_301 = arith.cmpf ogt, %gather3A_298, %gt3A_300 : vector<16xf32>
      %jit3A_302 = arith.constant 1 : i32
      %jit3A_303 = arith.constant 16 : i32
      %broadcast_in_dim3A_304 = vector.broadcast %jit3A_302 : i32 to vector<16xi32>
      %broadcast_in_dim3A_305 = vector.broadcast %jit3A_303 : i32 to vector<16xi32>
      %select_n3A_306 = arith.select %gt3A_301, %broadcast_in_dim3A_304, %broadcast_in_dim3A_305 : vector<16xi1>, vector<16xi32>
      %min3A_307 = arith.minsi %min3A_295, %select_n3A_306 : vector<16xi32>
      %broadcast_in_dim3A_308 = arith.constant 34 : i32
      %broadcast_in_dim3A_309 = vector.broadcast %broadcast_in_dim3A_308 : i32 to vector<16xi32>
      %gather3A_310 = tpu.vector_load_idx %arg5[%add3A_68, %broadcast_in_dim3A_309] : memref<256x128xf32, #tpu.memory_space<vmem>>[vector<16xi32>, vector<16xi32>], vector<16xf32>,
      %gt3A_311 = arith.constant 5.000000e-01 : f32
      %gt3A_312 = vector.broadcast %gt3A_311 : f32 to vector<16xf32>
      %gt3A_313 = arith.cmpf ogt, %gather3A_310, %gt3A_312 : vector<16xf32>
      %jit3A_314 = arith.constant 2 : i32
      %jit3A_315 = arith.constant 16 : i32
      %broadcast_in_dim3A_316 = vector.broadcast %jit3A_314 : i32 to vector<16xi32>
      %broadcast_in_dim3A_317 = vector.broadcast %jit3A_315 : i32 to vector<16xi32>
      %select_n3A_318 = arith.select %gt3A_313, %broadcast_in_dim3A_316, %broadcast_in_dim3A_317 : vector<16xi1>, vector<16xi32>
      %min3A_319 = arith.minsi %min3A_307, %select_n3A_318 : vector<16xi32>
      %broadcast_in_dim3A_320 = arith.constant 35 : i32
      %broadcast_in_dim3A_321 = vector.broadcast %broadcast_in_dim3A_320 : i32 to vector<16xi32>
      %gather3A_322 = tpu.vector_load_idx %arg5[%add3A_68, %broadcast_in_dim3A_321] : memref<256x128xf32, #tpu.memory_space<vmem>>[vector<16xi32>, vector<16xi32>], vector<16xf32>,
      %gt3A_323 = arith.constant 5.000000e-01 : f32
      %gt3A_324 = vector.broadcast %gt3A_323 : f32 to vector<16xf32>
      %gt3A_325 = arith.cmpf ogt, %gather3A_322, %gt3A_324 : vector<16xf32>
      %jit3A_326 = arith.constant 3 : i32
      %jit3A_327 = arith.constant 16 : i32
      %broadcast_in_dim3A_328 = vector.broadcast %jit3A_326 : i32 to vector<16xi32>
      %broadcast_in_dim3A_329 = vector.broadcast %jit3A_327 : i32 to vector<16xi32>
      %select_n3A_330 = arith.select %gt3A_325, %broadcast_in_dim3A_328, %broadcast_in_dim3A_329 : vector<16xi1>, vector<16xi32>
      %min3A_331 = arith.minsi %min3A_319, %select_n3A_330 : vector<16xi32>
      %broadcast_in_dim3A_332 = arith.constant 36 : i32
      %broadcast_in_dim3A_333 = vector.broadcast %broadcast_in_dim3A_332 : i32 to vector<16xi32>
      %gather3A_334 = tpu.vector_load_idx %arg5[%add3A_68, %broadcast_in_dim3A_333] : memref<256x128xf32, #tpu.memory_space<vmem>>[vector<16xi32>, vector<16xi32>], vector<16xf32>,
      %gt3A_335 = arith.constant 5.000000e-01 : f32
      %gt3A_336 = vector.broadcast %gt3A_335 : f32 to vector<16xf32>
      %gt3A_337 = arith.cmpf ogt, %gather3A_334, %gt3A_336 : vector<16xf32>
      %jit3A_338 = arith.constant 4 : i32
      %jit3A_339 = arith.constant 16 : i32
      %broadcast_in_dim3A_340 = vector.broadcast %jit3A_338 : i32 to vector<16xi32>
      %broadcast_in_dim3A_341 = vector.broadcast %jit3A_339 : i32 to vector<16xi32>
      %select_n3A_342 = arith.select %gt3A_337, %broadcast_in_dim3A_340, %broadcast_in_dim3A_341 : vector<16xi1>, vector<16xi32>
      %min3A_343 = arith.minsi %min3A_331, %select_n3A_342 : vector<16xi32>
      %broadcast_in_dim3A_344 = arith.constant 37 : i32
      %broadcast_in_dim3A_345 = vector.broadcast %broadcast_in_dim3A_344 : i32 to vector<16xi32>
      %gather3A_346 = tpu.vector_load_idx %arg5[%add3A_68, %broadcast_in_dim3A_345] : memref<256x128xf32, #tpu.memory_space<vmem>>[vector<16xi32>, vector<16xi32>], vector<16xf32>,
      %gt3A_347 = arith.constant 5.000000e-01 : f32
      %gt3A_348 = vector.broadcast %gt3A_347 : f32 to vector<16xf32>
      %gt3A_349 = arith.cmpf ogt, %gather3A_346, %gt3A_348 : vector<16xf32>
      %jit3A_350 = arith.constant 5 : i32
      %jit3A_351 = arith.constant 16 : i32
      %broadcast_in_dim3A_352 = vector.broadcast %jit3A_350 : i32 to vector<16xi32>
      %broadcast_in_dim3A_353 = vector.broadcast %jit3A_351 : i32 to vector<16xi32>
      %select_n3A_354 = arith.select %gt3A_349, %broadcast_in_dim3A_352, %broadcast_in_dim3A_353 : vector<16xi1>, vector<16xi32>
      %min3A_355 = arith.minsi %min3A_343, %select_n3A_354 : vector<16xi32>
      %broadcast_in_dim3A_356 = arith.constant 38 : i32
      %broadcast_in_dim3A_357 = vector.broadcast %broadcast_in_dim3A_356 : i32 to vector<16xi32>
      %gather3A_358 = tpu.vector_load_idx %arg5[%add3A_68, %broadcast_in_dim3A_357] : memref<256x128xf32, #tpu.memory_space<vmem>>[vector<16xi32>, vector<16xi32>], vector<16xf32>,
      %gt3A_359 = arith.constant 5.000000e-01 : f32
      %gt3A_360 = vector.broadcast %gt3A_359 : f32 to vector<16xf32>
      %gt3A_361 = arith.cmpf ogt, %gather3A_358, %gt3A_360 : vector<16xf32>
      %jit3A_362 = arith.constant 6 : i32
      %jit3A_363 = arith.constant 16 : i32
      %broadcast_in_dim3A_364 = vector.broadcast %jit3A_362 : i32 to vector<16xi32>
      %broadcast_in_dim3A_365 = vector.broadcast %jit3A_363 : i32 to vector<16xi32>
      %select_n3A_366 = arith.select %gt3A_361, %broadcast_in_dim3A_364, %broadcast_in_dim3A_365 : vector<16xi1>, vector<16xi32>
      %min3A_367 = arith.minsi %min3A_355, %select_n3A_366 : vector<16xi32>
      %broadcast_in_dim3A_368 = arith.constant 39 : i32
      %broadcast_in_dim3A_369 = vector.broadcast %broadcast_in_dim3A_368 : i32 to vector<16xi32>
      %gather3A_370 = tpu.vector_load_idx %arg5[%add3A_68, %broadcast_in_dim3A_369] : memref<256x128xf32, #tpu.memory_space<vmem>>[vector<16xi32>, vector<16xi32>], vector<16xf32>,
      %gt3A_371 = arith.constant 5.000000e-01 : f32
      %gt3A_372 = vector.broadcast %gt3A_371 : f32 to vector<16xf32>
      %gt3A_373 = arith.cmpf ogt, %gather3A_370, %gt3A_372 : vector<16xf32>
      %jit3A_374 = arith.constant 7 : i32
      %jit3A_375 = arith.constant 16 : i32
      %broadcast_in_dim3A_376 = vector.broadcast %jit3A_374 : i32 to vector<16xi32>
      %broadcast_in_dim3A_377 = vector.broadcast %jit3A_375 : i32 to vector<16xi32>
      %select_n3A_378 = arith.select %gt3A_373, %broadcast_in_dim3A_376, %broadcast_in_dim3A_377 : vector<16xi1>, vector<16xi32>
      %min3A_379 = arith.minsi %min3A_367, %select_n3A_378 : vector<16xi32>
      %broadcast_in_dim3A_380 = arith.constant 40 : i32
      %broadcast_in_dim3A_381 = vector.broadcast %broadcast_in_dim3A_380 : i32 to vector<16xi32>
      %gather3A_382 = tpu.vector_load_idx %arg5[%add3A_68, %broadcast_in_dim3A_381] : memref<256x128xf32, #tpu.memory_space<vmem>>[vector<16xi32>, vector<16xi32>], vector<16xf32>,
      %gt3A_383 = arith.constant 5.000000e-01 : f32
      %gt3A_384 = vector.broadcast %gt3A_383 : f32 to vector<16xf32>
      %gt3A_385 = arith.cmpf ogt, %gather3A_382, %gt3A_384 : vector<16xf32>
      %jit3A_386 = arith.constant 8 : i32
      %jit3A_387 = arith.constant 16 : i32
      %broadcast_in_dim3A_388 = vector.broadcast %jit3A_386 : i32 to vector<16xi32>
      %broadcast_in_dim3A_389 = vector.broadcast %jit3A_387 : i32 to vector<16xi32>
      %select_n3A_390 = arith.select %gt3A_385, %broadcast_in_dim3A_388, %broadcast_in_dim3A_389 : vector<16xi1>, vector<16xi32>
      %min3A_391 = arith.minsi %min3A_379, %select_n3A_390 : vector<16xi32>
      %broadcast_in_dim3A_392 = arith.constant 41 : i32
      %broadcast_in_dim3A_393 = vector.broadcast %broadcast_in_dim3A_392 : i32 to vector<16xi32>
      %gather3A_394 = tpu.vector_load_idx %arg5[%add3A_68, %broadcast_in_dim3A_393] : memref<256x128xf32, #tpu.memory_space<vmem>>[vector<16xi32>, vector<16xi32>], vector<16xf32>,
      %gt3A_395 = arith.constant 5.000000e-01 : f32
      %gt3A_396 = vector.broadcast %gt3A_395 : f32 to vector<16xf32>
      %gt3A_397 = arith.cmpf ogt, %gather3A_394, %gt3A_396 : vector<16xf32>
      %jit3A_398 = arith.constant 9 : i32
      %jit3A_399 = arith.constant 16 : i32
      %broadcast_in_dim3A_400 = vector.broadcast %jit3A_398 : i32 to vector<16xi32>
      %broadcast_in_dim3A_401 = vector.broadcast %jit3A_399 : i32 to vector<16xi32>
      %select_n3A_402 = arith.select %gt3A_397, %broadcast_in_dim3A_400, %broadcast_in_dim3A_401 : vector<16xi1>, vector<16xi32>
      %min3A_403 = arith.minsi %min3A_391, %select_n3A_402 : vector<16xi32>
      %broadcast_in_dim3A_404 = arith.constant 42 : i32
      %broadcast_in_dim3A_405 = vector.broadcast %broadcast_in_dim3A_404 : i32 to vector<16xi32>
      %gather3A_406 = tpu.vector_load_idx %arg5[%add3A_68, %broadcast_in_dim3A_405] : memref<256x128xf32, #tpu.memory_space<vmem>>[vector<16xi32>, vector<16xi32>], vector<16xf32>,
      %gt3A_407 = arith.constant 5.000000e-01 : f32
      %gt3A_408 = vector.broadcast %gt3A_407 : f32 to vector<16xf32>
      %gt3A_409 = arith.cmpf ogt, %gather3A_406, %gt3A_408 : vector<16xf32>
      %jit3A_410 = arith.constant 10 : i32
      %jit3A_411 = arith.constant 16 : i32
      %broadcast_in_dim3A_412 = vector.broadcast %jit3A_410 : i32 to vector<16xi32>
      %broadcast_in_dim3A_413 = vector.broadcast %jit3A_411 : i32 to vector<16xi32>
      %select_n3A_414 = arith.select %gt3A_409, %broadcast_in_dim3A_412, %broadcast_in_dim3A_413 : vector<16xi1>, vector<16xi32>
      %min3A_415 = arith.minsi %min3A_403, %select_n3A_414 : vector<16xi32>
      %broadcast_in_dim3A_416 = arith.constant 43 : i32
      %broadcast_in_dim3A_417 = vector.broadcast %broadcast_in_dim3A_416 : i32 to vector<16xi32>
      %gather3A_418 = tpu.vector_load_idx %arg5[%add3A_68, %broadcast_in_dim3A_417] : memref<256x128xf32, #tpu.memory_space<vmem>>[vector<16xi32>, vector<16xi32>], vector<16xf32>,
      %gt3A_419 = arith.constant 5.000000e-01 : f32
      %gt3A_420 = vector.broadcast %gt3A_419 : f32 to vector<16xf32>
      %gt3A_421 = arith.cmpf ogt, %gather3A_418, %gt3A_420 : vector<16xf32>
      %jit3A_422 = arith.constant 11 : i32
      %jit3A_423 = arith.constant 16 : i32
      %broadcast_in_dim3A_424 = vector.broadcast %jit3A_422 : i32 to vector<16xi32>
      %broadcast_in_dim3A_425 = vector.broadcast %jit3A_423 : i32 to vector<16xi32>
      %select_n3A_426 = arith.select %gt3A_421, %broadcast_in_dim3A_424, %broadcast_in_dim3A_425 : vector<16xi1>, vector<16xi32>
      %min3A_427 = arith.minsi %min3A_415, %select_n3A_426 : vector<16xi32>
      %broadcast_in_dim3A_428 = arith.constant 44 : i32
      %broadcast_in_dim3A_429 = vector.broadcast %broadcast_in_dim3A_428 : i32 to vector<16xi32>
      %gather3A_430 = tpu.vector_load_idx %arg5[%add3A_68, %broadcast_in_dim3A_429] : memref<256x128xf32, #tpu.memory_space<vmem>>[vector<16xi32>, vector<16xi32>], vector<16xf32>,
      %gt3A_431 = arith.constant 5.000000e-01 : f32
      %gt3A_432 = vector.broadcast %gt3A_431 : f32 to vector<16xf32>
      %gt3A_433 = arith.cmpf ogt, %gather3A_430, %gt3A_432 : vector<16xf32>
      %jit3A_434 = arith.constant 12 : i32
      %jit3A_435 = arith.constant 16 : i32
      %broadcast_in_dim3A_436 = vector.broadcast %jit3A_434 : i32 to vector<16xi32>
      %broadcast_in_dim3A_437 = vector.broadcast %jit3A_435 : i32 to vector<16xi32>
      %select_n3A_438 = arith.select %gt3A_433, %broadcast_in_dim3A_436, %broadcast_in_dim3A_437 : vector<16xi1>, vector<16xi32>
      %min3A_439 = arith.minsi %min3A_427, %select_n3A_438 : vector<16xi32>
      %broadcast_in_dim3A_440 = arith.constant 45 : i32
      %broadcast_in_dim3A_441 = vector.broadcast %broadcast_in_dim3A_440 : i32 to vector<16xi32>
      %gather3A_442 = tpu.vector_load_idx %arg5[%add3A_68, %broadcast_in_dim3A_441] : memref<256x128xf32, #tpu.memory_space<vmem>>[vector<16xi32>, vector<16xi32>], vector<16xf32>,
      %gt3A_443 = arith.constant 5.000000e-01 : f32
      %gt3A_444 = vector.broadcast %gt3A_443 : f32 to vector<16xf32>
      %gt3A_445 = arith.cmpf ogt, %gather3A_442, %gt3A_444 : vector<16xf32>
      %jit3A_446 = arith.constant 13 : i32
      %jit3A_447 = arith.constant 16 : i32
      %broadcast_in_dim3A_448 = vector.broadcast %jit3A_446 : i32 to vector<16xi32>
      %broadcast_in_dim3A_449 = vector.broadcast %jit3A_447 : i32 to vector<16xi32>
      %select_n3A_450 = arith.select %gt3A_445, %broadcast_in_dim3A_448, %broadcast_in_dim3A_449 : vector<16xi1>, vector<16xi32>
      %min3A_451 = arith.minsi %min3A_439, %select_n3A_450 : vector<16xi32>
      %broadcast_in_dim3A_452 = arith.constant 46 : i32
      %broadcast_in_dim3A_453 = vector.broadcast %broadcast_in_dim3A_452 : i32 to vector<16xi32>
      %gather3A_454 = tpu.vector_load_idx %arg5[%add3A_68, %broadcast_in_dim3A_453] : memref<256x128xf32, #tpu.memory_space<vmem>>[vector<16xi32>, vector<16xi32>], vector<16xf32>,
      %gt3A_455 = arith.constant 5.000000e-01 : f32
      %gt3A_456 = vector.broadcast %gt3A_455 : f32 to vector<16xf32>
      %gt3A_457 = arith.cmpf ogt, %gather3A_454, %gt3A_456 : vector<16xf32>
      %jit3A_458 = arith.constant 14 : i32
      %jit3A_459 = arith.constant 16 : i32
      %broadcast_in_dim3A_460 = vector.broadcast %jit3A_458 : i32 to vector<16xi32>
      %broadcast_in_dim3A_461 = vector.broadcast %jit3A_459 : i32 to vector<16xi32>
      %select_n3A_462 = arith.select %gt3A_457, %broadcast_in_dim3A_460, %broadcast_in_dim3A_461 : vector<16xi1>, vector<16xi32>
      %min3A_463 = arith.minsi %min3A_451, %select_n3A_462 : vector<16xi32>
      %broadcast_in_dim3A_464 = arith.constant 47 : i32
      %broadcast_in_dim3A_465 = vector.broadcast %broadcast_in_dim3A_464 : i32 to vector<16xi32>
      %gather3A_466 = tpu.vector_load_idx %arg5[%add3A_68, %broadcast_in_dim3A_465] : memref<256x128xf32, #tpu.memory_space<vmem>>[vector<16xi32>, vector<16xi32>], vector<16xf32>,
      %gt3A_467 = arith.constant 5.000000e-01 : f32
      %gt3A_468 = vector.broadcast %gt3A_467 : f32 to vector<16xf32>
      %gt3A_469 = arith.cmpf ogt, %gather3A_466, %gt3A_468 : vector<16xf32>
      %jit3A_470 = arith.constant 15 : i32
      %jit3A_471 = arith.constant 16 : i32
      %broadcast_in_dim3A_472 = vector.broadcast %jit3A_470 : i32 to vector<16xi32>
      %broadcast_in_dim3A_473 = vector.broadcast %jit3A_471 : i32 to vector<16xi32>
      %select_n3A_474 = arith.select %gt3A_469, %broadcast_in_dim3A_472, %broadcast_in_dim3A_473 : vector<16xi1>, vector<16xi32>
      %min3A_475 = arith.minsi %min3A_463, %select_n3A_474 : vector<16xi32>
      %eq3A_476 = arith.constant 16 : i32
      %eq3A_477 = vector.broadcast %eq3A_476 : i32 to vector<16xi32>
      %eq3A_478 = arith.cmpi eq, %min3A_475, %eq3A_477 : vector<16xi32>
      %jit3A_479 = arith.constant 0 : i32
      %broadcast_in_dim3A_480 = vector.broadcast %jit3A_479 : i32 to vector<16xi32>
      %select_n3A_481 = arith.select %eq3A_478, %broadcast_in_dim3A_480, %min3A_475 : vector<16xi1>, vector<16xi32>
      %broadcast_in_dim3A_482 = arith.constant 16 : i32
      %broadcast_in_dim3A_483 = vector.broadcast %broadcast_in_dim3A_482 : i32 to vector<16xi32>
      %broadcast_in_dim3A_484 = arith.constant 48 : i32
      %broadcast_in_dim3A_485 = vector.broadcast %broadcast_in_dim3A_484 : i32 to vector<16xi32>
      %gather3A_486 = tpu.vector_load_idx %arg5[%add3A_68, %broadcast_in_dim3A_485] : memref<256x128xf32, #tpu.memory_space<vmem>>[vector<16xi32>, vector<16xi32>], vector<16xf32>,
      %gt3A_487 = arith.constant 5.000000e-01 : f32
      %gt3A_488 = vector.broadcast %gt3A_487 : f32 to vector<16xf32>
      %gt3A_489 = arith.cmpf ogt, %gather3A_486, %gt3A_488 : vector<16xf32>
      %jit3A_490 = arith.constant 0 : i32
      %jit3A_491 = arith.constant 16 : i32
      %broadcast_in_dim3A_492 = vector.broadcast %jit3A_490 : i32 to vector<16xi32>
      %broadcast_in_dim3A_493 = vector.broadcast %jit3A_491 : i32 to vector<16xi32>
      %select_n3A_494 = arith.select %gt3A_489, %broadcast_in_dim3A_492, %broadcast_in_dim3A_493 : vector<16xi1>, vector<16xi32>
      %min3A_495 = arith.minsi %broadcast_in_dim3A_483, %select_n3A_494 : vector<16xi32>
      %broadcast_in_dim3A_496 = arith.constant 49 : i32
      %broadcast_in_dim3A_497 = vector.broadcast %broadcast_in_dim3A_496 : i32 to vector<16xi32>
      %gather3A_498 = tpu.vector_load_idx %arg5[%add3A_68, %broadcast_in_dim3A_497] : memref<256x128xf32, #tpu.memory_space<vmem>>[vector<16xi32>, vector<16xi32>], vector<16xf32>,
      %gt3A_499 = arith.constant 5.000000e-01 : f32
      %gt3A_500 = vector.broadcast %gt3A_499 : f32 to vector<16xf32>
      %gt3A_501 = arith.cmpf ogt, %gather3A_498, %gt3A_500 : vector<16xf32>
      %jit3A_502 = arith.constant 1 : i32
      %jit3A_503 = arith.constant 16 : i32
      %broadcast_in_dim3A_504 = vector.broadcast %jit3A_502 : i32 to vector<16xi32>
      %broadcast_in_dim3A_505 = vector.broadcast %jit3A_503 : i32 to vector<16xi32>
      %select_n3A_506 = arith.select %gt3A_501, %broadcast_in_dim3A_504, %broadcast_in_dim3A_505 : vector<16xi1>, vector<16xi32>
      %min3A_507 = arith.minsi %min3A_495, %select_n3A_506 : vector<16xi32>
      %broadcast_in_dim3A_508 = arith.constant 50 : i32
      %broadcast_in_dim3A_509 = vector.broadcast %broadcast_in_dim3A_508 : i32 to vector<16xi32>
      %gather3A_510 = tpu.vector_load_idx %arg5[%add3A_68, %broadcast_in_dim3A_509] : memref<256x128xf32, #tpu.memory_space<vmem>>[vector<16xi32>, vector<16xi32>], vector<16xf32>,
      %gt3A_511 = arith.constant 5.000000e-01 : f32
      %gt3A_512 = vector.broadcast %gt3A_511 : f32 to vector<16xf32>
      %gt3A_513 = arith.cmpf ogt, %gather3A_510, %gt3A_512 : vector<16xf32>
      %jit3A_514 = arith.constant 2 : i32
      %jit3A_515 = arith.constant 16 : i32
      %broadcast_in_dim3A_516 = vector.broadcast %jit3A_514 : i32 to vector<16xi32>
      %broadcast_in_dim3A_517 = vector.broadcast %jit3A_515 : i32 to vector<16xi32>
      %select_n3A_518 = arith.select %gt3A_513, %broadcast_in_dim3A_516, %broadcast_in_dim3A_517 : vector<16xi1>, vector<16xi32>
      %min3A_519 = arith.minsi %min3A_507, %select_n3A_518 : vector<16xi32>
      %broadcast_in_dim3A_520 = arith.constant 51 : i32
      %broadcast_in_dim3A_521 = vector.broadcast %broadcast_in_dim3A_520 : i32 to vector<16xi32>
      %gather3A_522 = tpu.vector_load_idx %arg5[%add3A_68, %broadcast_in_dim3A_521] : memref<256x128xf32, #tpu.memory_space<vmem>>[vector<16xi32>, vector<16xi32>], vector<16xf32>,
      %gt3A_523 = arith.constant 5.000000e-01 : f32
      %gt3A_524 = vector.broadcast %gt3A_523 : f32 to vector<16xf32>
      %gt3A_525 = arith.cmpf ogt, %gather3A_522, %gt3A_524 : vector<16xf32>
      %jit3A_526 = arith.constant 3 : i32
      %jit3A_527 = arith.constant 16 : i32
      %broadcast_in_dim3A_528 = vector.broadcast %jit3A_526 : i32 to vector<16xi32>
      %broadcast_in_dim3A_529 = vector.broadcast %jit3A_527 : i32 to vector<16xi32>
      %select_n3A_530 = arith.select %gt3A_525, %broadcast_in_dim3A_528, %broadcast_in_dim3A_529 : vector<16xi1>, vector<16xi32>
      %min3A_531 = arith.minsi %min3A_519, %select_n3A_530 : vector<16xi32>
      %broadcast_in_dim3A_532 = arith.constant 52 : i32
      %broadcast_in_dim3A_533 = vector.broadcast %broadcast_in_dim3A_532 : i32 to vector<16xi32>
      %gather3A_534 = tpu.vector_load_idx %arg5[%add3A_68, %broadcast_in_dim3A_533] : memref<256x128xf32, #tpu.memory_space<vmem>>[vector<16xi32>, vector<16xi32>], vector<16xf32>,
      %gt3A_535 = arith.constant 5.000000e-01 : f32
      %gt3A_536 = vector.broadcast %gt3A_535 : f32 to vector<16xf32>
      %gt3A_537 = arith.cmpf ogt, %gather3A_534, %gt3A_536 : vector<16xf32>
      %jit3A_538 = arith.constant 4 : i32
      %jit3A_539 = arith.constant 16 : i32
      %broadcast_in_dim3A_540 = vector.broadcast %jit3A_538 : i32 to vector<16xi32>
      %broadcast_in_dim3A_541 = vector.broadcast %jit3A_539 : i32 to vector<16xi32>
      %select_n3A_542 = arith.select %gt3A_537, %broadcast_in_dim3A_540, %broadcast_in_dim3A_541 : vector<16xi1>, vector<16xi32>
      %min3A_543 = arith.minsi %min3A_531, %select_n3A_542 : vector<16xi32>
      %broadcast_in_dim3A_544 = arith.constant 53 : i32
      %broadcast_in_dim3A_545 = vector.broadcast %broadcast_in_dim3A_544 : i32 to vector<16xi32>
      %gather3A_546 = tpu.vector_load_idx %arg5[%add3A_68, %broadcast_in_dim3A_545] : memref<256x128xf32, #tpu.memory_space<vmem>>[vector<16xi32>, vector<16xi32>], vector<16xf32>,
      %gt3A_547 = arith.constant 5.000000e-01 : f32
      %gt3A_548 = vector.broadcast %gt3A_547 : f32 to vector<16xf32>
      %gt3A_549 = arith.cmpf ogt, %gather3A_546, %gt3A_548 : vector<16xf32>
      %jit3A_550 = arith.constant 5 : i32
      %jit3A_551 = arith.constant 16 : i32
      %broadcast_in_dim3A_552 = vector.broadcast %jit3A_550 : i32 to vector<16xi32>
      %broadcast_in_dim3A_553 = vector.broadcast %jit3A_551 : i32 to vector<16xi32>
      %select_n3A_554 = arith.select %gt3A_549, %broadcast_in_dim3A_552, %broadcast_in_dim3A_553 : vector<16xi1>, vector<16xi32>
      %min3A_555 = arith.minsi %min3A_543, %select_n3A_554 : vector<16xi32>
      %broadcast_in_dim3A_556 = arith.constant 54 : i32
      %broadcast_in_dim3A_557 = vector.broadcast %broadcast_in_dim3A_556 : i32 to vector<16xi32>
      %gather3A_558 = tpu.vector_load_idx %arg5[%add3A_68, %broadcast_in_dim3A_557] : memref<256x128xf32, #tpu.memory_space<vmem>>[vector<16xi32>, vector<16xi32>], vector<16xf32>,
      %gt3A_559 = arith.constant 5.000000e-01 : f32
      %gt3A_560 = vector.broadcast %gt3A_559 : f32 to vector<16xf32>
      %gt3A_561 = arith.cmpf ogt, %gather3A_558, %gt3A_560 : vector<16xf32>
      %jit3A_562 = arith.constant 6 : i32
      %jit3A_563 = arith.constant 16 : i32
      %broadcast_in_dim3A_564 = vector.broadcast %jit3A_562 : i32 to vector<16xi32>
      %broadcast_in_dim3A_565 = vector.broadcast %jit3A_563 : i32 to vector<16xi32>
      %select_n3A_566 = arith.select %gt3A_561, %broadcast_in_dim3A_564, %broadcast_in_dim3A_565 : vector<16xi1>, vector<16xi32>
      %min3A_567 = arith.minsi %min3A_555, %select_n3A_566 : vector<16xi32>
      %broadcast_in_dim3A_568 = arith.constant 55 : i32
      %broadcast_in_dim3A_569 = vector.broadcast %broadcast_in_dim3A_568 : i32 to vector<16xi32>
      %gather3A_570 = tpu.vector_load_idx %arg5[%add3A_68, %broadcast_in_dim3A_569] : memref<256x128xf32, #tpu.memory_space<vmem>>[vector<16xi32>, vector<16xi32>], vector<16xf32>,
      %gt3A_571 = arith.constant 5.000000e-01 : f32
      %gt3A_572 = vector.broadcast %gt3A_571 : f32 to vector<16xf32>
      %gt3A_573 = arith.cmpf ogt, %gather3A_570, %gt3A_572 : vector<16xf32>
      %jit3A_574 = arith.constant 7 : i32
      %jit3A_575 = arith.constant 16 : i32
      %broadcast_in_dim3A_576 = vector.broadcast %jit3A_574 : i32 to vector<16xi32>
      %broadcast_in_dim3A_577 = vector.broadcast %jit3A_575 : i32 to vector<16xi32>
      %select_n3A_578 = arith.select %gt3A_573, %broadcast_in_dim3A_576, %broadcast_in_dim3A_577 : vector<16xi1>, vector<16xi32>
      %min3A_579 = arith.minsi %min3A_567, %select_n3A_578 : vector<16xi32>
      %broadcast_in_dim3A_580 = arith.constant 56 : i32
      %broadcast_in_dim3A_581 = vector.broadcast %broadcast_in_dim3A_580 : i32 to vector<16xi32>
      %gather3A_582 = tpu.vector_load_idx %arg5[%add3A_68, %broadcast_in_dim3A_581] : memref<256x128xf32, #tpu.memory_space<vmem>>[vector<16xi32>, vector<16xi32>], vector<16xf32>,
      %gt3A_583 = arith.constant 5.000000e-01 : f32
      %gt3A_584 = vector.broadcast %gt3A_583 : f32 to vector<16xf32>
      %gt3A_585 = arith.cmpf ogt, %gather3A_582, %gt3A_584 : vector<16xf32>
      %jit3A_586 = arith.constant 8 : i32
      %jit3A_587 = arith.constant 16 : i32
      %broadcast_in_dim3A_588 = vector.broadcast %jit3A_586 : i32 to vector<16xi32>
      %broadcast_in_dim3A_589 = vector.broadcast %jit3A_587 : i32 to vector<16xi32>
      %select_n3A_590 = arith.select %gt3A_585, %broadcast_in_dim3A_588, %broadcast_in_dim3A_589 : vector<16xi1>, vector<16xi32>
      %min3A_591 = arith.minsi %min3A_579, %select_n3A_590 : vector<16xi32>
      %broadcast_in_dim3A_592 = arith.constant 57 : i32
      %broadcast_in_dim3A_593 = vector.broadcast %broadcast_in_dim3A_592 : i32 to vector<16xi32>
      %gather3A_594 = tpu.vector_load_idx %arg5[%add3A_68, %broadcast_in_dim3A_593] : memref<256x128xf32, #tpu.memory_space<vmem>>[vector<16xi32>, vector<16xi32>], vector<16xf32>,
      %gt3A_595 = arith.constant 5.000000e-01 : f32
      %gt3A_596 = vector.broadcast %gt3A_595 : f32 to vector<16xf32>
      %gt3A_597 = arith.cmpf ogt, %gather3A_594, %gt3A_596 : vector<16xf32>
      %jit3A_598 = arith.constant 9 : i32
      %jit3A_599 = arith.constant 16 : i32
      %broadcast_in_dim3A_600 = vector.broadcast %jit3A_598 : i32 to vector<16xi32>
      %broadcast_in_dim3A_601 = vector.broadcast %jit3A_599 : i32 to vector<16xi32>
      %select_n3A_602 = arith.select %gt3A_597, %broadcast_in_dim3A_600, %broadcast_in_dim3A_601 : vector<16xi1>, vector<16xi32>
      %min3A_603 = arith.minsi %min3A_591, %select_n3A_602 : vector<16xi32>
      %broadcast_in_dim3A_604 = arith.constant 58 : i32
      %broadcast_in_dim3A_605 = vector.broadcast %broadcast_in_dim3A_604 : i32 to vector<16xi32>
      %gather3A_606 = tpu.vector_load_idx %arg5[%add3A_68, %broadcast_in_dim3A_605] : memref<256x128xf32, #tpu.memory_space<vmem>>[vector<16xi32>, vector<16xi32>], vector<16xf32>,
      %gt3A_607 = arith.constant 5.000000e-01 : f32
      %gt3A_608 = vector.broadcast %gt3A_607 : f32 to vector<16xf32>
      %gt3A_609 = arith.cmpf ogt, %gather3A_606, %gt3A_608 : vector<16xf32>
      %jit3A_610 = arith.constant 10 : i32
      %jit3A_611 = arith.constant 16 : i32
      %broadcast_in_dim3A_612 = vector.broadcast %jit3A_610 : i32 to vector<16xi32>
      %broadcast_in_dim3A_613 = vector.broadcast %jit3A_611 : i32 to vector<16xi32>
      %select_n3A_614 = arith.select %gt3A_609, %broadcast_in_dim3A_612, %broadcast_in_dim3A_613 : vector<16xi1>, vector<16xi32>
      %min3A_615 = arith.minsi %min3A_603, %select_n3A_614 : vector<16xi32>
      %broadcast_in_dim3A_616 = arith.constant 59 : i32
      %broadcast_in_dim3A_617 = vector.broadcast %broadcast_in_dim3A_616 : i32 to vector<16xi32>
      %gather3A_618 = tpu.vector_load_idx %arg5[%add3A_68, %broadcast_in_dim3A_617] : memref<256x128xf32, #tpu.memory_space<vmem>>[vector<16xi32>, vector<16xi32>], vector<16xf32>,
      %gt3A_619 = arith.constant 5.000000e-01 : f32
      %gt3A_620 = vector.broadcast %gt3A_619 : f32 to vector<16xf32>
      %gt3A_621 = arith.cmpf ogt, %gather3A_618, %gt3A_620 : vector<16xf32>
      %jit3A_622 = arith.constant 11 : i32
      %jit3A_623 = arith.constant 16 : i32
      %broadcast_in_dim3A_624 = vector.broadcast %jit3A_622 : i32 to vector<16xi32>
      %broadcast_in_dim3A_625 = vector.broadcast %jit3A_623 : i32 to vector<16xi32>
      %select_n3A_626 = arith.select %gt3A_621, %broadcast_in_dim3A_624, %broadcast_in_dim3A_625 : vector<16xi1>, vector<16xi32>
      %min3A_627 = arith.minsi %min3A_615, %select_n3A_626 : vector<16xi32>
      %broadcast_in_dim3A_628 = arith.constant 60 : i32
      %broadcast_in_dim3A_629 = vector.broadcast %broadcast_in_dim3A_628 : i32 to vector<16xi32>
      %gather3A_630 = tpu.vector_load_idx %arg5[%add3A_68, %broadcast_in_dim3A_629] : memref<256x128xf32, #tpu.memory_space<vmem>>[vector<16xi32>, vector<16xi32>], vector<16xf32>,
      %gt3A_631 = arith.constant 5.000000e-01 : f32
      %gt3A_632 = vector.broadcast %gt3A_631 : f32 to vector<16xf32>
      %gt3A_633 = arith.cmpf ogt, %gather3A_630, %gt3A_632 : vector<16xf32>
      %jit3A_634 = arith.constant 12 : i32
      %jit3A_635 = arith.constant 16 : i32
      %broadcast_in_dim3A_636 = vector.broadcast %jit3A_634 : i32 to vector<16xi32>
      %broadcast_in_dim3A_637 = vector.broadcast %jit3A_635 : i32 to vector<16xi32>
      %select_n3A_638 = arith.select %gt3A_633, %broadcast_in_dim3A_636, %broadcast_in_dim3A_637 : vector<16xi1>, vector<16xi32>
      %min3A_639 = arith.minsi %min3A_627, %select_n3A_638 : vector<16xi32>
      %broadcast_in_dim3A_640 = arith.constant 61 : i32
      %broadcast_in_dim3A_641 = vector.broadcast %broadcast_in_dim3A_640 : i32 to vector<16xi32>
      %gather3A_642 = tpu.vector_load_idx %arg5[%add3A_68, %broadcast_in_dim3A_641] : memref<256x128xf32, #tpu.memory_space<vmem>>[vector<16xi32>, vector<16xi32>], vector<16xf32>,
      %gt3A_643 = arith.constant 5.000000e-01 : f32
      %gt3A_644 = vector.broadcast %gt3A_643 : f32 to vector<16xf32>
      %gt3A_645 = arith.cmpf ogt, %gather3A_642, %gt3A_644 : vector<16xf32>
      %jit3A_646 = arith.constant 13 : i32
      %jit3A_647 = arith.constant 16 : i32
      %broadcast_in_dim3A_648 = vector.broadcast %jit3A_646 : i32 to vector<16xi32>
      %broadcast_in_dim3A_649 = vector.broadcast %jit3A_647 : i32 to vector<16xi32>
      %select_n3A_650 = arith.select %gt3A_645, %broadcast_in_dim3A_648, %broadcast_in_dim3A_649 : vector<16xi1>, vector<16xi32>
      %min3A_651 = arith.minsi %min3A_639, %select_n3A_650 : vector<16xi32>
      %broadcast_in_dim3A_652 = arith.constant 62 : i32
      %broadcast_in_dim3A_653 = vector.broadcast %broadcast_in_dim3A_652 : i32 to vector<16xi32>
      %gather3A_654 = tpu.vector_load_idx %arg5[%add3A_68, %broadcast_in_dim3A_653] : memref<256x128xf32, #tpu.memory_space<vmem>>[vector<16xi32>, vector<16xi32>], vector<16xf32>,
      %gt3A_655 = arith.constant 5.000000e-01 : f32
      %gt3A_656 = vector.broadcast %gt3A_655 : f32 to vector<16xf32>
      %gt3A_657 = arith.cmpf ogt, %gather3A_654, %gt3A_656 : vector<16xf32>
      %jit3A_658 = arith.constant 14 : i32
      %jit3A_659 = arith.constant 16 : i32
      %broadcast_in_dim3A_660 = vector.broadcast %jit3A_658 : i32 to vector<16xi32>
      %broadcast_in_dim3A_661 = vector.broadcast %jit3A_659 : i32 to vector<16xi32>
      %select_n3A_662 = arith.select %gt3A_657, %broadcast_in_dim3A_660, %broadcast_in_dim3A_661 : vector<16xi1>, vector<16xi32>
      %min3A_663 = arith.minsi %min3A_651, %select_n3A_662 : vector<16xi32>
      %broadcast_in_dim3A_664 = arith.constant 63 : i32
      %broadcast_in_dim3A_665 = vector.broadcast %broadcast_in_dim3A_664 : i32 to vector<16xi32>
      %gather3A_666 = tpu.vector_load_idx %arg5[%add3A_68, %broadcast_in_dim3A_665] : memref<256x128xf32, #tpu.memory_space<vmem>>[vector<16xi32>, vector<16xi32>], vector<16xf32>,
      %gt3A_667 = arith.constant 5.000000e-01 : f32
      %gt3A_668 = vector.broadcast %gt3A_667 : f32 to vector<16xf32>
      %gt3A_669 = arith.cmpf ogt, %gather3A_666, %gt3A_668 : vector<16xf32>
      %jit3A_670 = arith.constant 15 : i32
      %jit3A_671 = arith.constant 16 : i32
      %broadcast_in_dim3A_672 = vector.broadcast %jit3A_670 : i32 to vector<16xi32>
      %broadcast_in_dim3A_673 = vector.broadcast %jit3A_671 : i32 to vector<16xi32>
      %select_n3A_674 = arith.select %gt3A_669, %broadcast_in_dim3A_672, %broadcast_in_dim3A_673 : vector<16xi1>, vector<16xi32>
      %min3A_675 = arith.minsi %min3A_663, %select_n3A_674 : vector<16xi32>
      %eq3A_676 = arith.constant 16 : i32
      %eq3A_677 = vector.broadcast %eq3A_676 : i32 to vector<16xi32>
      %eq3A_678 = arith.cmpi eq, %min3A_675, %eq3A_677 : vector<16xi32>
      %jit3A_679 = arith.constant 0 : i32
      %broadcast_in_dim3A_680 = vector.broadcast %jit3A_679 : i32 to vector<16xi32>
      %select_n3A_681 = arith.select %eq3A_678, %broadcast_in_dim3A_680, %min3A_675 : vector<16xi1>, vector<16xi32>
      %mul3A_682 = arith.constant 16 : i32
      %mul3A_683 = vector.broadcast %mul3A_682 : i32 to vector<16xi32>
      %mul3A_684 = arith.muli %mul3A_683, %select_n3A_481 : vector<16xi32>
      %add3A_685 = arith.addi %select_n3A_281, %mul3A_684 : vector<16xi32>
      %shift_left3A = arith.shli %add3A_685, %select_n3A_681 : vector<16xi32>
      %and3A_686 = arith.constant 255 : i32
      %and3A_687 = vector.broadcast %and3A_686 : i32 to vector<16xi32>
      %and3A_688 = arith.andi %shift_left3A, %and3A_687 : vector<16xi32>
      %shift_right_arithmetic3A = arith.shrsi %add3A_685, %select_n3A_681 : vector<16xi32>
      %select_n3A_689 = arith.select %gt3A_77, %and3A_688, %shift_right_arithmetic3A : vector<16xi1>, vector<16xi32>
      %and3A_690 = arith.constant 15 : i32
      %and3A_691 = vector.broadcast %and3A_690 : i32 to vector<16xi32>
      %and3A_692 = arith.andi %select_n3A_689, %and3A_691 : vector<16xi32>
      %add3A_693 = arith.constant 96 : i32
      %add3A_694 = vector.broadcast %add3A_693 : i32 to vector<16xi32>
      %add3A_695 = arith.addi %add3A_694, %and3A_692 : vector<16xi32>
      %shift_right_arithmetic3A_696 = arith.constant 4 : i32
      %shift_right_arithmetic3A_697 = vector.broadcast %shift_right_arithmetic3A_696 : i32 to vector<16xi32>
      %shift_right_arithmetic3A_698 = arith.shrsi %select_n3A_689, %shift_right_arithmetic3A_697 : vector<16xi32>
      %add3A_699 = arith.constant 112 : i32
      %add3A_700 = vector.broadcast %add3A_699 : i32 to vector<16xi32>
      %add3A_701 = arith.addi %add3A_700, %shift_right_arithmetic3A_698 : vector<16xi32>
      %broadcast_in_dim3A_702 = arith.constant 2.000000e+00 : f32
      %broadcast_in_dim3A_703 = vector.broadcast %broadcast_in_dim3A_702 : f32 to vector<16xf32>
      tpu.vector_store_idx %arg5[%add3A_68, %add3A_695], %broadcast_in_dim3A_703 masked %and3A_85 {add = true} : memref<256x128xf32, #tpu.memory_space<vmem>>[vector<16xi32>, vector<16xi32>], vector<16xf32>, vector<16xi1>
      tpu.vector_store_idx %arg5[%add3A_68, %add3A_701], %broadcast_in_dim3A_703 masked %and3A_85 {add = true} : memref<256x128xf32, #tpu.memory_space<vmem>>[vector<16xi32>, vector<16xi32>], vector<16xf32>, vector<16xi1>
    }
    %scan3A_27 = arith.constant 16 : i32
    "tpu.region"() ({
      %run_scoped3A = tpu.sem_alloc : memref<!tpu.dma_semaphore, #tpu.memory_space<semaphore_mem>>
      %dma_start3A_64 = arith.constant 0 : i32
      %dma_start3A_65 = tpu.memref_slice %arg3[%add3A_14, %dma_start3A_64] : memref<32768x512xf32, #tpu.memory_space<hbm>> -> memref<256x128xf32, #tpu.memory_space<hbm>>
      %dma_start3A_66 = arith.constant 0 : i32
      %dma_start3A_67 = tpu.memref_slice %arg3[%add3A_14, %dma_start3A_66] : memref<32768x512xf32, #tpu.memory_space<hbm>> -> memref<256x128xf32, #tpu.memory_space<hbm>>
      tpu.enqueue_dma source(%arg5 : memref<256x128xf32, #tpu.memory_space<vmem>>) target(%dma_start3A_67 : memref<256x128xf32, #tpu.memory_space<hbm>>) target_semaphore(%run_scoped3A : memref<!tpu.dma_semaphore, #tpu.memory_space<semaphore_mem>>)
      %dma_wait3A_68 = arith.constant 0 : i32
      %dma_wait3A_69 = tpu.memref_slice %arg3[%add3A_14, %dma_wait3A_68] : memref<32768x512xf32, #tpu.memory_space<hbm>> -> memref<256x128xf32, #tpu.memory_space<hbm>>
      %dma_wait3A_70 = arith.constant 0 : i32
      %dma_wait3A_71 = tpu.memref_slice %arg3[%add3A_14, %dma_wait3A_70] : memref<32768x512xf32, #tpu.memory_space<hbm>> -> memref<256x128xf32, #tpu.memory_space<hbm>>
      tpu.wait_dma2 semaphore(%run_scoped3A : memref<!tpu.dma_semaphore, #tpu.memory_space<semaphore_mem>>) src(%arg5 : memref<256x128xf32, #tpu.memory_space<vmem>>) dst(%dma_wait3A_71 : memref<256x128xf32, #tpu.memory_space<hbm>>)
      tpu.yield
    }) : () -> ()
    %add3A_28 = arith.constant 512 : i32
    %add3A_29 = arith.addi %mul3A_2, %add3A_28 : i32
    %dma_wait3A_30 = arith.constant 128 : i32
    %dma_wait3A_31 = tpu.memref_slice %arg3[%add3A_14, %dma_wait3A_30] : memref<32768x512xf32, #tpu.memory_space<hbm>> -> memref<256x384xf32, #tpu.memory_space<hbm>>
    %dma_wait3A_32 = arith.constant 128 : i32
    %dma_wait3A_33 = tpu.memref_slice %arg2[%add3A_14, %dma_wait3A_32] : memref<32768x512xf32, #tpu.memory_space<hbm>> -> memref<256x384xf32, #tpu.memory_space<hbm>>
    tpu.wait_dma2 semaphore(%arg6 : memref<!tpu.dma_semaphore, #tpu.memory_space<semaphore_mem>>) src(%dma_wait3A_33 : memref<256x384xf32, #tpu.memory_space<hbm>>) dst(%dma_wait3A_31 : memref<256x384xf32, #tpu.memory_space<hbm>>)
    %dma_start3A_34 = arith.constant 128 : i32
    %dma_start3A_35 = tpu.memref_slice %arg3[%add3A_29, %dma_start3A_34] : memref<32768x512xf32, #tpu.memory_space<hbm>> -> memref<256x384xf32, #tpu.memory_space<hbm>>
    %dma_start3A_36 = arith.constant 128 : i32
    %dma_start3A_37 = tpu.memref_slice %arg2[%add3A_29, %dma_start3A_36] : memref<32768x512xf32, #tpu.memory_space<hbm>> -> memref<256x384xf32, #tpu.memory_space<hbm>>
    tpu.enqueue_dma source(%dma_start3A_37 : memref<256x384xf32, #tpu.memory_space<hbm>>) target(%dma_start3A_35 : memref<256x384xf32, #tpu.memory_space<hbm>>) target_semaphore(%arg6 : memref<!tpu.dma_semaphore, #tpu.memory_space<semaphore_mem>>)
    "tpu.region"() ({
      %run_scoped3A = tpu.sem_alloc : memref<!tpu.dma_semaphore, #tpu.memory_space<semaphore_mem>>
      %dma_start3A_64 = arith.constant 0 : i32
      %dma_start3A_65 = tpu.memref_slice %arg2[%add3A_29, %dma_start3A_64] : memref<32768x512xf32, #tpu.memory_space<hbm>> -> memref<256x128xf32, #tpu.memory_space<hbm>>
      %dma_start3A_66 = arith.constant 0 : i32
      %dma_start3A_67 = tpu.memref_slice %arg2[%add3A_29, %dma_start3A_66] : memref<32768x512xf32, #tpu.memory_space<hbm>> -> memref<256x128xf32, #tpu.memory_space<hbm>>
      tpu.enqueue_dma source(%dma_start3A_67 : memref<256x128xf32, #tpu.memory_space<hbm>>) target(%arg4 : memref<256x128xf32, #tpu.memory_space<vmem>>) target_semaphore(%run_scoped3A : memref<!tpu.dma_semaphore, #tpu.memory_space<semaphore_mem>>)
      %dma_wait3A_68 = arith.constant 0 : i32
      %dma_wait3A_69 = tpu.memref_slice %arg2[%add3A_29, %dma_wait3A_68] : memref<32768x512xf32, #tpu.memory_space<hbm>> -> memref<256x128xf32, #tpu.memory_space<hbm>>
      %dma_wait3A_70 = arith.constant 0 : i32
      %dma_wait3A_71 = tpu.memref_slice %arg2[%add3A_29, %dma_wait3A_70] : memref<32768x512xf32, #tpu.memory_space<hbm>> -> memref<256x128xf32, #tpu.memory_space<hbm>>
      tpu.wait_dma2 semaphore(%run_scoped3A : memref<!tpu.dma_semaphore, #tpu.memory_space<semaphore_mem>>) src(%dma_wait3A_71 : memref<256x128xf32, #tpu.memory_space<hbm>>) dst(%arg4 : memref<256x128xf32, #tpu.memory_space<vmem>>)
      tpu.yield
    }) : () -> ()
    %scan3A_38 = arith.constant 0 : i32
    %scan3A_39 = arith.constant 0 : i32
    %scan3A_40 = arith.constant 16 : i32
    %scan3A_41 = arith.addi %scan3A_39, %scan3A_40 : i32
    %scan3A_42 = arith.constant 1 : i32
    scf.for %scan3A_64 = %scan3A_39 to %scan3A_41 step %scan3A_42  : i32 {
      %mul3A_65 = arith.constant 16 : i32
      %mul3A_66 = arith.muli %scan3A_64, %mul3A_65 : i32
      %add3A_67 = vector.broadcast %mul3A_66 : i32 to vector<16xi32>
      %add3A_68 = arith.addi %add3A_67, %iota3A : vector<16xi32>
      %broadcast_in_dim3A = arith.constant 0 : i32
      %broadcast_in_dim3A_69 = vector.broadcast %broadcast_in_dim3A : i32 to vector<16xi32>
      %gather3A = tpu.vector_load_idx %arg4[%add3A_68, %broadcast_in_dim3A_69] : memref<256x128xf32, #tpu.memory_space<vmem>>[vector<16xi32>, vector<16xi32>], vector<16xf32>,
      %gt3A = arith.constant 5.000000e-01 : f32
      %gt3A_70 = vector.broadcast %gt3A : f32 to vector<16xf32>
      %gt3A_71 = arith.cmpf ogt, %gather3A, %gt3A_70 : vector<16xf32>
      %broadcast_in_dim3A_72 = arith.constant 1 : i32
      %broadcast_in_dim3A_73 = vector.broadcast %broadcast_in_dim3A_72 : i32 to vector<16xi32>
      %gather3A_74 = tpu.vector_load_idx %arg4[%add3A_68, %broadcast_in_dim3A_73] : memref<256x128xf32, #tpu.memory_space<vmem>>[vector<16xi32>, vector<16xi32>], vector<16xf32>,
      %gt3A_75 = arith.constant 5.000000e-01 : f32
      %gt3A_76 = vector.broadcast %gt3A_75 : f32 to vector<16xf32>
      %gt3A_77 = arith.cmpf ogt, %gather3A_74, %gt3A_76 : vector<16xf32>
      %not3A = arith.constant dense<true> : vector<16xi1>
      %not3A_78 = arith.xori %gt3A_77, %not3A : vector<16xi1>
      %broadcast_in_dim3A_79 = arith.constant 2 : i32
      %broadcast_in_dim3A_80 = vector.broadcast %broadcast_in_dim3A_79 : i32 to vector<16xi32>
      %gather3A_81 = tpu.vector_load_idx %arg4[%add3A_68, %broadcast_in_dim3A_80] : memref<256x128xf32, #tpu.memory_space<vmem>>[vector<16xi32>, vector<16xi32>], vector<16xf32>,
      %gt3A_82 = arith.constant 5.000000e-01 : f32
      %gt3A_83 = vector.broadcast %gt3A_82 : f32 to vector<16xf32>
      %gt3A_84 = arith.cmpf ogt, %gather3A_81, %gt3A_83 : vector<16xf32>
      %and3A = arith.andi %not3A_78, %gt3A_84 : vector<16xi1>
      %or3A = arith.ori %gt3A_77, %and3A : vector<16xi1>
      %and3A_85 = arith.andi %gt3A_71, %or3A : vector<16xi1>
      %broadcast_in_dim3A_86 = arith.constant 16 : i32
      %broadcast_in_dim3A_87 = vector.broadcast %broadcast_in_dim3A_86 : i32 to vector<16xi32>
      %broadcast_in_dim3A_88 = arith.constant 16 : i32
      %broadcast_in_dim3A_89 = vector.broadcast %broadcast_in_dim3A_88 : i32 to vector<16xi32>
      %gather3A_90 = tpu.vector_load_idx %arg4[%add3A_68, %broadcast_in_dim3A_89] : memref<256x128xf32, #tpu.memory_space<vmem>>[vector<16xi32>, vector<16xi32>], vector<16xf32>,
      %gt3A_91 = arith.constant 5.000000e-01 : f32
      %gt3A_92 = vector.broadcast %gt3A_91 : f32 to vector<16xf32>
      %gt3A_93 = arith.cmpf ogt, %gather3A_90, %gt3A_92 : vector<16xf32>
      %jit3A = arith.constant 0 : i32
      %jit3A_94 = arith.constant 16 : i32
      %broadcast_in_dim3A_95 = vector.broadcast %jit3A : i32 to vector<16xi32>
      %broadcast_in_dim3A_96 = vector.broadcast %jit3A_94 : i32 to vector<16xi32>
      %select_n3A = arith.select %gt3A_93, %broadcast_in_dim3A_95, %broadcast_in_dim3A_96 : vector<16xi1>, vector<16xi32>
      %min3A = arith.minsi %broadcast_in_dim3A_87, %select_n3A : vector<16xi32>
      %broadcast_in_dim3A_97 = arith.constant 17 : i32
      %broadcast_in_dim3A_98 = vector.broadcast %broadcast_in_dim3A_97 : i32 to vector<16xi32>
      %gather3A_99 = tpu.vector_load_idx %arg4[%add3A_68, %broadcast_in_dim3A_98] : memref<256x128xf32, #tpu.memory_space<vmem>>[vector<16xi32>, vector<16xi32>], vector<16xf32>,
      %gt3A_100 = arith.constant 5.000000e-01 : f32
      %gt3A_101 = vector.broadcast %gt3A_100 : f32 to vector<16xf32>
      %gt3A_102 = arith.cmpf ogt, %gather3A_99, %gt3A_101 : vector<16xf32>
      %jit3A_103 = arith.constant 1 : i32
      %jit3A_104 = arith.constant 16 : i32
      %broadcast_in_dim3A_105 = vector.broadcast %jit3A_103 : i32 to vector<16xi32>
      %broadcast_in_dim3A_106 = vector.broadcast %jit3A_104 : i32 to vector<16xi32>
      %select_n3A_107 = arith.select %gt3A_102, %broadcast_in_dim3A_105, %broadcast_in_dim3A_106 : vector<16xi1>, vector<16xi32>
      %min3A_108 = arith.minsi %min3A, %select_n3A_107 : vector<16xi32>
      %broadcast_in_dim3A_109 = arith.constant 18 : i32
      %broadcast_in_dim3A_110 = vector.broadcast %broadcast_in_dim3A_109 : i32 to vector<16xi32>
      %gather3A_111 = tpu.vector_load_idx %arg4[%add3A_68, %broadcast_in_dim3A_110] : memref<256x128xf32, #tpu.memory_space<vmem>>[vector<16xi32>, vector<16xi32>], vector<16xf32>,
      %gt3A_112 = arith.constant 5.000000e-01 : f32
      %gt3A_113 = vector.broadcast %gt3A_112 : f32 to vector<16xf32>
      %gt3A_114 = arith.cmpf ogt, %gather3A_111, %gt3A_113 : vector<16xf32>
      %jit3A_115 = arith.constant 2 : i32
      %jit3A_116 = arith.constant 16 : i32
      %broadcast_in_dim3A_117 = vector.broadcast %jit3A_115 : i32 to vector<16xi32>
      %broadcast_in_dim3A_118 = vector.broadcast %jit3A_116 : i32 to vector<16xi32>
      %select_n3A_119 = arith.select %gt3A_114, %broadcast_in_dim3A_117, %broadcast_in_dim3A_118 : vector<16xi1>, vector<16xi32>
      %min3A_120 = arith.minsi %min3A_108, %select_n3A_119 : vector<16xi32>
      %broadcast_in_dim3A_121 = arith.constant 19 : i32
      %broadcast_in_dim3A_122 = vector.broadcast %broadcast_in_dim3A_121 : i32 to vector<16xi32>
      %gather3A_123 = tpu.vector_load_idx %arg4[%add3A_68, %broadcast_in_dim3A_122] : memref<256x128xf32, #tpu.memory_space<vmem>>[vector<16xi32>, vector<16xi32>], vector<16xf32>,
      %gt3A_124 = arith.constant 5.000000e-01 : f32
      %gt3A_125 = vector.broadcast %gt3A_124 : f32 to vector<16xf32>
      %gt3A_126 = arith.cmpf ogt, %gather3A_123, %gt3A_125 : vector<16xf32>
      %jit3A_127 = arith.constant 3 : i32
      %jit3A_128 = arith.constant 16 : i32
      %broadcast_in_dim3A_129 = vector.broadcast %jit3A_127 : i32 to vector<16xi32>
      %broadcast_in_dim3A_130 = vector.broadcast %jit3A_128 : i32 to vector<16xi32>
      %select_n3A_131 = arith.select %gt3A_126, %broadcast_in_dim3A_129, %broadcast_in_dim3A_130 : vector<16xi1>, vector<16xi32>
      %min3A_132 = arith.minsi %min3A_120, %select_n3A_131 : vector<16xi32>
      %broadcast_in_dim3A_133 = arith.constant 20 : i32
      %broadcast_in_dim3A_134 = vector.broadcast %broadcast_in_dim3A_133 : i32 to vector<16xi32>
      %gather3A_135 = tpu.vector_load_idx %arg4[%add3A_68, %broadcast_in_dim3A_134] : memref<256x128xf32, #tpu.memory_space<vmem>>[vector<16xi32>, vector<16xi32>], vector<16xf32>,
      %gt3A_136 = arith.constant 5.000000e-01 : f32
      %gt3A_137 = vector.broadcast %gt3A_136 : f32 to vector<16xf32>
      %gt3A_138 = arith.cmpf ogt, %gather3A_135, %gt3A_137 : vector<16xf32>
      %jit3A_139 = arith.constant 4 : i32
      %jit3A_140 = arith.constant 16 : i32
      %broadcast_in_dim3A_141 = vector.broadcast %jit3A_139 : i32 to vector<16xi32>
      %broadcast_in_dim3A_142 = vector.broadcast %jit3A_140 : i32 to vector<16xi32>
      %select_n3A_143 = arith.select %gt3A_138, %broadcast_in_dim3A_141, %broadcast_in_dim3A_142 : vector<16xi1>, vector<16xi32>
      %min3A_144 = arith.minsi %min3A_132, %select_n3A_143 : vector<16xi32>
      %broadcast_in_dim3A_145 = arith.constant 21 : i32
      %broadcast_in_dim3A_146 = vector.broadcast %broadcast_in_dim3A_145 : i32 to vector<16xi32>
      %gather3A_147 = tpu.vector_load_idx %arg4[%add3A_68, %broadcast_in_dim3A_146] : memref<256x128xf32, #tpu.memory_space<vmem>>[vector<16xi32>, vector<16xi32>], vector<16xf32>,
      %gt3A_148 = arith.constant 5.000000e-01 : f32
      %gt3A_149 = vector.broadcast %gt3A_148 : f32 to vector<16xf32>
      %gt3A_150 = arith.cmpf ogt, %gather3A_147, %gt3A_149 : vector<16xf32>
      %jit3A_151 = arith.constant 5 : i32
      %jit3A_152 = arith.constant 16 : i32
      %broadcast_in_dim3A_153 = vector.broadcast %jit3A_151 : i32 to vector<16xi32>
      %broadcast_in_dim3A_154 = vector.broadcast %jit3A_152 : i32 to vector<16xi32>
      %select_n3A_155 = arith.select %gt3A_150, %broadcast_in_dim3A_153, %broadcast_in_dim3A_154 : vector<16xi1>, vector<16xi32>
      %min3A_156 = arith.minsi %min3A_144, %select_n3A_155 : vector<16xi32>
      %broadcast_in_dim3A_157 = arith.constant 22 : i32
      %broadcast_in_dim3A_158 = vector.broadcast %broadcast_in_dim3A_157 : i32 to vector<16xi32>
      %gather3A_159 = tpu.vector_load_idx %arg4[%add3A_68, %broadcast_in_dim3A_158] : memref<256x128xf32, #tpu.memory_space<vmem>>[vector<16xi32>, vector<16xi32>], vector<16xf32>,
      %gt3A_160 = arith.constant 5.000000e-01 : f32
      %gt3A_161 = vector.broadcast %gt3A_160 : f32 to vector<16xf32>
      %gt3A_162 = arith.cmpf ogt, %gather3A_159, %gt3A_161 : vector<16xf32>
      %jit3A_163 = arith.constant 6 : i32
      %jit3A_164 = arith.constant 16 : i32
      %broadcast_in_dim3A_165 = vector.broadcast %jit3A_163 : i32 to vector<16xi32>
      %broadcast_in_dim3A_166 = vector.broadcast %jit3A_164 : i32 to vector<16xi32>
      %select_n3A_167 = arith.select %gt3A_162, %broadcast_in_dim3A_165, %broadcast_in_dim3A_166 : vector<16xi1>, vector<16xi32>
      %min3A_168 = arith.minsi %min3A_156, %select_n3A_167 : vector<16xi32>
      %broadcast_in_dim3A_169 = arith.constant 23 : i32
      %broadcast_in_dim3A_170 = vector.broadcast %broadcast_in_dim3A_169 : i32 to vector<16xi32>
      %gather3A_171 = tpu.vector_load_idx %arg4[%add3A_68, %broadcast_in_dim3A_170] : memref<256x128xf32, #tpu.memory_space<vmem>>[vector<16xi32>, vector<16xi32>], vector<16xf32>,
      %gt3A_172 = arith.constant 5.000000e-01 : f32
      %gt3A_173 = vector.broadcast %gt3A_172 : f32 to vector<16xf32>
      %gt3A_174 = arith.cmpf ogt, %gather3A_171, %gt3A_173 : vector<16xf32>
      %jit3A_175 = arith.constant 7 : i32
      %jit3A_176 = arith.constant 16 : i32
      %broadcast_in_dim3A_177 = vector.broadcast %jit3A_175 : i32 to vector<16xi32>
      %broadcast_in_dim3A_178 = vector.broadcast %jit3A_176 : i32 to vector<16xi32>
      %select_n3A_179 = arith.select %gt3A_174, %broadcast_in_dim3A_177, %broadcast_in_dim3A_178 : vector<16xi1>, vector<16xi32>
      %min3A_180 = arith.minsi %min3A_168, %select_n3A_179 : vector<16xi32>
      %broadcast_in_dim3A_181 = arith.constant 24 : i32
      %broadcast_in_dim3A_182 = vector.broadcast %broadcast_in_dim3A_181 : i32 to vector<16xi32>
      %gather3A_183 = tpu.vector_load_idx %arg4[%add3A_68, %broadcast_in_dim3A_182] : memref<256x128xf32, #tpu.memory_space<vmem>>[vector<16xi32>, vector<16xi32>], vector<16xf32>,
      %gt3A_184 = arith.constant 5.000000e-01 : f32
      %gt3A_185 = vector.broadcast %gt3A_184 : f32 to vector<16xf32>
      %gt3A_186 = arith.cmpf ogt, %gather3A_183, %gt3A_185 : vector<16xf32>
      %jit3A_187 = arith.constant 8 : i32
      %jit3A_188 = arith.constant 16 : i32
      %broadcast_in_dim3A_189 = vector.broadcast %jit3A_187 : i32 to vector<16xi32>
      %broadcast_in_dim3A_190 = vector.broadcast %jit3A_188 : i32 to vector<16xi32>
      %select_n3A_191 = arith.select %gt3A_186, %broadcast_in_dim3A_189, %broadcast_in_dim3A_190 : vector<16xi1>, vector<16xi32>
      %min3A_192 = arith.minsi %min3A_180, %select_n3A_191 : vector<16xi32>
      %broadcast_in_dim3A_193 = arith.constant 25 : i32
      %broadcast_in_dim3A_194 = vector.broadcast %broadcast_in_dim3A_193 : i32 to vector<16xi32>
      %gather3A_195 = tpu.vector_load_idx %arg4[%add3A_68, %broadcast_in_dim3A_194] : memref<256x128xf32, #tpu.memory_space<vmem>>[vector<16xi32>, vector<16xi32>], vector<16xf32>,
      %gt3A_196 = arith.constant 5.000000e-01 : f32
      %gt3A_197 = vector.broadcast %gt3A_196 : f32 to vector<16xf32>
      %gt3A_198 = arith.cmpf ogt, %gather3A_195, %gt3A_197 : vector<16xf32>
      %jit3A_199 = arith.constant 9 : i32
      %jit3A_200 = arith.constant 16 : i32
      %broadcast_in_dim3A_201 = vector.broadcast %jit3A_199 : i32 to vector<16xi32>
      %broadcast_in_dim3A_202 = vector.broadcast %jit3A_200 : i32 to vector<16xi32>
      %select_n3A_203 = arith.select %gt3A_198, %broadcast_in_dim3A_201, %broadcast_in_dim3A_202 : vector<16xi1>, vector<16xi32>
      %min3A_204 = arith.minsi %min3A_192, %select_n3A_203 : vector<16xi32>
      %broadcast_in_dim3A_205 = arith.constant 26 : i32
      %broadcast_in_dim3A_206 = vector.broadcast %broadcast_in_dim3A_205 : i32 to vector<16xi32>
      %gather3A_207 = tpu.vector_load_idx %arg4[%add3A_68, %broadcast_in_dim3A_206] : memref<256x128xf32, #tpu.memory_space<vmem>>[vector<16xi32>, vector<16xi32>], vector<16xf32>,
      %gt3A_208 = arith.constant 5.000000e-01 : f32
      %gt3A_209 = vector.broadcast %gt3A_208 : f32 to vector<16xf32>
      %gt3A_210 = arith.cmpf ogt, %gather3A_207, %gt3A_209 : vector<16xf32>
      %jit3A_211 = arith.constant 10 : i32
      %jit3A_212 = arith.constant 16 : i32
      %broadcast_in_dim3A_213 = vector.broadcast %jit3A_211 : i32 to vector<16xi32>
      %broadcast_in_dim3A_214 = vector.broadcast %jit3A_212 : i32 to vector<16xi32>
      %select_n3A_215 = arith.select %gt3A_210, %broadcast_in_dim3A_213, %broadcast_in_dim3A_214 : vector<16xi1>, vector<16xi32>
      %min3A_216 = arith.minsi %min3A_204, %select_n3A_215 : vector<16xi32>
      %broadcast_in_dim3A_217 = arith.constant 27 : i32
      %broadcast_in_dim3A_218 = vector.broadcast %broadcast_in_dim3A_217 : i32 to vector<16xi32>
      %gather3A_219 = tpu.vector_load_idx %arg4[%add3A_68, %broadcast_in_dim3A_218] : memref<256x128xf32, #tpu.memory_space<vmem>>[vector<16xi32>, vector<16xi32>], vector<16xf32>,
      %gt3A_220 = arith.constant 5.000000e-01 : f32
      %gt3A_221 = vector.broadcast %gt3A_220 : f32 to vector<16xf32>
      %gt3A_222 = arith.cmpf ogt, %gather3A_219, %gt3A_221 : vector<16xf32>
      %jit3A_223 = arith.constant 11 : i32
      %jit3A_224 = arith.constant 16 : i32
      %broadcast_in_dim3A_225 = vector.broadcast %jit3A_223 : i32 to vector<16xi32>
      %broadcast_in_dim3A_226 = vector.broadcast %jit3A_224 : i32 to vector<16xi32>
      %select_n3A_227 = arith.select %gt3A_222, %broadcast_in_dim3A_225, %broadcast_in_dim3A_226 : vector<16xi1>, vector<16xi32>
      %min3A_228 = arith.minsi %min3A_216, %select_n3A_227 : vector<16xi32>
      %broadcast_in_dim3A_229 = arith.constant 28 : i32
      %broadcast_in_dim3A_230 = vector.broadcast %broadcast_in_dim3A_229 : i32 to vector<16xi32>
      %gather3A_231 = tpu.vector_load_idx %arg4[%add3A_68, %broadcast_in_dim3A_230] : memref<256x128xf32, #tpu.memory_space<vmem>>[vector<16xi32>, vector<16xi32>], vector<16xf32>,
      %gt3A_232 = arith.constant 5.000000e-01 : f32
      %gt3A_233 = vector.broadcast %gt3A_232 : f32 to vector<16xf32>
      %gt3A_234 = arith.cmpf ogt, %gather3A_231, %gt3A_233 : vector<16xf32>
      %jit3A_235 = arith.constant 12 : i32
      %jit3A_236 = arith.constant 16 : i32
      %broadcast_in_dim3A_237 = vector.broadcast %jit3A_235 : i32 to vector<16xi32>
      %broadcast_in_dim3A_238 = vector.broadcast %jit3A_236 : i32 to vector<16xi32>
      %select_n3A_239 = arith.select %gt3A_234, %broadcast_in_dim3A_237, %broadcast_in_dim3A_238 : vector<16xi1>, vector<16xi32>
      %min3A_240 = arith.minsi %min3A_228, %select_n3A_239 : vector<16xi32>
      %broadcast_in_dim3A_241 = arith.constant 29 : i32
      %broadcast_in_dim3A_242 = vector.broadcast %broadcast_in_dim3A_241 : i32 to vector<16xi32>
      %gather3A_243 = tpu.vector_load_idx %arg4[%add3A_68, %broadcast_in_dim3A_242] : memref<256x128xf32, #tpu.memory_space<vmem>>[vector<16xi32>, vector<16xi32>], vector<16xf32>,
      %gt3A_244 = arith.constant 5.000000e-01 : f32
      %gt3A_245 = vector.broadcast %gt3A_244 : f32 to vector<16xf32>
      %gt3A_246 = arith.cmpf ogt, %gather3A_243, %gt3A_245 : vector<16xf32>
      %jit3A_247 = arith.constant 13 : i32
      %jit3A_248 = arith.constant 16 : i32
      %broadcast_in_dim3A_249 = vector.broadcast %jit3A_247 : i32 to vector<16xi32>
      %broadcast_in_dim3A_250 = vector.broadcast %jit3A_248 : i32 to vector<16xi32>
      %select_n3A_251 = arith.select %gt3A_246, %broadcast_in_dim3A_249, %broadcast_in_dim3A_250 : vector<16xi1>, vector<16xi32>
      %min3A_252 = arith.minsi %min3A_240, %select_n3A_251 : vector<16xi32>
      %broadcast_in_dim3A_253 = arith.constant 30 : i32
      %broadcast_in_dim3A_254 = vector.broadcast %broadcast_in_dim3A_253 : i32 to vector<16xi32>
      %gather3A_255 = tpu.vector_load_idx %arg4[%add3A_68, %broadcast_in_dim3A_254] : memref<256x128xf32, #tpu.memory_space<vmem>>[vector<16xi32>, vector<16xi32>], vector<16xf32>,
      %gt3A_256 = arith.constant 5.000000e-01 : f32
      %gt3A_257 = vector.broadcast %gt3A_256 : f32 to vector<16xf32>
      %gt3A_258 = arith.cmpf ogt, %gather3A_255, %gt3A_257 : vector<16xf32>
      %jit3A_259 = arith.constant 14 : i32
      %jit3A_260 = arith.constant 16 : i32
      %broadcast_in_dim3A_261 = vector.broadcast %jit3A_259 : i32 to vector<16xi32>
      %broadcast_in_dim3A_262 = vector.broadcast %jit3A_260 : i32 to vector<16xi32>
      %select_n3A_263 = arith.select %gt3A_258, %broadcast_in_dim3A_261, %broadcast_in_dim3A_262 : vector<16xi1>, vector<16xi32>
      %min3A_264 = arith.minsi %min3A_252, %select_n3A_263 : vector<16xi32>
      %broadcast_in_dim3A_265 = arith.constant 31 : i32
      %broadcast_in_dim3A_266 = vector.broadcast %broadcast_in_dim3A_265 : i32 to vector<16xi32>
      %gather3A_267 = tpu.vector_load_idx %arg4[%add3A_68, %broadcast_in_dim3A_266] : memref<256x128xf32, #tpu.memory_space<vmem>>[vector<16xi32>, vector<16xi32>], vector<16xf32>,
      %gt3A_268 = arith.constant 5.000000e-01 : f32
      %gt3A_269 = vector.broadcast %gt3A_268 : f32 to vector<16xf32>
      %gt3A_270 = arith.cmpf ogt, %gather3A_267, %gt3A_269 : vector<16xf32>
      %jit3A_271 = arith.constant 15 : i32
      %jit3A_272 = arith.constant 16 : i32
      %broadcast_in_dim3A_273 = vector.broadcast %jit3A_271 : i32 to vector<16xi32>
      %broadcast_in_dim3A_274 = vector.broadcast %jit3A_272 : i32 to vector<16xi32>
      %select_n3A_275 = arith.select %gt3A_270, %broadcast_in_dim3A_273, %broadcast_in_dim3A_274 : vector<16xi1>, vector<16xi32>
      %min3A_276 = arith.minsi %min3A_264, %select_n3A_275 : vector<16xi32>
      %eq3A = arith.constant 16 : i32
      %eq3A_277 = vector.broadcast %eq3A : i32 to vector<16xi32>
      %eq3A_278 = arith.cmpi eq, %min3A_276, %eq3A_277 : vector<16xi32>
      %jit3A_279 = arith.constant 0 : i32
      %broadcast_in_dim3A_280 = vector.broadcast %jit3A_279 : i32 to vector<16xi32>
      %select_n3A_281 = arith.select %eq3A_278, %broadcast_in_dim3A_280, %min3A_276 : vector<16xi1>, vector<16xi32>
      %broadcast_in_dim3A_282 = arith.constant 16 : i32
      %broadcast_in_dim3A_283 = vector.broadcast %broadcast_in_dim3A_282 : i32 to vector<16xi32>
      %broadcast_in_dim3A_284 = arith.constant 32 : i32
      %broadcast_in_dim3A_285 = vector.broadcast %broadcast_in_dim3A_284 : i32 to vector<16xi32>
      %gather3A_286 = tpu.vector_load_idx %arg4[%add3A_68, %broadcast_in_dim3A_285] : memref<256x128xf32, #tpu.memory_space<vmem>>[vector<16xi32>, vector<16xi32>], vector<16xf32>,
      %gt3A_287 = arith.constant 5.000000e-01 : f32
      %gt3A_288 = vector.broadcast %gt3A_287 : f32 to vector<16xf32>
      %gt3A_289 = arith.cmpf ogt, %gather3A_286, %gt3A_288 : vector<16xf32>
      %jit3A_290 = arith.constant 0 : i32
      %jit3A_291 = arith.constant 16 : i32
      %broadcast_in_dim3A_292 = vector.broadcast %jit3A_290 : i32 to vector<16xi32>
      %broadcast_in_dim3A_293 = vector.broadcast %jit3A_291 : i32 to vector<16xi32>
      %select_n3A_294 = arith.select %gt3A_289, %broadcast_in_dim3A_292, %broadcast_in_dim3A_293 : vector<16xi1>, vector<16xi32>
      %min3A_295 = arith.minsi %broadcast_in_dim3A_283, %select_n3A_294 : vector<16xi32>
      %broadcast_in_dim3A_296 = arith.constant 33 : i32
      %broadcast_in_dim3A_297 = vector.broadcast %broadcast_in_dim3A_296 : i32 to vector<16xi32>
      %gather3A_298 = tpu.vector_load_idx %arg4[%add3A_68, %broadcast_in_dim3A_297] : memref<256x128xf32, #tpu.memory_space<vmem>>[vector<16xi32>, vector<16xi32>], vector<16xf32>,
      %gt3A_299 = arith.constant 5.000000e-01 : f32
      %gt3A_300 = vector.broadcast %gt3A_299 : f32 to vector<16xf32>
      %gt3A_301 = arith.cmpf ogt, %gather3A_298, %gt3A_300 : vector<16xf32>
      %jit3A_302 = arith.constant 1 : i32
      %jit3A_303 = arith.constant 16 : i32
      %broadcast_in_dim3A_304 = vector.broadcast %jit3A_302 : i32 to vector<16xi32>
      %broadcast_in_dim3A_305 = vector.broadcast %jit3A_303 : i32 to vector<16xi32>
      %select_n3A_306 = arith.select %gt3A_301, %broadcast_in_dim3A_304, %broadcast_in_dim3A_305 : vector<16xi1>, vector<16xi32>
      %min3A_307 = arith.minsi %min3A_295, %select_n3A_306 : vector<16xi32>
      %broadcast_in_dim3A_308 = arith.constant 34 : i32
      %broadcast_in_dim3A_309 = vector.broadcast %broadcast_in_dim3A_308 : i32 to vector<16xi32>
      %gather3A_310 = tpu.vector_load_idx %arg4[%add3A_68, %broadcast_in_dim3A_309] : memref<256x128xf32, #tpu.memory_space<vmem>>[vector<16xi32>, vector<16xi32>], vector<16xf32>,
      %gt3A_311 = arith.constant 5.000000e-01 : f32
      %gt3A_312 = vector.broadcast %gt3A_311 : f32 to vector<16xf32>
      %gt3A_313 = arith.cmpf ogt, %gather3A_310, %gt3A_312 : vector<16xf32>
      %jit3A_314 = arith.constant 2 : i32
      %jit3A_315 = arith.constant 16 : i32
      %broadcast_in_dim3A_316 = vector.broadcast %jit3A_314 : i32 to vector<16xi32>
      %broadcast_in_dim3A_317 = vector.broadcast %jit3A_315 : i32 to vector<16xi32>
      %select_n3A_318 = arith.select %gt3A_313, %broadcast_in_dim3A_316, %broadcast_in_dim3A_317 : vector<16xi1>, vector<16xi32>
      %min3A_319 = arith.minsi %min3A_307, %select_n3A_318 : vector<16xi32>
      %broadcast_in_dim3A_320 = arith.constant 35 : i32
      %broadcast_in_dim3A_321 = vector.broadcast %broadcast_in_dim3A_320 : i32 to vector<16xi32>
      %gather3A_322 = tpu.vector_load_idx %arg4[%add3A_68, %broadcast_in_dim3A_321] : memref<256x128xf32, #tpu.memory_space<vmem>>[vector<16xi32>, vector<16xi32>], vector<16xf32>,
      %gt3A_323 = arith.constant 5.000000e-01 : f32
      %gt3A_324 = vector.broadcast %gt3A_323 : f32 to vector<16xf32>
      %gt3A_325 = arith.cmpf ogt, %gather3A_322, %gt3A_324 : vector<16xf32>
      %jit3A_326 = arith.constant 3 : i32
      %jit3A_327 = arith.constant 16 : i32
      %broadcast_in_dim3A_328 = vector.broadcast %jit3A_326 : i32 to vector<16xi32>
      %broadcast_in_dim3A_329 = vector.broadcast %jit3A_327 : i32 to vector<16xi32>
      %select_n3A_330 = arith.select %gt3A_325, %broadcast_in_dim3A_328, %broadcast_in_dim3A_329 : vector<16xi1>, vector<16xi32>
      %min3A_331 = arith.minsi %min3A_319, %select_n3A_330 : vector<16xi32>
      %broadcast_in_dim3A_332 = arith.constant 36 : i32
      %broadcast_in_dim3A_333 = vector.broadcast %broadcast_in_dim3A_332 : i32 to vector<16xi32>
      %gather3A_334 = tpu.vector_load_idx %arg4[%add3A_68, %broadcast_in_dim3A_333] : memref<256x128xf32, #tpu.memory_space<vmem>>[vector<16xi32>, vector<16xi32>], vector<16xf32>,
      %gt3A_335 = arith.constant 5.000000e-01 : f32
      %gt3A_336 = vector.broadcast %gt3A_335 : f32 to vector<16xf32>
      %gt3A_337 = arith.cmpf ogt, %gather3A_334, %gt3A_336 : vector<16xf32>
      %jit3A_338 = arith.constant 4 : i32
      %jit3A_339 = arith.constant 16 : i32
      %broadcast_in_dim3A_340 = vector.broadcast %jit3A_338 : i32 to vector<16xi32>
      %broadcast_in_dim3A_341 = vector.broadcast %jit3A_339 : i32 to vector<16xi32>
      %select_n3A_342 = arith.select %gt3A_337, %broadcast_in_dim3A_340, %broadcast_in_dim3A_341 : vector<16xi1>, vector<16xi32>
      %min3A_343 = arith.minsi %min3A_331, %select_n3A_342 : vector<16xi32>
      %broadcast_in_dim3A_344 = arith.constant 37 : i32
      %broadcast_in_dim3A_345 = vector.broadcast %broadcast_in_dim3A_344 : i32 to vector<16xi32>
      %gather3A_346 = tpu.vector_load_idx %arg4[%add3A_68, %broadcast_in_dim3A_345] : memref<256x128xf32, #tpu.memory_space<vmem>>[vector<16xi32>, vector<16xi32>], vector<16xf32>,
      %gt3A_347 = arith.constant 5.000000e-01 : f32
      %gt3A_348 = vector.broadcast %gt3A_347 : f32 to vector<16xf32>
      %gt3A_349 = arith.cmpf ogt, %gather3A_346, %gt3A_348 : vector<16xf32>
      %jit3A_350 = arith.constant 5 : i32
      %jit3A_351 = arith.constant 16 : i32
      %broadcast_in_dim3A_352 = vector.broadcast %jit3A_350 : i32 to vector<16xi32>
      %broadcast_in_dim3A_353 = vector.broadcast %jit3A_351 : i32 to vector<16xi32>
      %select_n3A_354 = arith.select %gt3A_349, %broadcast_in_dim3A_352, %broadcast_in_dim3A_353 : vector<16xi1>, vector<16xi32>
      %min3A_355 = arith.minsi %min3A_343, %select_n3A_354 : vector<16xi32>
      %broadcast_in_dim3A_356 = arith.constant 38 : i32
      %broadcast_in_dim3A_357 = vector.broadcast %broadcast_in_dim3A_356 : i32 to vector<16xi32>
      %gather3A_358 = tpu.vector_load_idx %arg4[%add3A_68, %broadcast_in_dim3A_357] : memref<256x128xf32, #tpu.memory_space<vmem>>[vector<16xi32>, vector<16xi32>], vector<16xf32>,
      %gt3A_359 = arith.constant 5.000000e-01 : f32
      %gt3A_360 = vector.broadcast %gt3A_359 : f32 to vector<16xf32>
      %gt3A_361 = arith.cmpf ogt, %gather3A_358, %gt3A_360 : vector<16xf32>
      %jit3A_362 = arith.constant 6 : i32
      %jit3A_363 = arith.constant 16 : i32
      %broadcast_in_dim3A_364 = vector.broadcast %jit3A_362 : i32 to vector<16xi32>
      %broadcast_in_dim3A_365 = vector.broadcast %jit3A_363 : i32 to vector<16xi32>
      %select_n3A_366 = arith.select %gt3A_361, %broadcast_in_dim3A_364, %broadcast_in_dim3A_365 : vector<16xi1>, vector<16xi32>
      %min3A_367 = arith.minsi %min3A_355, %select_n3A_366 : vector<16xi32>
      %broadcast_in_dim3A_368 = arith.constant 39 : i32
      %broadcast_in_dim3A_369 = vector.broadcast %broadcast_in_dim3A_368 : i32 to vector<16xi32>
      %gather3A_370 = tpu.vector_load_idx %arg4[%add3A_68, %broadcast_in_dim3A_369] : memref<256x128xf32, #tpu.memory_space<vmem>>[vector<16xi32>, vector<16xi32>], vector<16xf32>,
      %gt3A_371 = arith.constant 5.000000e-01 : f32
      %gt3A_372 = vector.broadcast %gt3A_371 : f32 to vector<16xf32>
      %gt3A_373 = arith.cmpf ogt, %gather3A_370, %gt3A_372 : vector<16xf32>
      %jit3A_374 = arith.constant 7 : i32
      %jit3A_375 = arith.constant 16 : i32
      %broadcast_in_dim3A_376 = vector.broadcast %jit3A_374 : i32 to vector<16xi32>
      %broadcast_in_dim3A_377 = vector.broadcast %jit3A_375 : i32 to vector<16xi32>
      %select_n3A_378 = arith.select %gt3A_373, %broadcast_in_dim3A_376, %broadcast_in_dim3A_377 : vector<16xi1>, vector<16xi32>
      %min3A_379 = arith.minsi %min3A_367, %select_n3A_378 : vector<16xi32>
      %broadcast_in_dim3A_380 = arith.constant 40 : i32
      %broadcast_in_dim3A_381 = vector.broadcast %broadcast_in_dim3A_380 : i32 to vector<16xi32>
      %gather3A_382 = tpu.vector_load_idx %arg4[%add3A_68, %broadcast_in_dim3A_381] : memref<256x128xf32, #tpu.memory_space<vmem>>[vector<16xi32>, vector<16xi32>], vector<16xf32>,
      %gt3A_383 = arith.constant 5.000000e-01 : f32
      %gt3A_384 = vector.broadcast %gt3A_383 : f32 to vector<16xf32>
      %gt3A_385 = arith.cmpf ogt, %gather3A_382, %gt3A_384 : vector<16xf32>
      %jit3A_386 = arith.constant 8 : i32
      %jit3A_387 = arith.constant 16 : i32
      %broadcast_in_dim3A_388 = vector.broadcast %jit3A_386 : i32 to vector<16xi32>
      %broadcast_in_dim3A_389 = vector.broadcast %jit3A_387 : i32 to vector<16xi32>
      %select_n3A_390 = arith.select %gt3A_385, %broadcast_in_dim3A_388, %broadcast_in_dim3A_389 : vector<16xi1>, vector<16xi32>
      %min3A_391 = arith.minsi %min3A_379, %select_n3A_390 : vector<16xi32>
      %broadcast_in_dim3A_392 = arith.constant 41 : i32
      %broadcast_in_dim3A_393 = vector.broadcast %broadcast_in_dim3A_392 : i32 to vector<16xi32>
      %gather3A_394 = tpu.vector_load_idx %arg4[%add3A_68, %broadcast_in_dim3A_393] : memref<256x128xf32, #tpu.memory_space<vmem>>[vector<16xi32>, vector<16xi32>], vector<16xf32>,
      %gt3A_395 = arith.constant 5.000000e-01 : f32
      %gt3A_396 = vector.broadcast %gt3A_395 : f32 to vector<16xf32>
      %gt3A_397 = arith.cmpf ogt, %gather3A_394, %gt3A_396 : vector<16xf32>
      %jit3A_398 = arith.constant 9 : i32
      %jit3A_399 = arith.constant 16 : i32
      %broadcast_in_dim3A_400 = vector.broadcast %jit3A_398 : i32 to vector<16xi32>
      %broadcast_in_dim3A_401 = vector.broadcast %jit3A_399 : i32 to vector<16xi32>
      %select_n3A_402 = arith.select %gt3A_397, %broadcast_in_dim3A_400, %broadcast_in_dim3A_401 : vector<16xi1>, vector<16xi32>
      %min3A_403 = arith.minsi %min3A_391, %select_n3A_402 : vector<16xi32>
      %broadcast_in_dim3A_404 = arith.constant 42 : i32
      %broadcast_in_dim3A_405 = vector.broadcast %broadcast_in_dim3A_404 : i32 to vector<16xi32>
      %gather3A_406 = tpu.vector_load_idx %arg4[%add3A_68, %broadcast_in_dim3A_405] : memref<256x128xf32, #tpu.memory_space<vmem>>[vector<16xi32>, vector<16xi32>], vector<16xf32>,
      %gt3A_407 = arith.constant 5.000000e-01 : f32
      %gt3A_408 = vector.broadcast %gt3A_407 : f32 to vector<16xf32>
      %gt3A_409 = arith.cmpf ogt, %gather3A_406, %gt3A_408 : vector<16xf32>
      %jit3A_410 = arith.constant 10 : i32
      %jit3A_411 = arith.constant 16 : i32
      %broadcast_in_dim3A_412 = vector.broadcast %jit3A_410 : i32 to vector<16xi32>
      %broadcast_in_dim3A_413 = vector.broadcast %jit3A_411 : i32 to vector<16xi32>
      %select_n3A_414 = arith.select %gt3A_409, %broadcast_in_dim3A_412, %broadcast_in_dim3A_413 : vector<16xi1>, vector<16xi32>
      %min3A_415 = arith.minsi %min3A_403, %select_n3A_414 : vector<16xi32>
      %broadcast_in_dim3A_416 = arith.constant 43 : i32
      %broadcast_in_dim3A_417 = vector.broadcast %broadcast_in_dim3A_416 : i32 to vector<16xi32>
      %gather3A_418 = tpu.vector_load_idx %arg4[%add3A_68, %broadcast_in_dim3A_417] : memref<256x128xf32, #tpu.memory_space<vmem>>[vector<16xi32>, vector<16xi32>], vector<16xf32>,
      %gt3A_419 = arith.constant 5.000000e-01 : f32
      %gt3A_420 = vector.broadcast %gt3A_419 : f32 to vector<16xf32>
      %gt3A_421 = arith.cmpf ogt, %gather3A_418, %gt3A_420 : vector<16xf32>
      %jit3A_422 = arith.constant 11 : i32
      %jit3A_423 = arith.constant 16 : i32
      %broadcast_in_dim3A_424 = vector.broadcast %jit3A_422 : i32 to vector<16xi32>
      %broadcast_in_dim3A_425 = vector.broadcast %jit3A_423 : i32 to vector<16xi32>
      %select_n3A_426 = arith.select %gt3A_421, %broadcast_in_dim3A_424, %broadcast_in_dim3A_425 : vector<16xi1>, vector<16xi32>
      %min3A_427 = arith.minsi %min3A_415, %select_n3A_426 : vector<16xi32>
      %broadcast_in_dim3A_428 = arith.constant 44 : i32
      %broadcast_in_dim3A_429 = vector.broadcast %broadcast_in_dim3A_428 : i32 to vector<16xi32>
      %gather3A_430 = tpu.vector_load_idx %arg4[%add3A_68, %broadcast_in_dim3A_429] : memref<256x128xf32, #tpu.memory_space<vmem>>[vector<16xi32>, vector<16xi32>], vector<16xf32>,
      %gt3A_431 = arith.constant 5.000000e-01 : f32
      %gt3A_432 = vector.broadcast %gt3A_431 : f32 to vector<16xf32>
      %gt3A_433 = arith.cmpf ogt, %gather3A_430, %gt3A_432 : vector<16xf32>
      %jit3A_434 = arith.constant 12 : i32
      %jit3A_435 = arith.constant 16 : i32
      %broadcast_in_dim3A_436 = vector.broadcast %jit3A_434 : i32 to vector<16xi32>
      %broadcast_in_dim3A_437 = vector.broadcast %jit3A_435 : i32 to vector<16xi32>
      %select_n3A_438 = arith.select %gt3A_433, %broadcast_in_dim3A_436, %broadcast_in_dim3A_437 : vector<16xi1>, vector<16xi32>
      %min3A_439 = arith.minsi %min3A_427, %select_n3A_438 : vector<16xi32>
      %broadcast_in_dim3A_440 = arith.constant 45 : i32
      %broadcast_in_dim3A_441 = vector.broadcast %broadcast_in_dim3A_440 : i32 to vector<16xi32>
      %gather3A_442 = tpu.vector_load_idx %arg4[%add3A_68, %broadcast_in_dim3A_441] : memref<256x128xf32, #tpu.memory_space<vmem>>[vector<16xi32>, vector<16xi32>], vector<16xf32>,
      %gt3A_443 = arith.constant 5.000000e-01 : f32
      %gt3A_444 = vector.broadcast %gt3A_443 : f32 to vector<16xf32>
      %gt3A_445 = arith.cmpf ogt, %gather3A_442, %gt3A_444 : vector<16xf32>
      %jit3A_446 = arith.constant 13 : i32
      %jit3A_447 = arith.constant 16 : i32
      %broadcast_in_dim3A_448 = vector.broadcast %jit3A_446 : i32 to vector<16xi32>
      %broadcast_in_dim3A_449 = vector.broadcast %jit3A_447 : i32 to vector<16xi32>
      %select_n3A_450 = arith.select %gt3A_445, %broadcast_in_dim3A_448, %broadcast_in_dim3A_449 : vector<16xi1>, vector<16xi32>
      %min3A_451 = arith.minsi %min3A_439, %select_n3A_450 : vector<16xi32>
      %broadcast_in_dim3A_452 = arith.constant 46 : i32
      %broadcast_in_dim3A_453 = vector.broadcast %broadcast_in_dim3A_452 : i32 to vector<16xi32>
      %gather3A_454 = tpu.vector_load_idx %arg4[%add3A_68, %broadcast_in_dim3A_453] : memref<256x128xf32, #tpu.memory_space<vmem>>[vector<16xi32>, vector<16xi32>], vector<16xf32>,
      %gt3A_455 = arith.constant 5.000000e-01 : f32
      %gt3A_456 = vector.broadcast %gt3A_455 : f32 to vector<16xf32>
      %gt3A_457 = arith.cmpf ogt, %gather3A_454, %gt3A_456 : vector<16xf32>
      %jit3A_458 = arith.constant 14 : i32
      %jit3A_459 = arith.constant 16 : i32
      %broadcast_in_dim3A_460 = vector.broadcast %jit3A_458 : i32 to vector<16xi32>
      %broadcast_in_dim3A_461 = vector.broadcast %jit3A_459 : i32 to vector<16xi32>
      %select_n3A_462 = arith.select %gt3A_457, %broadcast_in_dim3A_460, %broadcast_in_dim3A_461 : vector<16xi1>, vector<16xi32>
      %min3A_463 = arith.minsi %min3A_451, %select_n3A_462 : vector<16xi32>
      %broadcast_in_dim3A_464 = arith.constant 47 : i32
      %broadcast_in_dim3A_465 = vector.broadcast %broadcast_in_dim3A_464 : i32 to vector<16xi32>
      %gather3A_466 = tpu.vector_load_idx %arg4[%add3A_68, %broadcast_in_dim3A_465] : memref<256x128xf32, #tpu.memory_space<vmem>>[vector<16xi32>, vector<16xi32>], vector<16xf32>,
      %gt3A_467 = arith.constant 5.000000e-01 : f32
      %gt3A_468 = vector.broadcast %gt3A_467 : f32 to vector<16xf32>
      %gt3A_469 = arith.cmpf ogt, %gather3A_466, %gt3A_468 : vector<16xf32>
      %jit3A_470 = arith.constant 15 : i32
      %jit3A_471 = arith.constant 16 : i32
      %broadcast_in_dim3A_472 = vector.broadcast %jit3A_470 : i32 to vector<16xi32>
      %broadcast_in_dim3A_473 = vector.broadcast %jit3A_471 : i32 to vector<16xi32>
      %select_n3A_474 = arith.select %gt3A_469, %broadcast_in_dim3A_472, %broadcast_in_dim3A_473 : vector<16xi1>, vector<16xi32>
      %min3A_475 = arith.minsi %min3A_463, %select_n3A_474 : vector<16xi32>
      %eq3A_476 = arith.constant 16 : i32
      %eq3A_477 = vector.broadcast %eq3A_476 : i32 to vector<16xi32>
      %eq3A_478 = arith.cmpi eq, %min3A_475, %eq3A_477 : vector<16xi32>
      %jit3A_479 = arith.constant 0 : i32
      %broadcast_in_dim3A_480 = vector.broadcast %jit3A_479 : i32 to vector<16xi32>
      %select_n3A_481 = arith.select %eq3A_478, %broadcast_in_dim3A_480, %min3A_475 : vector<16xi1>, vector<16xi32>
      %broadcast_in_dim3A_482 = arith.constant 16 : i32
      %broadcast_in_dim3A_483 = vector.broadcast %broadcast_in_dim3A_482 : i32 to vector<16xi32>
      %broadcast_in_dim3A_484 = arith.constant 48 : i32
      %broadcast_in_dim3A_485 = vector.broadcast %broadcast_in_dim3A_484 : i32 to vector<16xi32>
      %gather3A_486 = tpu.vector_load_idx %arg4[%add3A_68, %broadcast_in_dim3A_485] : memref<256x128xf32, #tpu.memory_space<vmem>>[vector<16xi32>, vector<16xi32>], vector<16xf32>,
      %gt3A_487 = arith.constant 5.000000e-01 : f32
      %gt3A_488 = vector.broadcast %gt3A_487 : f32 to vector<16xf32>
      %gt3A_489 = arith.cmpf ogt, %gather3A_486, %gt3A_488 : vector<16xf32>
      %jit3A_490 = arith.constant 0 : i32
      %jit3A_491 = arith.constant 16 : i32
      %broadcast_in_dim3A_492 = vector.broadcast %jit3A_490 : i32 to vector<16xi32>
      %broadcast_in_dim3A_493 = vector.broadcast %jit3A_491 : i32 to vector<16xi32>
      %select_n3A_494 = arith.select %gt3A_489, %broadcast_in_dim3A_492, %broadcast_in_dim3A_493 : vector<16xi1>, vector<16xi32>
      %min3A_495 = arith.minsi %broadcast_in_dim3A_483, %select_n3A_494 : vector<16xi32>
      %broadcast_in_dim3A_496 = arith.constant 49 : i32
      %broadcast_in_dim3A_497 = vector.broadcast %broadcast_in_dim3A_496 : i32 to vector<16xi32>
      %gather3A_498 = tpu.vector_load_idx %arg4[%add3A_68, %broadcast_in_dim3A_497] : memref<256x128xf32, #tpu.memory_space<vmem>>[vector<16xi32>, vector<16xi32>], vector<16xf32>,
      %gt3A_499 = arith.constant 5.000000e-01 : f32
      %gt3A_500 = vector.broadcast %gt3A_499 : f32 to vector<16xf32>
      %gt3A_501 = arith.cmpf ogt, %gather3A_498, %gt3A_500 : vector<16xf32>
      %jit3A_502 = arith.constant 1 : i32
      %jit3A_503 = arith.constant 16 : i32
      %broadcast_in_dim3A_504 = vector.broadcast %jit3A_502 : i32 to vector<16xi32>
      %broadcast_in_dim3A_505 = vector.broadcast %jit3A_503 : i32 to vector<16xi32>
      %select_n3A_506 = arith.select %gt3A_501, %broadcast_in_dim3A_504, %broadcast_in_dim3A_505 : vector<16xi1>, vector<16xi32>
      %min3A_507 = arith.minsi %min3A_495, %select_n3A_506 : vector<16xi32>
      %broadcast_in_dim3A_508 = arith.constant 50 : i32
      %broadcast_in_dim3A_509 = vector.broadcast %broadcast_in_dim3A_508 : i32 to vector<16xi32>
      %gather3A_510 = tpu.vector_load_idx %arg4[%add3A_68, %broadcast_in_dim3A_509] : memref<256x128xf32, #tpu.memory_space<vmem>>[vector<16xi32>, vector<16xi32>], vector<16xf32>,
      %gt3A_511 = arith.constant 5.000000e-01 : f32
      %gt3A_512 = vector.broadcast %gt3A_511 : f32 to vector<16xf32>
      %gt3A_513 = arith.cmpf ogt, %gather3A_510, %gt3A_512 : vector<16xf32>
      %jit3A_514 = arith.constant 2 : i32
      %jit3A_515 = arith.constant 16 : i32
      %broadcast_in_dim3A_516 = vector.broadcast %jit3A_514 : i32 to vector<16xi32>
      %broadcast_in_dim3A_517 = vector.broadcast %jit3A_515 : i32 to vector<16xi32>
      %select_n3A_518 = arith.select %gt3A_513, %broadcast_in_dim3A_516, %broadcast_in_dim3A_517 : vector<16xi1>, vector<16xi32>
      %min3A_519 = arith.minsi %min3A_507, %select_n3A_518 : vector<16xi32>
      %broadcast_in_dim3A_520 = arith.constant 51 : i32
      %broadcast_in_dim3A_521 = vector.broadcast %broadcast_in_dim3A_520 : i32 to vector<16xi32>
      %gather3A_522 = tpu.vector_load_idx %arg4[%add3A_68, %broadcast_in_dim3A_521] : memref<256x128xf32, #tpu.memory_space<vmem>>[vector<16xi32>, vector<16xi32>], vector<16xf32>,
      %gt3A_523 = arith.constant 5.000000e-01 : f32
      %gt3A_524 = vector.broadcast %gt3A_523 : f32 to vector<16xf32>
      %gt3A_525 = arith.cmpf ogt, %gather3A_522, %gt3A_524 : vector<16xf32>
      %jit3A_526 = arith.constant 3 : i32
      %jit3A_527 = arith.constant 16 : i32
      %broadcast_in_dim3A_528 = vector.broadcast %jit3A_526 : i32 to vector<16xi32>
      %broadcast_in_dim3A_529 = vector.broadcast %jit3A_527 : i32 to vector<16xi32>
      %select_n3A_530 = arith.select %gt3A_525, %broadcast_in_dim3A_528, %broadcast_in_dim3A_529 : vector<16xi1>, vector<16xi32>
      %min3A_531 = arith.minsi %min3A_519, %select_n3A_530 : vector<16xi32>
      %broadcast_in_dim3A_532 = arith.constant 52 : i32
      %broadcast_in_dim3A_533 = vector.broadcast %broadcast_in_dim3A_532 : i32 to vector<16xi32>
      %gather3A_534 = tpu.vector_load_idx %arg4[%add3A_68, %broadcast_in_dim3A_533] : memref<256x128xf32, #tpu.memory_space<vmem>>[vector<16xi32>, vector<16xi32>], vector<16xf32>,
      %gt3A_535 = arith.constant 5.000000e-01 : f32
      %gt3A_536 = vector.broadcast %gt3A_535 : f32 to vector<16xf32>
      %gt3A_537 = arith.cmpf ogt, %gather3A_534, %gt3A_536 : vector<16xf32>
      %jit3A_538 = arith.constant 4 : i32
      %jit3A_539 = arith.constant 16 : i32
      %broadcast_in_dim3A_540 = vector.broadcast %jit3A_538 : i32 to vector<16xi32>
      %broadcast_in_dim3A_541 = vector.broadcast %jit3A_539 : i32 to vector<16xi32>
      %select_n3A_542 = arith.select %gt3A_537, %broadcast_in_dim3A_540, %broadcast_in_dim3A_541 : vector<16xi1>, vector<16xi32>
      %min3A_543 = arith.minsi %min3A_531, %select_n3A_542 : vector<16xi32>
      %broadcast_in_dim3A_544 = arith.constant 53 : i32
      %broadcast_in_dim3A_545 = vector.broadcast %broadcast_in_dim3A_544 : i32 to vector<16xi32>
      %gather3A_546 = tpu.vector_load_idx %arg4[%add3A_68, %broadcast_in_dim3A_545] : memref<256x128xf32, #tpu.memory_space<vmem>>[vector<16xi32>, vector<16xi32>], vector<16xf32>,
      %gt3A_547 = arith.constant 5.000000e-01 : f32
      %gt3A_548 = vector.broadcast %gt3A_547 : f32 to vector<16xf32>
      %gt3A_549 = arith.cmpf ogt, %gather3A_546, %gt3A_548 : vector<16xf32>
      %jit3A_550 = arith.constant 5 : i32
      %jit3A_551 = arith.constant 16 : i32
      %broadcast_in_dim3A_552 = vector.broadcast %jit3A_550 : i32 to vector<16xi32>
      %broadcast_in_dim3A_553 = vector.broadcast %jit3A_551 : i32 to vector<16xi32>
      %select_n3A_554 = arith.select %gt3A_549, %broadcast_in_dim3A_552, %broadcast_in_dim3A_553 : vector<16xi1>, vector<16xi32>
      %min3A_555 = arith.minsi %min3A_543, %select_n3A_554 : vector<16xi32>
      %broadcast_in_dim3A_556 = arith.constant 54 : i32
      %broadcast_in_dim3A_557 = vector.broadcast %broadcast_in_dim3A_556 : i32 to vector<16xi32>
      %gather3A_558 = tpu.vector_load_idx %arg4[%add3A_68, %broadcast_in_dim3A_557] : memref<256x128xf32, #tpu.memory_space<vmem>>[vector<16xi32>, vector<16xi32>], vector<16xf32>,
      %gt3A_559 = arith.constant 5.000000e-01 : f32
      %gt3A_560 = vector.broadcast %gt3A_559 : f32 to vector<16xf32>
      %gt3A_561 = arith.cmpf ogt, %gather3A_558, %gt3A_560 : vector<16xf32>
      %jit3A_562 = arith.constant 6 : i32
      %jit3A_563 = arith.constant 16 : i32
      %broadcast_in_dim3A_564 = vector.broadcast %jit3A_562 : i32 to vector<16xi32>
      %broadcast_in_dim3A_565 = vector.broadcast %jit3A_563 : i32 to vector<16xi32>
      %select_n3A_566 = arith.select %gt3A_561, %broadcast_in_dim3A_564, %broadcast_in_dim3A_565 : vector<16xi1>, vector<16xi32>
      %min3A_567 = arith.minsi %min3A_555, %select_n3A_566 : vector<16xi32>
      %broadcast_in_dim3A_568 = arith.constant 55 : i32
      %broadcast_in_dim3A_569 = vector.broadcast %broadcast_in_dim3A_568 : i32 to vector<16xi32>
      %gather3A_570 = tpu.vector_load_idx %arg4[%add3A_68, %broadcast_in_dim3A_569] : memref<256x128xf32, #tpu.memory_space<vmem>>[vector<16xi32>, vector<16xi32>], vector<16xf32>,
      %gt3A_571 = arith.constant 5.000000e-01 : f32
      %gt3A_572 = vector.broadcast %gt3A_571 : f32 to vector<16xf32>
      %gt3A_573 = arith.cmpf ogt, %gather3A_570, %gt3A_572 : vector<16xf32>
      %jit3A_574 = arith.constant 7 : i32
      %jit3A_575 = arith.constant 16 : i32
      %broadcast_in_dim3A_576 = vector.broadcast %jit3A_574 : i32 to vector<16xi32>
      %broadcast_in_dim3A_577 = vector.broadcast %jit3A_575 : i32 to vector<16xi32>
      %select_n3A_578 = arith.select %gt3A_573, %broadcast_in_dim3A_576, %broadcast_in_dim3A_577 : vector<16xi1>, vector<16xi32>
      %min3A_579 = arith.minsi %min3A_567, %select_n3A_578 : vector<16xi32>
      %broadcast_in_dim3A_580 = arith.constant 56 : i32
      %broadcast_in_dim3A_581 = vector.broadcast %broadcast_in_dim3A_580 : i32 to vector<16xi32>
      %gather3A_582 = tpu.vector_load_idx %arg4[%add3A_68, %broadcast_in_dim3A_581] : memref<256x128xf32, #tpu.memory_space<vmem>>[vector<16xi32>, vector<16xi32>], vector<16xf32>,
      %gt3A_583 = arith.constant 5.000000e-01 : f32
      %gt3A_584 = vector.broadcast %gt3A_583 : f32 to vector<16xf32>
      %gt3A_585 = arith.cmpf ogt, %gather3A_582, %gt3A_584 : vector<16xf32>
      %jit3A_586 = arith.constant 8 : i32
      %jit3A_587 = arith.constant 16 : i32
      %broadcast_in_dim3A_588 = vector.broadcast %jit3A_586 : i32 to vector<16xi32>
      %broadcast_in_dim3A_589 = vector.broadcast %jit3A_587 : i32 to vector<16xi32>
      %select_n3A_590 = arith.select %gt3A_585, %broadcast_in_dim3A_588, %broadcast_in_dim3A_589 : vector<16xi1>, vector<16xi32>
      %min3A_591 = arith.minsi %min3A_579, %select_n3A_590 : vector<16xi32>
      %broadcast_in_dim3A_592 = arith.constant 57 : i32
      %broadcast_in_dim3A_593 = vector.broadcast %broadcast_in_dim3A_592 : i32 to vector<16xi32>
      %gather3A_594 = tpu.vector_load_idx %arg4[%add3A_68, %broadcast_in_dim3A_593] : memref<256x128xf32, #tpu.memory_space<vmem>>[vector<16xi32>, vector<16xi32>], vector<16xf32>,
      %gt3A_595 = arith.constant 5.000000e-01 : f32
      %gt3A_596 = vector.broadcast %gt3A_595 : f32 to vector<16xf32>
      %gt3A_597 = arith.cmpf ogt, %gather3A_594, %gt3A_596 : vector<16xf32>
      %jit3A_598 = arith.constant 9 : i32
      %jit3A_599 = arith.constant 16 : i32
      %broadcast_in_dim3A_600 = vector.broadcast %jit3A_598 : i32 to vector<16xi32>
      %broadcast_in_dim3A_601 = vector.broadcast %jit3A_599 : i32 to vector<16xi32>
      %select_n3A_602 = arith.select %gt3A_597, %broadcast_in_dim3A_600, %broadcast_in_dim3A_601 : vector<16xi1>, vector<16xi32>
      %min3A_603 = arith.minsi %min3A_591, %select_n3A_602 : vector<16xi32>
      %broadcast_in_dim3A_604 = arith.constant 58 : i32
      %broadcast_in_dim3A_605 = vector.broadcast %broadcast_in_dim3A_604 : i32 to vector<16xi32>
      %gather3A_606 = tpu.vector_load_idx %arg4[%add3A_68, %broadcast_in_dim3A_605] : memref<256x128xf32, #tpu.memory_space<vmem>>[vector<16xi32>, vector<16xi32>], vector<16xf32>,
      %gt3A_607 = arith.constant 5.000000e-01 : f32
      %gt3A_608 = vector.broadcast %gt3A_607 : f32 to vector<16xf32>
      %gt3A_609 = arith.cmpf ogt, %gather3A_606, %gt3A_608 : vector<16xf32>
      %jit3A_610 = arith.constant 10 : i32
      %jit3A_611 = arith.constant 16 : i32
      %broadcast_in_dim3A_612 = vector.broadcast %jit3A_610 : i32 to vector<16xi32>
      %broadcast_in_dim3A_613 = vector.broadcast %jit3A_611 : i32 to vector<16xi32>
      %select_n3A_614 = arith.select %gt3A_609, %broadcast_in_dim3A_612, %broadcast_in_dim3A_613 : vector<16xi1>, vector<16xi32>
      %min3A_615 = arith.minsi %min3A_603, %select_n3A_614 : vector<16xi32>
      %broadcast_in_dim3A_616 = arith.constant 59 : i32
      %broadcast_in_dim3A_617 = vector.broadcast %broadcast_in_dim3A_616 : i32 to vector<16xi32>
      %gather3A_618 = tpu.vector_load_idx %arg4[%add3A_68, %broadcast_in_dim3A_617] : memref<256x128xf32, #tpu.memory_space<vmem>>[vector<16xi32>, vector<16xi32>], vector<16xf32>,
      %gt3A_619 = arith.constant 5.000000e-01 : f32
      %gt3A_620 = vector.broadcast %gt3A_619 : f32 to vector<16xf32>
      %gt3A_621 = arith.cmpf ogt, %gather3A_618, %gt3A_620 : vector<16xf32>
      %jit3A_622 = arith.constant 11 : i32
      %jit3A_623 = arith.constant 16 : i32
      %broadcast_in_dim3A_624 = vector.broadcast %jit3A_622 : i32 to vector<16xi32>
      %broadcast_in_dim3A_625 = vector.broadcast %jit3A_623 : i32 to vector<16xi32>
      %select_n3A_626 = arith.select %gt3A_621, %broadcast_in_dim3A_624, %broadcast_in_dim3A_625 : vector<16xi1>, vector<16xi32>
      %min3A_627 = arith.minsi %min3A_615, %select_n3A_626 : vector<16xi32>
      %broadcast_in_dim3A_628 = arith.constant 60 : i32
      %broadcast_in_dim3A_629 = vector.broadcast %broadcast_in_dim3A_628 : i32 to vector<16xi32>
      %gather3A_630 = tpu.vector_load_idx %arg4[%add3A_68, %broadcast_in_dim3A_629] : memref<256x128xf32, #tpu.memory_space<vmem>>[vector<16xi32>, vector<16xi32>], vector<16xf32>,
      %gt3A_631 = arith.constant 5.000000e-01 : f32
      %gt3A_632 = vector.broadcast %gt3A_631 : f32 to vector<16xf32>
      %gt3A_633 = arith.cmpf ogt, %gather3A_630, %gt3A_632 : vector<16xf32>
      %jit3A_634 = arith.constant 12 : i32
      %jit3A_635 = arith.constant 16 : i32
      %broadcast_in_dim3A_636 = vector.broadcast %jit3A_634 : i32 to vector<16xi32>
      %broadcast_in_dim3A_637 = vector.broadcast %jit3A_635 : i32 to vector<16xi32>
      %select_n3A_638 = arith.select %gt3A_633, %broadcast_in_dim3A_636, %broadcast_in_dim3A_637 : vector<16xi1>, vector<16xi32>
      %min3A_639 = arith.minsi %min3A_627, %select_n3A_638 : vector<16xi32>
      %broadcast_in_dim3A_640 = arith.constant 61 : i32
      %broadcast_in_dim3A_641 = vector.broadcast %broadcast_in_dim3A_640 : i32 to vector<16xi32>
      %gather3A_642 = tpu.vector_load_idx %arg4[%add3A_68, %broadcast_in_dim3A_641] : memref<256x128xf32, #tpu.memory_space<vmem>>[vector<16xi32>, vector<16xi32>], vector<16xf32>,
      %gt3A_643 = arith.constant 5.000000e-01 : f32
      %gt3A_644 = vector.broadcast %gt3A_643 : f32 to vector<16xf32>
      %gt3A_645 = arith.cmpf ogt, %gather3A_642, %gt3A_644 : vector<16xf32>
      %jit3A_646 = arith.constant 13 : i32
      %jit3A_647 = arith.constant 16 : i32
      %broadcast_in_dim3A_648 = vector.broadcast %jit3A_646 : i32 to vector<16xi32>
      %broadcast_in_dim3A_649 = vector.broadcast %jit3A_647 : i32 to vector<16xi32>
      %select_n3A_650 = arith.select %gt3A_645, %broadcast_in_dim3A_648, %broadcast_in_dim3A_649 : vector<16xi1>, vector<16xi32>
      %min3A_651 = arith.minsi %min3A_639, %select_n3A_650 : vector<16xi32>
      %broadcast_in_dim3A_652 = arith.constant 62 : i32
      %broadcast_in_dim3A_653 = vector.broadcast %broadcast_in_dim3A_652 : i32 to vector<16xi32>
      %gather3A_654 = tpu.vector_load_idx %arg4[%add3A_68, %broadcast_in_dim3A_653] : memref<256x128xf32, #tpu.memory_space<vmem>>[vector<16xi32>, vector<16xi32>], vector<16xf32>,
      %gt3A_655 = arith.constant 5.000000e-01 : f32
      %gt3A_656 = vector.broadcast %gt3A_655 : f32 to vector<16xf32>
      %gt3A_657 = arith.cmpf ogt, %gather3A_654, %gt3A_656 : vector<16xf32>
      %jit3A_658 = arith.constant 14 : i32
      %jit3A_659 = arith.constant 16 : i32
      %broadcast_in_dim3A_660 = vector.broadcast %jit3A_658 : i32 to vector<16xi32>
      %broadcast_in_dim3A_661 = vector.broadcast %jit3A_659 : i32 to vector<16xi32>
      %select_n3A_662 = arith.select %gt3A_657, %broadcast_in_dim3A_660, %broadcast_in_dim3A_661 : vector<16xi1>, vector<16xi32>
      %min3A_663 = arith.minsi %min3A_651, %select_n3A_662 : vector<16xi32>
      %broadcast_in_dim3A_664 = arith.constant 63 : i32
      %broadcast_in_dim3A_665 = vector.broadcast %broadcast_in_dim3A_664 : i32 to vector<16xi32>
      %gather3A_666 = tpu.vector_load_idx %arg4[%add3A_68, %broadcast_in_dim3A_665] : memref<256x128xf32, #tpu.memory_space<vmem>>[vector<16xi32>, vector<16xi32>], vector<16xf32>,
      %gt3A_667 = arith.constant 5.000000e-01 : f32
      %gt3A_668 = vector.broadcast %gt3A_667 : f32 to vector<16xf32>
      %gt3A_669 = arith.cmpf ogt, %gather3A_666, %gt3A_668 : vector<16xf32>
      %jit3A_670 = arith.constant 15 : i32
      %jit3A_671 = arith.constant 16 : i32
      %broadcast_in_dim3A_672 = vector.broadcast %jit3A_670 : i32 to vector<16xi32>
      %broadcast_in_dim3A_673 = vector.broadcast %jit3A_671 : i32 to vector<16xi32>
      %select_n3A_674 = arith.select %gt3A_669, %broadcast_in_dim3A_672, %broadcast_in_dim3A_673 : vector<16xi1>, vector<16xi32>
      %min3A_675 = arith.minsi %min3A_663, %select_n3A_674 : vector<16xi32>
      %eq3A_676 = arith.constant 16 : i32
      %eq3A_677 = vector.broadcast %eq3A_676 : i32 to vector<16xi32>
      %eq3A_678 = arith.cmpi eq, %min3A_675, %eq3A_677 : vector<16xi32>
      %jit3A_679 = arith.constant 0 : i32
      %broadcast_in_dim3A_680 = vector.broadcast %jit3A_679 : i32 to vector<16xi32>
      %select_n3A_681 = arith.select %eq3A_678, %broadcast_in_dim3A_680, %min3A_675 : vector<16xi1>, vector<16xi32>
      %mul3A_682 = arith.constant 16 : i32
      %mul3A_683 = vector.broadcast %mul3A_682 : i32 to vector<16xi32>
      %mul3A_684 = arith.muli %mul3A_683, %select_n3A_481 : vector<16xi32>
      %add3A_685 = arith.addi %select_n3A_281, %mul3A_684 : vector<16xi32>
      %shift_left3A = arith.shli %add3A_685, %select_n3A_681 : vector<16xi32>
      %and3A_686 = arith.constant 255 : i32
      %and3A_687 = vector.broadcast %and3A_686 : i32 to vector<16xi32>
      %and3A_688 = arith.andi %shift_left3A, %and3A_687 : vector<16xi32>
      %shift_right_arithmetic3A = arith.shrsi %add3A_685, %select_n3A_681 : vector<16xi32>
      %select_n3A_689 = arith.select %gt3A_77, %and3A_688, %shift_right_arithmetic3A : vector<16xi1>, vector<16xi32>
      %and3A_690 = arith.constant 15 : i32
      %and3A_691 = vector.broadcast %and3A_690 : i32 to vector<16xi32>
      %and3A_692 = arith.andi %select_n3A_689, %and3A_691 : vector<16xi32>
      %add3A_693 = arith.constant 96 : i32
      %add3A_694 = vector.broadcast %add3A_693 : i32 to vector<16xi32>
      %add3A_695 = arith.addi %add3A_694, %and3A_692 : vector<16xi32>
      %shift_right_arithmetic3A_696 = arith.constant 4 : i32
      %shift_right_arithmetic3A_697 = vector.broadcast %shift_right_arithmetic3A_696 : i32 to vector<16xi32>
      %shift_right_arithmetic3A_698 = arith.shrsi %select_n3A_689, %shift_right_arithmetic3A_697 : vector<16xi32>
      %add3A_699 = arith.constant 112 : i32
      %add3A_700 = vector.broadcast %add3A_699 : i32 to vector<16xi32>
      %add3A_701 = arith.addi %add3A_700, %shift_right_arithmetic3A_698 : vector<16xi32>
      %broadcast_in_dim3A_702 = arith.constant 2.000000e+00 : f32
      %broadcast_in_dim3A_703 = vector.broadcast %broadcast_in_dim3A_702 : f32 to vector<16xf32>
      tpu.vector_store_idx %arg4[%add3A_68, %add3A_695], %broadcast_in_dim3A_703 masked %and3A_85 {add = true} : memref<256x128xf32, #tpu.memory_space<vmem>>[vector<16xi32>, vector<16xi32>], vector<16xf32>, vector<16xi1>
      tpu.vector_store_idx %arg4[%add3A_68, %add3A_701], %broadcast_in_dim3A_703 masked %and3A_85 {add = true} : memref<256x128xf32, #tpu.memory_space<vmem>>[vector<16xi32>, vector<16xi32>], vector<16xf32>, vector<16xi1>
    }
    %scan3A_43 = arith.constant 16 : i32
    "tpu.region"() ({
      %run_scoped3A = tpu.sem_alloc : memref<!tpu.dma_semaphore, #tpu.memory_space<semaphore_mem>>
      %dma_start3A_64 = arith.constant 0 : i32
      %dma_start3A_65 = tpu.memref_slice %arg3[%add3A_29, %dma_start3A_64] : memref<32768x512xf32, #tpu.memory_space<hbm>> -> memref<256x128xf32, #tpu.memory_space<hbm>>
      %dma_start3A_66 = arith.constant 0 : i32
      %dma_start3A_67 = tpu.memref_slice %arg3[%add3A_29, %dma_start3A_66] : memref<32768x512xf32, #tpu.memory_space<hbm>> -> memref<256x128xf32, #tpu.memory_space<hbm>>
      tpu.enqueue_dma source(%arg4 : memref<256x128xf32, #tpu.memory_space<vmem>>) target(%dma_start3A_67 : memref<256x128xf32, #tpu.memory_space<hbm>>) target_semaphore(%run_scoped3A : memref<!tpu.dma_semaphore, #tpu.memory_space<semaphore_mem>>)
      %dma_wait3A_68 = arith.constant 0 : i32
      %dma_wait3A_69 = tpu.memref_slice %arg3[%add3A_29, %dma_wait3A_68] : memref<32768x512xf32, #tpu.memory_space<hbm>> -> memref<256x128xf32, #tpu.memory_space<hbm>>
      %dma_wait3A_70 = arith.constant 0 : i32
      %dma_wait3A_71 = tpu.memref_slice %arg3[%add3A_29, %dma_wait3A_70] : memref<32768x512xf32, #tpu.memory_space<hbm>> -> memref<256x128xf32, #tpu.memory_space<hbm>>
      tpu.wait_dma2 semaphore(%run_scoped3A : memref<!tpu.dma_semaphore, #tpu.memory_space<semaphore_mem>>) src(%arg4 : memref<256x128xf32, #tpu.memory_space<vmem>>) dst(%dma_wait3A_71 : memref<256x128xf32, #tpu.memory_space<hbm>>)
      tpu.yield
    }) : () -> ()
    %add3A_44 = arith.constant 768 : i32
    %add3A_45 = arith.addi %mul3A_2, %add3A_44 : i32
    %dma_wait3A_46 = arith.constant 128 : i32
    %dma_wait3A_47 = tpu.memref_slice %arg3[%add3A_29, %dma_wait3A_46] : memref<32768x512xf32, #tpu.memory_space<hbm>> -> memref<256x384xf32, #tpu.memory_space<hbm>>
    %dma_wait3A_48 = arith.constant 128 : i32
    %dma_wait3A_49 = tpu.memref_slice %arg2[%add3A_29, %dma_wait3A_48] : memref<32768x512xf32, #tpu.memory_space<hbm>> -> memref<256x384xf32, #tpu.memory_space<hbm>>
    tpu.wait_dma2 semaphore(%arg6 : memref<!tpu.dma_semaphore, #tpu.memory_space<semaphore_mem>>) src(%dma_wait3A_49 : memref<256x384xf32, #tpu.memory_space<hbm>>) dst(%dma_wait3A_47 : memref<256x384xf32, #tpu.memory_space<hbm>>)
    %dma_start3A_50 = arith.constant 128 : i32
    %dma_start3A_51 = tpu.memref_slice %arg3[%add3A_45, %dma_start3A_50] : memref<32768x512xf32, #tpu.memory_space<hbm>> -> memref<256x384xf32, #tpu.memory_space<hbm>>
    %dma_start3A_52 = arith.constant 128 : i32
    %dma_start3A_53 = tpu.memref_slice %arg2[%add3A_45, %dma_start3A_52] : memref<32768x512xf32, #tpu.memory_space<hbm>> -> memref<256x384xf32, #tpu.memory_space<hbm>>
    tpu.enqueue_dma source(%dma_start3A_53 : memref<256x384xf32, #tpu.memory_space<hbm>>) target(%dma_start3A_51 : memref<256x384xf32, #tpu.memory_space<hbm>>) target_semaphore(%arg6 : memref<!tpu.dma_semaphore, #tpu.memory_space<semaphore_mem>>)
    "tpu.region"() ({
      %run_scoped3A = tpu.sem_alloc : memref<!tpu.dma_semaphore, #tpu.memory_space<semaphore_mem>>
      %dma_start3A_64 = arith.constant 0 : i32
      %dma_start3A_65 = tpu.memref_slice %arg2[%add3A_45, %dma_start3A_64] : memref<32768x512xf32, #tpu.memory_space<hbm>> -> memref<256x128xf32, #tpu.memory_space<hbm>>
      %dma_start3A_66 = arith.constant 0 : i32
      %dma_start3A_67 = tpu.memref_slice %arg2[%add3A_45, %dma_start3A_66] : memref<32768x512xf32, #tpu.memory_space<hbm>> -> memref<256x128xf32, #tpu.memory_space<hbm>>
      tpu.enqueue_dma source(%dma_start3A_67 : memref<256x128xf32, #tpu.memory_space<hbm>>) target(%arg5 : memref<256x128xf32, #tpu.memory_space<vmem>>) target_semaphore(%run_scoped3A : memref<!tpu.dma_semaphore, #tpu.memory_space<semaphore_mem>>)
      %dma_wait3A_68 = arith.constant 0 : i32
      %dma_wait3A_69 = tpu.memref_slice %arg2[%add3A_45, %dma_wait3A_68] : memref<32768x512xf32, #tpu.memory_space<hbm>> -> memref<256x128xf32, #tpu.memory_space<hbm>>
      %dma_wait3A_70 = arith.constant 0 : i32
      %dma_wait3A_71 = tpu.memref_slice %arg2[%add3A_45, %dma_wait3A_70] : memref<32768x512xf32, #tpu.memory_space<hbm>> -> memref<256x128xf32, #tpu.memory_space<hbm>>
      tpu.wait_dma2 semaphore(%run_scoped3A : memref<!tpu.dma_semaphore, #tpu.memory_space<semaphore_mem>>) src(%dma_wait3A_71 : memref<256x128xf32, #tpu.memory_space<hbm>>) dst(%arg5 : memref<256x128xf32, #tpu.memory_space<vmem>>)
      tpu.yield
    }) : () -> ()
    %scan3A_54 = arith.constant 0 : i32
    %scan3A_55 = arith.constant 0 : i32
    %scan3A_56 = arith.constant 16 : i32
    %scan3A_57 = arith.addi %scan3A_55, %scan3A_56 : i32
    %scan3A_58 = arith.constant 1 : i32
    scf.for %scan3A_64 = %scan3A_55 to %scan3A_57 step %scan3A_58  : i32 {
      %mul3A_65 = arith.constant 16 : i32
      %mul3A_66 = arith.muli %scan3A_64, %mul3A_65 : i32
      %add3A_67 = vector.broadcast %mul3A_66 : i32 to vector<16xi32>
      %add3A_68 = arith.addi %add3A_67, %iota3A : vector<16xi32>
      %broadcast_in_dim3A = arith.constant 0 : i32
      %broadcast_in_dim3A_69 = vector.broadcast %broadcast_in_dim3A : i32 to vector<16xi32>
      %gather3A = tpu.vector_load_idx %arg5[%add3A_68, %broadcast_in_dim3A_69] : memref<256x128xf32, #tpu.memory_space<vmem>>[vector<16xi32>, vector<16xi32>], vector<16xf32>,
      %gt3A = arith.constant 5.000000e-01 : f32
      %gt3A_70 = vector.broadcast %gt3A : f32 to vector<16xf32>
      %gt3A_71 = arith.cmpf ogt, %gather3A, %gt3A_70 : vector<16xf32>
      %broadcast_in_dim3A_72 = arith.constant 1 : i32
      %broadcast_in_dim3A_73 = vector.broadcast %broadcast_in_dim3A_72 : i32 to vector<16xi32>
      %gather3A_74 = tpu.vector_load_idx %arg5[%add3A_68, %broadcast_in_dim3A_73] : memref<256x128xf32, #tpu.memory_space<vmem>>[vector<16xi32>, vector<16xi32>], vector<16xf32>,
      %gt3A_75 = arith.constant 5.000000e-01 : f32
      %gt3A_76 = vector.broadcast %gt3A_75 : f32 to vector<16xf32>
      %gt3A_77 = arith.cmpf ogt, %gather3A_74, %gt3A_76 : vector<16xf32>
      %not3A = arith.constant dense<true> : vector<16xi1>
      %not3A_78 = arith.xori %gt3A_77, %not3A : vector<16xi1>
      %broadcast_in_dim3A_79 = arith.constant 2 : i32
      %broadcast_in_dim3A_80 = vector.broadcast %broadcast_in_dim3A_79 : i32 to vector<16xi32>
      %gather3A_81 = tpu.vector_load_idx %arg5[%add3A_68, %broadcast_in_dim3A_80] : memref<256x128xf32, #tpu.memory_space<vmem>>[vector<16xi32>, vector<16xi32>], vector<16xf32>,
      %gt3A_82 = arith.constant 5.000000e-01 : f32
      %gt3A_83 = vector.broadcast %gt3A_82 : f32 to vector<16xf32>
      %gt3A_84 = arith.cmpf ogt, %gather3A_81, %gt3A_83 : vector<16xf32>
      %and3A = arith.andi %not3A_78, %gt3A_84 : vector<16xi1>
      %or3A = arith.ori %gt3A_77, %and3A : vector<16xi1>
      %and3A_85 = arith.andi %gt3A_71, %or3A : vector<16xi1>
      %broadcast_in_dim3A_86 = arith.constant 16 : i32
      %broadcast_in_dim3A_87 = vector.broadcast %broadcast_in_dim3A_86 : i32 to vector<16xi32>
      %broadcast_in_dim3A_88 = arith.constant 16 : i32
      %broadcast_in_dim3A_89 = vector.broadcast %broadcast_in_dim3A_88 : i32 to vector<16xi32>
      %gather3A_90 = tpu.vector_load_idx %arg5[%add3A_68, %broadcast_in_dim3A_89] : memref<256x128xf32, #tpu.memory_space<vmem>>[vector<16xi32>, vector<16xi32>], vector<16xf32>,
      %gt3A_91 = arith.constant 5.000000e-01 : f32
      %gt3A_92 = vector.broadcast %gt3A_91 : f32 to vector<16xf32>
      %gt3A_93 = arith.cmpf ogt, %gather3A_90, %gt3A_92 : vector<16xf32>
      %jit3A = arith.constant 0 : i32
      %jit3A_94 = arith.constant 16 : i32
      %broadcast_in_dim3A_95 = vector.broadcast %jit3A : i32 to vector<16xi32>
      %broadcast_in_dim3A_96 = vector.broadcast %jit3A_94 : i32 to vector<16xi32>
      %select_n3A = arith.select %gt3A_93, %broadcast_in_dim3A_95, %broadcast_in_dim3A_96 : vector<16xi1>, vector<16xi32>
      %min3A = arith.minsi %broadcast_in_dim3A_87, %select_n3A : vector<16xi32>
      %broadcast_in_dim3A_97 = arith.constant 17 : i32
      %broadcast_in_dim3A_98 = vector.broadcast %broadcast_in_dim3A_97 : i32 to vector<16xi32>
      %gather3A_99 = tpu.vector_load_idx %arg5[%add3A_68, %broadcast_in_dim3A_98] : memref<256x128xf32, #tpu.memory_space<vmem>>[vector<16xi32>, vector<16xi32>], vector<16xf32>,
      %gt3A_100 = arith.constant 5.000000e-01 : f32
      %gt3A_101 = vector.broadcast %gt3A_100 : f32 to vector<16xf32>
      %gt3A_102 = arith.cmpf ogt, %gather3A_99, %gt3A_101 : vector<16xf32>
      %jit3A_103 = arith.constant 1 : i32
      %jit3A_104 = arith.constant 16 : i32
      %broadcast_in_dim3A_105 = vector.broadcast %jit3A_103 : i32 to vector<16xi32>
      %broadcast_in_dim3A_106 = vector.broadcast %jit3A_104 : i32 to vector<16xi32>
      %select_n3A_107 = arith.select %gt3A_102, %broadcast_in_dim3A_105, %broadcast_in_dim3A_106 : vector<16xi1>, vector<16xi32>
      %min3A_108 = arith.minsi %min3A, %select_n3A_107 : vector<16xi32>
      %broadcast_in_dim3A_109 = arith.constant 18 : i32
      %broadcast_in_dim3A_110 = vector.broadcast %broadcast_in_dim3A_109 : i32 to vector<16xi32>
      %gather3A_111 = tpu.vector_load_idx %arg5[%add3A_68, %broadcast_in_dim3A_110] : memref<256x128xf32, #tpu.memory_space<vmem>>[vector<16xi32>, vector<16xi32>], vector<16xf32>,
      %gt3A_112 = arith.constant 5.000000e-01 : f32
      %gt3A_113 = vector.broadcast %gt3A_112 : f32 to vector<16xf32>
      %gt3A_114 = arith.cmpf ogt, %gather3A_111, %gt3A_113 : vector<16xf32>
      %jit3A_115 = arith.constant 2 : i32
      %jit3A_116 = arith.constant 16 : i32
      %broadcast_in_dim3A_117 = vector.broadcast %jit3A_115 : i32 to vector<16xi32>
      %broadcast_in_dim3A_118 = vector.broadcast %jit3A_116 : i32 to vector<16xi32>
      %select_n3A_119 = arith.select %gt3A_114, %broadcast_in_dim3A_117, %broadcast_in_dim3A_118 : vector<16xi1>, vector<16xi32>
      %min3A_120 = arith.minsi %min3A_108, %select_n3A_119 : vector<16xi32>
      %broadcast_in_dim3A_121 = arith.constant 19 : i32
      %broadcast_in_dim3A_122 = vector.broadcast %broadcast_in_dim3A_121 : i32 to vector<16xi32>
      %gather3A_123 = tpu.vector_load_idx %arg5[%add3A_68, %broadcast_in_dim3A_122] : memref<256x128xf32, #tpu.memory_space<vmem>>[vector<16xi32>, vector<16xi32>], vector<16xf32>,
      %gt3A_124 = arith.constant 5.000000e-01 : f32
      %gt3A_125 = vector.broadcast %gt3A_124 : f32 to vector<16xf32>
      %gt3A_126 = arith.cmpf ogt, %gather3A_123, %gt3A_125 : vector<16xf32>
      %jit3A_127 = arith.constant 3 : i32
      %jit3A_128 = arith.constant 16 : i32
      %broadcast_in_dim3A_129 = vector.broadcast %jit3A_127 : i32 to vector<16xi32>
      %broadcast_in_dim3A_130 = vector.broadcast %jit3A_128 : i32 to vector<16xi32>
      %select_n3A_131 = arith.select %gt3A_126, %broadcast_in_dim3A_129, %broadcast_in_dim3A_130 : vector<16xi1>, vector<16xi32>
      %min3A_132 = arith.minsi %min3A_120, %select_n3A_131 : vector<16xi32>
      %broadcast_in_dim3A_133 = arith.constant 20 : i32
      %broadcast_in_dim3A_134 = vector.broadcast %broadcast_in_dim3A_133 : i32 to vector<16xi32>
      %gather3A_135 = tpu.vector_load_idx %arg5[%add3A_68, %broadcast_in_dim3A_134] : memref<256x128xf32, #tpu.memory_space<vmem>>[vector<16xi32>, vector<16xi32>], vector<16xf32>,
      %gt3A_136 = arith.constant 5.000000e-01 : f32
      %gt3A_137 = vector.broadcast %gt3A_136 : f32 to vector<16xf32>
      %gt3A_138 = arith.cmpf ogt, %gather3A_135, %gt3A_137 : vector<16xf32>
      %jit3A_139 = arith.constant 4 : i32
      %jit3A_140 = arith.constant 16 : i32
      %broadcast_in_dim3A_141 = vector.broadcast %jit3A_139 : i32 to vector<16xi32>
      %broadcast_in_dim3A_142 = vector.broadcast %jit3A_140 : i32 to vector<16xi32>
      %select_n3A_143 = arith.select %gt3A_138, %broadcast_in_dim3A_141, %broadcast_in_dim3A_142 : vector<16xi1>, vector<16xi32>
      %min3A_144 = arith.minsi %min3A_132, %select_n3A_143 : vector<16xi32>
      %broadcast_in_dim3A_145 = arith.constant 21 : i32
      %broadcast_in_dim3A_146 = vector.broadcast %broadcast_in_dim3A_145 : i32 to vector<16xi32>
      %gather3A_147 = tpu.vector_load_idx %arg5[%add3A_68, %broadcast_in_dim3A_146] : memref<256x128xf32, #tpu.memory_space<vmem>>[vector<16xi32>, vector<16xi32>], vector<16xf32>,
      %gt3A_148 = arith.constant 5.000000e-01 : f32
      %gt3A_149 = vector.broadcast %gt3A_148 : f32 to vector<16xf32>
      %gt3A_150 = arith.cmpf ogt, %gather3A_147, %gt3A_149 : vector<16xf32>
      %jit3A_151 = arith.constant 5 : i32
      %jit3A_152 = arith.constant 16 : i32
      %broadcast_in_dim3A_153 = vector.broadcast %jit3A_151 : i32 to vector<16xi32>
      %broadcast_in_dim3A_154 = vector.broadcast %jit3A_152 : i32 to vector<16xi32>
      %select_n3A_155 = arith.select %gt3A_150, %broadcast_in_dim3A_153, %broadcast_in_dim3A_154 : vector<16xi1>, vector<16xi32>
      %min3A_156 = arith.minsi %min3A_144, %select_n3A_155 : vector<16xi32>
      %broadcast_in_dim3A_157 = arith.constant 22 : i32
      %broadcast_in_dim3A_158 = vector.broadcast %broadcast_in_dim3A_157 : i32 to vector<16xi32>
      %gather3A_159 = tpu.vector_load_idx %arg5[%add3A_68, %broadcast_in_dim3A_158] : memref<256x128xf32, #tpu.memory_space<vmem>>[vector<16xi32>, vector<16xi32>], vector<16xf32>,
      %gt3A_160 = arith.constant 5.000000e-01 : f32
      %gt3A_161 = vector.broadcast %gt3A_160 : f32 to vector<16xf32>
      %gt3A_162 = arith.cmpf ogt, %gather3A_159, %gt3A_161 : vector<16xf32>
      %jit3A_163 = arith.constant 6 : i32
      %jit3A_164 = arith.constant 16 : i32
      %broadcast_in_dim3A_165 = vector.broadcast %jit3A_163 : i32 to vector<16xi32>
      %broadcast_in_dim3A_166 = vector.broadcast %jit3A_164 : i32 to vector<16xi32>
      %select_n3A_167 = arith.select %gt3A_162, %broadcast_in_dim3A_165, %broadcast_in_dim3A_166 : vector<16xi1>, vector<16xi32>
      %min3A_168 = arith.minsi %min3A_156, %select_n3A_167 : vector<16xi32>
      %broadcast_in_dim3A_169 = arith.constant 23 : i32
      %broadcast_in_dim3A_170 = vector.broadcast %broadcast_in_dim3A_169 : i32 to vector<16xi32>
      %gather3A_171 = tpu.vector_load_idx %arg5[%add3A_68, %broadcast_in_dim3A_170] : memref<256x128xf32, #tpu.memory_space<vmem>>[vector<16xi32>, vector<16xi32>], vector<16xf32>,
      %gt3A_172 = arith.constant 5.000000e-01 : f32
      %gt3A_173 = vector.broadcast %gt3A_172 : f32 to vector<16xf32>
      %gt3A_174 = arith.cmpf ogt, %gather3A_171, %gt3A_173 : vector<16xf32>
      %jit3A_175 = arith.constant 7 : i32
      %jit3A_176 = arith.constant 16 : i32
      %broadcast_in_dim3A_177 = vector.broadcast %jit3A_175 : i32 to vector<16xi32>
      %broadcast_in_dim3A_178 = vector.broadcast %jit3A_176 : i32 to vector<16xi32>
      %select_n3A_179 = arith.select %gt3A_174, %broadcast_in_dim3A_177, %broadcast_in_dim3A_178 : vector<16xi1>, vector<16xi32>
      %min3A_180 = arith.minsi %min3A_168, %select_n3A_179 : vector<16xi32>
      %broadcast_in_dim3A_181 = arith.constant 24 : i32
      %broadcast_in_dim3A_182 = vector.broadcast %broadcast_in_dim3A_181 : i32 to vector<16xi32>
      %gather3A_183 = tpu.vector_load_idx %arg5[%add3A_68, %broadcast_in_dim3A_182] : memref<256x128xf32, #tpu.memory_space<vmem>>[vector<16xi32>, vector<16xi32>], vector<16xf32>,
      %gt3A_184 = arith.constant 5.000000e-01 : f32
      %gt3A_185 = vector.broadcast %gt3A_184 : f32 to vector<16xf32>
      %gt3A_186 = arith.cmpf ogt, %gather3A_183, %gt3A_185 : vector<16xf32>
      %jit3A_187 = arith.constant 8 : i32
      %jit3A_188 = arith.constant 16 : i32
      %broadcast_in_dim3A_189 = vector.broadcast %jit3A_187 : i32 to vector<16xi32>
      %broadcast_in_dim3A_190 = vector.broadcast %jit3A_188 : i32 to vector<16xi32>
      %select_n3A_191 = arith.select %gt3A_186, %broadcast_in_dim3A_189, %broadcast_in_dim3A_190 : vector<16xi1>, vector<16xi32>
      %min3A_192 = arith.minsi %min3A_180, %select_n3A_191 : vector<16xi32>
      %broadcast_in_dim3A_193 = arith.constant 25 : i32
      %broadcast_in_dim3A_194 = vector.broadcast %broadcast_in_dim3A_193 : i32 to vector<16xi32>
      %gather3A_195 = tpu.vector_load_idx %arg5[%add3A_68, %broadcast_in_dim3A_194] : memref<256x128xf32, #tpu.memory_space<vmem>>[vector<16xi32>, vector<16xi32>], vector<16xf32>,
      %gt3A_196 = arith.constant 5.000000e-01 : f32
      %gt3A_197 = vector.broadcast %gt3A_196 : f32 to vector<16xf32>
      %gt3A_198 = arith.cmpf ogt, %gather3A_195, %gt3A_197 : vector<16xf32>
      %jit3A_199 = arith.constant 9 : i32
      %jit3A_200 = arith.constant 16 : i32
      %broadcast_in_dim3A_201 = vector.broadcast %jit3A_199 : i32 to vector<16xi32>
      %broadcast_in_dim3A_202 = vector.broadcast %jit3A_200 : i32 to vector<16xi32>
      %select_n3A_203 = arith.select %gt3A_198, %broadcast_in_dim3A_201, %broadcast_in_dim3A_202 : vector<16xi1>, vector<16xi32>
      %min3A_204 = arith.minsi %min3A_192, %select_n3A_203 : vector<16xi32>
      %broadcast_in_dim3A_205 = arith.constant 26 : i32
      %broadcast_in_dim3A_206 = vector.broadcast %broadcast_in_dim3A_205 : i32 to vector<16xi32>
      %gather3A_207 = tpu.vector_load_idx %arg5[%add3A_68, %broadcast_in_dim3A_206] : memref<256x128xf32, #tpu.memory_space<vmem>>[vector<16xi32>, vector<16xi32>], vector<16xf32>,
      %gt3A_208 = arith.constant 5.000000e-01 : f32
      %gt3A_209 = vector.broadcast %gt3A_208 : f32 to vector<16xf32>
      %gt3A_210 = arith.cmpf ogt, %gather3A_207, %gt3A_209 : vector<16xf32>
      %jit3A_211 = arith.constant 10 : i32
      %jit3A_212 = arith.constant 16 : i32
      %broadcast_in_dim3A_213 = vector.broadcast %jit3A_211 : i32 to vector<16xi32>
      %broadcast_in_dim3A_214 = vector.broadcast %jit3A_212 : i32 to vector<16xi32>
      %select_n3A_215 = arith.select %gt3A_210, %broadcast_in_dim3A_213, %broadcast_in_dim3A_214 : vector<16xi1>, vector<16xi32>
      %min3A_216 = arith.minsi %min3A_204, %select_n3A_215 : vector<16xi32>
      %broadcast_in_dim3A_217 = arith.constant 27 : i32
      %broadcast_in_dim3A_218 = vector.broadcast %broadcast_in_dim3A_217 : i32 to vector<16xi32>
      %gather3A_219 = tpu.vector_load_idx %arg5[%add3A_68, %broadcast_in_dim3A_218] : memref<256x128xf32, #tpu.memory_space<vmem>>[vector<16xi32>, vector<16xi32>], vector<16xf32>,
      %gt3A_220 = arith.constant 5.000000e-01 : f32
      %gt3A_221 = vector.broadcast %gt3A_220 : f32 to vector<16xf32>
      %gt3A_222 = arith.cmpf ogt, %gather3A_219, %gt3A_221 : vector<16xf32>
      %jit3A_223 = arith.constant 11 : i32
      %jit3A_224 = arith.constant 16 : i32
      %broadcast_in_dim3A_225 = vector.broadcast %jit3A_223 : i32 to vector<16xi32>
      %broadcast_in_dim3A_226 = vector.broadcast %jit3A_224 : i32 to vector<16xi32>
      %select_n3A_227 = arith.select %gt3A_222, %broadcast_in_dim3A_225, %broadcast_in_dim3A_226 : vector<16xi1>, vector<16xi32>
      %min3A_228 = arith.minsi %min3A_216, %select_n3A_227 : vector<16xi32>
      %broadcast_in_dim3A_229 = arith.constant 28 : i32
      %broadcast_in_dim3A_230 = vector.broadcast %broadcast_in_dim3A_229 : i32 to vector<16xi32>
      %gather3A_231 = tpu.vector_load_idx %arg5[%add3A_68, %broadcast_in_dim3A_230] : memref<256x128xf32, #tpu.memory_space<vmem>>[vector<16xi32>, vector<16xi32>], vector<16xf32>,
      %gt3A_232 = arith.constant 5.000000e-01 : f32
      %gt3A_233 = vector.broadcast %gt3A_232 : f32 to vector<16xf32>
      %gt3A_234 = arith.cmpf ogt, %gather3A_231, %gt3A_233 : vector<16xf32>
      %jit3A_235 = arith.constant 12 : i32
      %jit3A_236 = arith.constant 16 : i32
      %broadcast_in_dim3A_237 = vector.broadcast %jit3A_235 : i32 to vector<16xi32>
      %broadcast_in_dim3A_238 = vector.broadcast %jit3A_236 : i32 to vector<16xi32>
      %select_n3A_239 = arith.select %gt3A_234, %broadcast_in_dim3A_237, %broadcast_in_dim3A_238 : vector<16xi1>, vector<16xi32>
      %min3A_240 = arith.minsi %min3A_228, %select_n3A_239 : vector<16xi32>
      %broadcast_in_dim3A_241 = arith.constant 29 : i32
      %broadcast_in_dim3A_242 = vector.broadcast %broadcast_in_dim3A_241 : i32 to vector<16xi32>
      %gather3A_243 = tpu.vector_load_idx %arg5[%add3A_68, %broadcast_in_dim3A_242] : memref<256x128xf32, #tpu.memory_space<vmem>>[vector<16xi32>, vector<16xi32>], vector<16xf32>,
      %gt3A_244 = arith.constant 5.000000e-01 : f32
      %gt3A_245 = vector.broadcast %gt3A_244 : f32 to vector<16xf32>
      %gt3A_246 = arith.cmpf ogt, %gather3A_243, %gt3A_245 : vector<16xf32>
      %jit3A_247 = arith.constant 13 : i32
      %jit3A_248 = arith.constant 16 : i32
      %broadcast_in_dim3A_249 = vector.broadcast %jit3A_247 : i32 to vector<16xi32>
      %broadcast_in_dim3A_250 = vector.broadcast %jit3A_248 : i32 to vector<16xi32>
      %select_n3A_251 = arith.select %gt3A_246, %broadcast_in_dim3A_249, %broadcast_in_dim3A_250 : vector<16xi1>, vector<16xi32>
      %min3A_252 = arith.minsi %min3A_240, %select_n3A_251 : vector<16xi32>
      %broadcast_in_dim3A_253 = arith.constant 30 : i32
      %broadcast_in_dim3A_254 = vector.broadcast %broadcast_in_dim3A_253 : i32 to vector<16xi32>
      %gather3A_255 = tpu.vector_load_idx %arg5[%add3A_68, %broadcast_in_dim3A_254] : memref<256x128xf32, #tpu.memory_space<vmem>>[vector<16xi32>, vector<16xi32>], vector<16xf32>,
      %gt3A_256 = arith.constant 5.000000e-01 : f32
      %gt3A_257 = vector.broadcast %gt3A_256 : f32 to vector<16xf32>
      %gt3A_258 = arith.cmpf ogt, %gather3A_255, %gt3A_257 : vector<16xf32>
      %jit3A_259 = arith.constant 14 : i32
      %jit3A_260 = arith.constant 16 : i32
      %broadcast_in_dim3A_261 = vector.broadcast %jit3A_259 : i32 to vector<16xi32>
      %broadcast_in_dim3A_262 = vector.broadcast %jit3A_260 : i32 to vector<16xi32>
      %select_n3A_263 = arith.select %gt3A_258, %broadcast_in_dim3A_261, %broadcast_in_dim3A_262 : vector<16xi1>, vector<16xi32>
      %min3A_264 = arith.minsi %min3A_252, %select_n3A_263 : vector<16xi32>
      %broadcast_in_dim3A_265 = arith.constant 31 : i32
      %broadcast_in_dim3A_266 = vector.broadcast %broadcast_in_dim3A_265 : i32 to vector<16xi32>
      %gather3A_267 = tpu.vector_load_idx %arg5[%add3A_68, %broadcast_in_dim3A_266] : memref<256x128xf32, #tpu.memory_space<vmem>>[vector<16xi32>, vector<16xi32>], vector<16xf32>,
      %gt3A_268 = arith.constant 5.000000e-01 : f32
      %gt3A_269 = vector.broadcast %gt3A_268 : f32 to vector<16xf32>
      %gt3A_270 = arith.cmpf ogt, %gather3A_267, %gt3A_269 : vector<16xf32>
      %jit3A_271 = arith.constant 15 : i32
      %jit3A_272 = arith.constant 16 : i32
      %broadcast_in_dim3A_273 = vector.broadcast %jit3A_271 : i32 to vector<16xi32>
      %broadcast_in_dim3A_274 = vector.broadcast %jit3A_272 : i32 to vector<16xi32>
      %select_n3A_275 = arith.select %gt3A_270, %broadcast_in_dim3A_273, %broadcast_in_dim3A_274 : vector<16xi1>, vector<16xi32>
      %min3A_276 = arith.minsi %min3A_264, %select_n3A_275 : vector<16xi32>
      %eq3A = arith.constant 16 : i32
      %eq3A_277 = vector.broadcast %eq3A : i32 to vector<16xi32>
      %eq3A_278 = arith.cmpi eq, %min3A_276, %eq3A_277 : vector<16xi32>
      %jit3A_279 = arith.constant 0 : i32
      %broadcast_in_dim3A_280 = vector.broadcast %jit3A_279 : i32 to vector<16xi32>
      %select_n3A_281 = arith.select %eq3A_278, %broadcast_in_dim3A_280, %min3A_276 : vector<16xi1>, vector<16xi32>
      %broadcast_in_dim3A_282 = arith.constant 16 : i32
      %broadcast_in_dim3A_283 = vector.broadcast %broadcast_in_dim3A_282 : i32 to vector<16xi32>
      %broadcast_in_dim3A_284 = arith.constant 32 : i32
      %broadcast_in_dim3A_285 = vector.broadcast %broadcast_in_dim3A_284 : i32 to vector<16xi32>
      %gather3A_286 = tpu.vector_load_idx %arg5[%add3A_68, %broadcast_in_dim3A_285] : memref<256x128xf32, #tpu.memory_space<vmem>>[vector<16xi32>, vector<16xi32>], vector<16xf32>,
      %gt3A_287 = arith.constant 5.000000e-01 : f32
      %gt3A_288 = vector.broadcast %gt3A_287 : f32 to vector<16xf32>
      %gt3A_289 = arith.cmpf ogt, %gather3A_286, %gt3A_288 : vector<16xf32>
      %jit3A_290 = arith.constant 0 : i32
      %jit3A_291 = arith.constant 16 : i32
      %broadcast_in_dim3A_292 = vector.broadcast %jit3A_290 : i32 to vector<16xi32>
      %broadcast_in_dim3A_293 = vector.broadcast %jit3A_291 : i32 to vector<16xi32>
      %select_n3A_294 = arith.select %gt3A_289, %broadcast_in_dim3A_292, %broadcast_in_dim3A_293 : vector<16xi1>, vector<16xi32>
      %min3A_295 = arith.minsi %broadcast_in_dim3A_283, %select_n3A_294 : vector<16xi32>
      %broadcast_in_dim3A_296 = arith.constant 33 : i32
      %broadcast_in_dim3A_297 = vector.broadcast %broadcast_in_dim3A_296 : i32 to vector<16xi32>
      %gather3A_298 = tpu.vector_load_idx %arg5[%add3A_68, %broadcast_in_dim3A_297] : memref<256x128xf32, #tpu.memory_space<vmem>>[vector<16xi32>, vector<16xi32>], vector<16xf32>,
      %gt3A_299 = arith.constant 5.000000e-01 : f32
      %gt3A_300 = vector.broadcast %gt3A_299 : f32 to vector<16xf32>
      %gt3A_301 = arith.cmpf ogt, %gather3A_298, %gt3A_300 : vector<16xf32>
      %jit3A_302 = arith.constant 1 : i32
      %jit3A_303 = arith.constant 16 : i32
      %broadcast_in_dim3A_304 = vector.broadcast %jit3A_302 : i32 to vector<16xi32>
      %broadcast_in_dim3A_305 = vector.broadcast %jit3A_303 : i32 to vector<16xi32>
      %select_n3A_306 = arith.select %gt3A_301, %broadcast_in_dim3A_304, %broadcast_in_dim3A_305 : vector<16xi1>, vector<16xi32>
      %min3A_307 = arith.minsi %min3A_295, %select_n3A_306 : vector<16xi32>
      %broadcast_in_dim3A_308 = arith.constant 34 : i32
      %broadcast_in_dim3A_309 = vector.broadcast %broadcast_in_dim3A_308 : i32 to vector<16xi32>
      %gather3A_310 = tpu.vector_load_idx %arg5[%add3A_68, %broadcast_in_dim3A_309] : memref<256x128xf32, #tpu.memory_space<vmem>>[vector<16xi32>, vector<16xi32>], vector<16xf32>,
      %gt3A_311 = arith.constant 5.000000e-01 : f32
      %gt3A_312 = vector.broadcast %gt3A_311 : f32 to vector<16xf32>
      %gt3A_313 = arith.cmpf ogt, %gather3A_310, %gt3A_312 : vector<16xf32>
      %jit3A_314 = arith.constant 2 : i32
      %jit3A_315 = arith.constant 16 : i32
      %broadcast_in_dim3A_316 = vector.broadcast %jit3A_314 : i32 to vector<16xi32>
      %broadcast_in_dim3A_317 = vector.broadcast %jit3A_315 : i32 to vector<16xi32>
      %select_n3A_318 = arith.select %gt3A_313, %broadcast_in_dim3A_316, %broadcast_in_dim3A_317 : vector<16xi1>, vector<16xi32>
      %min3A_319 = arith.minsi %min3A_307, %select_n3A_318 : vector<16xi32>
      %broadcast_in_dim3A_320 = arith.constant 35 : i32
      %broadcast_in_dim3A_321 = vector.broadcast %broadcast_in_dim3A_320 : i32 to vector<16xi32>
      %gather3A_322 = tpu.vector_load_idx %arg5[%add3A_68, %broadcast_in_dim3A_321] : memref<256x128xf32, #tpu.memory_space<vmem>>[vector<16xi32>, vector<16xi32>], vector<16xf32>,
      %gt3A_323 = arith.constant 5.000000e-01 : f32
      %gt3A_324 = vector.broadcast %gt3A_323 : f32 to vector<16xf32>
      %gt3A_325 = arith.cmpf ogt, %gather3A_322, %gt3A_324 : vector<16xf32>
      %jit3A_326 = arith.constant 3 : i32
      %jit3A_327 = arith.constant 16 : i32
      %broadcast_in_dim3A_328 = vector.broadcast %jit3A_326 : i32 to vector<16xi32>
      %broadcast_in_dim3A_329 = vector.broadcast %jit3A_327 : i32 to vector<16xi32>
      %select_n3A_330 = arith.select %gt3A_325, %broadcast_in_dim3A_328, %broadcast_in_dim3A_329 : vector<16xi1>, vector<16xi32>
      %min3A_331 = arith.minsi %min3A_319, %select_n3A_330 : vector<16xi32>
      %broadcast_in_dim3A_332 = arith.constant 36 : i32
      %broadcast_in_dim3A_333 = vector.broadcast %broadcast_in_dim3A_332 : i32 to vector<16xi32>
      %gather3A_334 = tpu.vector_load_idx %arg5[%add3A_68, %broadcast_in_dim3A_333] : memref<256x128xf32, #tpu.memory_space<vmem>>[vector<16xi32>, vector<16xi32>], vector<16xf32>,
      %gt3A_335 = arith.constant 5.000000e-01 : f32
      %gt3A_336 = vector.broadcast %gt3A_335 : f32 to vector<16xf32>
      %gt3A_337 = arith.cmpf ogt, %gather3A_334, %gt3A_336 : vector<16xf32>
      %jit3A_338 = arith.constant 4 : i32
      %jit3A_339 = arith.constant 16 : i32
      %broadcast_in_dim3A_340 = vector.broadcast %jit3A_338 : i32 to vector<16xi32>
      %broadcast_in_dim3A_341 = vector.broadcast %jit3A_339 : i32 to vector<16xi32>
      %select_n3A_342 = arith.select %gt3A_337, %broadcast_in_dim3A_340, %broadcast_in_dim3A_341 : vector<16xi1>, vector<16xi32>
      %min3A_343 = arith.minsi %min3A_331, %select_n3A_342 : vector<16xi32>
      %broadcast_in_dim3A_344 = arith.constant 37 : i32
      %broadcast_in_dim3A_345 = vector.broadcast %broadcast_in_dim3A_344 : i32 to vector<16xi32>
      %gather3A_346 = tpu.vector_load_idx %arg5[%add3A_68, %broadcast_in_dim3A_345] : memref<256x128xf32, #tpu.memory_space<vmem>>[vector<16xi32>, vector<16xi32>], vector<16xf32>,
      %gt3A_347 = arith.constant 5.000000e-01 : f32
      %gt3A_348 = vector.broadcast %gt3A_347 : f32 to vector<16xf32>
      %gt3A_349 = arith.cmpf ogt, %gather3A_346, %gt3A_348 : vector<16xf32>
      %jit3A_350 = arith.constant 5 : i32
      %jit3A_351 = arith.constant 16 : i32
      %broadcast_in_dim3A_352 = vector.broadcast %jit3A_350 : i32 to vector<16xi32>
      %broadcast_in_dim3A_353 = vector.broadcast %jit3A_351 : i32 to vector<16xi32>
      %select_n3A_354 = arith.select %gt3A_349, %broadcast_in_dim3A_352, %broadcast_in_dim3A_353 : vector<16xi1>, vector<16xi32>
      %min3A_355 = arith.minsi %min3A_343, %select_n3A_354 : vector<16xi32>
      %broadcast_in_dim3A_356 = arith.constant 38 : i32
      %broadcast_in_dim3A_357 = vector.broadcast %broadcast_in_dim3A_356 : i32 to vector<16xi32>
      %gather3A_358 = tpu.vector_load_idx %arg5[%add3A_68, %broadcast_in_dim3A_357] : memref<256x128xf32, #tpu.memory_space<vmem>>[vector<16xi32>, vector<16xi32>], vector<16xf32>,
      %gt3A_359 = arith.constant 5.000000e-01 : f32
      %gt3A_360 = vector.broadcast %gt3A_359 : f32 to vector<16xf32>
      %gt3A_361 = arith.cmpf ogt, %gather3A_358, %gt3A_360 : vector<16xf32>
      %jit3A_362 = arith.constant 6 : i32
      %jit3A_363 = arith.constant 16 : i32
      %broadcast_in_dim3A_364 = vector.broadcast %jit3A_362 : i32 to vector<16xi32>
      %broadcast_in_dim3A_365 = vector.broadcast %jit3A_363 : i32 to vector<16xi32>
      %select_n3A_366 = arith.select %gt3A_361, %broadcast_in_dim3A_364, %broadcast_in_dim3A_365 : vector<16xi1>, vector<16xi32>
      %min3A_367 = arith.minsi %min3A_355, %select_n3A_366 : vector<16xi32>
      %broadcast_in_dim3A_368 = arith.constant 39 : i32
      %broadcast_in_dim3A_369 = vector.broadcast %broadcast_in_dim3A_368 : i32 to vector<16xi32>
      %gather3A_370 = tpu.vector_load_idx %arg5[%add3A_68, %broadcast_in_dim3A_369] : memref<256x128xf32, #tpu.memory_space<vmem>>[vector<16xi32>, vector<16xi32>], vector<16xf32>,
      %gt3A_371 = arith.constant 5.000000e-01 : f32
      %gt3A_372 = vector.broadcast %gt3A_371 : f32 to vector<16xf32>
      %gt3A_373 = arith.cmpf ogt, %gather3A_370, %gt3A_372 : vector<16xf32>
      %jit3A_374 = arith.constant 7 : i32
      %jit3A_375 = arith.constant 16 : i32
      %broadcast_in_dim3A_376 = vector.broadcast %jit3A_374 : i32 to vector<16xi32>
      %broadcast_in_dim3A_377 = vector.broadcast %jit3A_375 : i32 to vector<16xi32>
      %select_n3A_378 = arith.select %gt3A_373, %broadcast_in_dim3A_376, %broadcast_in_dim3A_377 : vector<16xi1>, vector<16xi32>
      %min3A_379 = arith.minsi %min3A_367, %select_n3A_378 : vector<16xi32>
      %broadcast_in_dim3A_380 = arith.constant 40 : i32
      %broadcast_in_dim3A_381 = vector.broadcast %broadcast_in_dim3A_380 : i32 to vector<16xi32>
      %gather3A_382 = tpu.vector_load_idx %arg5[%add3A_68, %broadcast_in_dim3A_381] : memref<256x128xf32, #tpu.memory_space<vmem>>[vector<16xi32>, vector<16xi32>], vector<16xf32>,
      %gt3A_383 = arith.constant 5.000000e-01 : f32
      %gt3A_384 = vector.broadcast %gt3A_383 : f32 to vector<16xf32>
      %gt3A_385 = arith.cmpf ogt, %gather3A_382, %gt3A_384 : vector<16xf32>
      %jit3A_386 = arith.constant 8 : i32
      %jit3A_387 = arith.constant 16 : i32
      %broadcast_in_dim3A_388 = vector.broadcast %jit3A_386 : i32 to vector<16xi32>
      %broadcast_in_dim3A_389 = vector.broadcast %jit3A_387 : i32 to vector<16xi32>
      %select_n3A_390 = arith.select %gt3A_385, %broadcast_in_dim3A_388, %broadcast_in_dim3A_389 : vector<16xi1>, vector<16xi32>
      %min3A_391 = arith.minsi %min3A_379, %select_n3A_390 : vector<16xi32>
      %broadcast_in_dim3A_392 = arith.constant 41 : i32
      %broadcast_in_dim3A_393 = vector.broadcast %broadcast_in_dim3A_392 : i32 to vector<16xi32>
      %gather3A_394 = tpu.vector_load_idx %arg5[%add3A_68, %broadcast_in_dim3A_393] : memref<256x128xf32, #tpu.memory_space<vmem>>[vector<16xi32>, vector<16xi32>], vector<16xf32>,
      %gt3A_395 = arith.constant 5.000000e-01 : f32
      %gt3A_396 = vector.broadcast %gt3A_395 : f32 to vector<16xf32>
      %gt3A_397 = arith.cmpf ogt, %gather3A_394, %gt3A_396 : vector<16xf32>
      %jit3A_398 = arith.constant 9 : i32
      %jit3A_399 = arith.constant 16 : i32
      %broadcast_in_dim3A_400 = vector.broadcast %jit3A_398 : i32 to vector<16xi32>
      %broadcast_in_dim3A_401 = vector.broadcast %jit3A_399 : i32 to vector<16xi32>
      %select_n3A_402 = arith.select %gt3A_397, %broadcast_in_dim3A_400, %broadcast_in_dim3A_401 : vector<16xi1>, vector<16xi32>
      %min3A_403 = arith.minsi %min3A_391, %select_n3A_402 : vector<16xi32>
      %broadcast_in_dim3A_404 = arith.constant 42 : i32
      %broadcast_in_dim3A_405 = vector.broadcast %broadcast_in_dim3A_404 : i32 to vector<16xi32>
      %gather3A_406 = tpu.vector_load_idx %arg5[%add3A_68, %broadcast_in_dim3A_405] : memref<256x128xf32, #tpu.memory_space<vmem>>[vector<16xi32>, vector<16xi32>], vector<16xf32>,
      %gt3A_407 = arith.constant 5.000000e-01 : f32
      %gt3A_408 = vector.broadcast %gt3A_407 : f32 to vector<16xf32>
      %gt3A_409 = arith.cmpf ogt, %gather3A_406, %gt3A_408 : vector<16xf32>
      %jit3A_410 = arith.constant 10 : i32
      %jit3A_411 = arith.constant 16 : i32
      %broadcast_in_dim3A_412 = vector.broadcast %jit3A_410 : i32 to vector<16xi32>
      %broadcast_in_dim3A_413 = vector.broadcast %jit3A_411 : i32 to vector<16xi32>
      %select_n3A_414 = arith.select %gt3A_409, %broadcast_in_dim3A_412, %broadcast_in_dim3A_413 : vector<16xi1>, vector<16xi32>
      %min3A_415 = arith.minsi %min3A_403, %select_n3A_414 : vector<16xi32>
      %broadcast_in_dim3A_416 = arith.constant 43 : i32
      %broadcast_in_dim3A_417 = vector.broadcast %broadcast_in_dim3A_416 : i32 to vector<16xi32>
      %gather3A_418 = tpu.vector_load_idx %arg5[%add3A_68, %broadcast_in_dim3A_417] : memref<256x128xf32, #tpu.memory_space<vmem>>[vector<16xi32>, vector<16xi32>], vector<16xf32>,
      %gt3A_419 = arith.constant 5.000000e-01 : f32
      %gt3A_420 = vector.broadcast %gt3A_419 : f32 to vector<16xf32>
      %gt3A_421 = arith.cmpf ogt, %gather3A_418, %gt3A_420 : vector<16xf32>
      %jit3A_422 = arith.constant 11 : i32
      %jit3A_423 = arith.constant 16 : i32
      %broadcast_in_dim3A_424 = vector.broadcast %jit3A_422 : i32 to vector<16xi32>
      %broadcast_in_dim3A_425 = vector.broadcast %jit3A_423 : i32 to vector<16xi32>
      %select_n3A_426 = arith.select %gt3A_421, %broadcast_in_dim3A_424, %broadcast_in_dim3A_425 : vector<16xi1>, vector<16xi32>
      %min3A_427 = arith.minsi %min3A_415, %select_n3A_426 : vector<16xi32>
      %broadcast_in_dim3A_428 = arith.constant 44 : i32
      %broadcast_in_dim3A_429 = vector.broadcast %broadcast_in_dim3A_428 : i32 to vector<16xi32>
      %gather3A_430 = tpu.vector_load_idx %arg5[%add3A_68, %broadcast_in_dim3A_429] : memref<256x128xf32, #tpu.memory_space<vmem>>[vector<16xi32>, vector<16xi32>], vector<16xf32>,
      %gt3A_431 = arith.constant 5.000000e-01 : f32
      %gt3A_432 = vector.broadcast %gt3A_431 : f32 to vector<16xf32>
      %gt3A_433 = arith.cmpf ogt, %gather3A_430, %gt3A_432 : vector<16xf32>
      %jit3A_434 = arith.constant 12 : i32
      %jit3A_435 = arith.constant 16 : i32
      %broadcast_in_dim3A_436 = vector.broadcast %jit3A_434 : i32 to vector<16xi32>
      %broadcast_in_dim3A_437 = vector.broadcast %jit3A_435 : i32 to vector<16xi32>
      %select_n3A_438 = arith.select %gt3A_433, %broadcast_in_dim3A_436, %broadcast_in_dim3A_437 : vector<16xi1>, vector<16xi32>
      %min3A_439 = arith.minsi %min3A_427, %select_n3A_438 : vector<16xi32>
      %broadcast_in_dim3A_440 = arith.constant 45 : i32
      %broadcast_in_dim3A_441 = vector.broadcast %broadcast_in_dim3A_440 : i32 to vector<16xi32>
      %gather3A_442 = tpu.vector_load_idx %arg5[%add3A_68, %broadcast_in_dim3A_441] : memref<256x128xf32, #tpu.memory_space<vmem>>[vector<16xi32>, vector<16xi32>], vector<16xf32>,
      %gt3A_443 = arith.constant 5.000000e-01 : f32
      %gt3A_444 = vector.broadcast %gt3A_443 : f32 to vector<16xf32>
      %gt3A_445 = arith.cmpf ogt, %gather3A_442, %gt3A_444 : vector<16xf32>
      %jit3A_446 = arith.constant 13 : i32
      %jit3A_447 = arith.constant 16 : i32
      %broadcast_in_dim3A_448 = vector.broadcast %jit3A_446 : i32 to vector<16xi32>
      %broadcast_in_dim3A_449 = vector.broadcast %jit3A_447 : i32 to vector<16xi32>
      %select_n3A_450 = arith.select %gt3A_445, %broadcast_in_dim3A_448, %broadcast_in_dim3A_449 : vector<16xi1>, vector<16xi32>
      %min3A_451 = arith.minsi %min3A_439, %select_n3A_450 : vector<16xi32>
      %broadcast_in_dim3A_452 = arith.constant 46 : i32
      %broadcast_in_dim3A_453 = vector.broadcast %broadcast_in_dim3A_452 : i32 to vector<16xi32>
      %gather3A_454 = tpu.vector_load_idx %arg5[%add3A_68, %broadcast_in_dim3A_453] : memref<256x128xf32, #tpu.memory_space<vmem>>[vector<16xi32>, vector<16xi32>], vector<16xf32>,
      %gt3A_455 = arith.constant 5.000000e-01 : f32
      %gt3A_456 = vector.broadcast %gt3A_455 : f32 to vector<16xf32>
      %gt3A_457 = arith.cmpf ogt, %gather3A_454, %gt3A_456 : vector<16xf32>
      %jit3A_458 = arith.constant 14 : i32
      %jit3A_459 = arith.constant 16 : i32
      %broadcast_in_dim3A_460 = vector.broadcast %jit3A_458 : i32 to vector<16xi32>
      %broadcast_in_dim3A_461 = vector.broadcast %jit3A_459 : i32 to vector<16xi32>
      %select_n3A_462 = arith.select %gt3A_457, %broadcast_in_dim3A_460, %broadcast_in_dim3A_461 : vector<16xi1>, vector<16xi32>
      %min3A_463 = arith.minsi %min3A_451, %select_n3A_462 : vector<16xi32>
      %broadcast_in_dim3A_464 = arith.constant 47 : i32
      %broadcast_in_dim3A_465 = vector.broadcast %broadcast_in_dim3A_464 : i32 to vector<16xi32>
      %gather3A_466 = tpu.vector_load_idx %arg5[%add3A_68, %broadcast_in_dim3A_465] : memref<256x128xf32, #tpu.memory_space<vmem>>[vector<16xi32>, vector<16xi32>], vector<16xf32>,
      %gt3A_467 = arith.constant 5.000000e-01 : f32
      %gt3A_468 = vector.broadcast %gt3A_467 : f32 to vector<16xf32>
      %gt3A_469 = arith.cmpf ogt, %gather3A_466, %gt3A_468 : vector<16xf32>
      %jit3A_470 = arith.constant 15 : i32
      %jit3A_471 = arith.constant 16 : i32
      %broadcast_in_dim3A_472 = vector.broadcast %jit3A_470 : i32 to vector<16xi32>
      %broadcast_in_dim3A_473 = vector.broadcast %jit3A_471 : i32 to vector<16xi32>
      %select_n3A_474 = arith.select %gt3A_469, %broadcast_in_dim3A_472, %broadcast_in_dim3A_473 : vector<16xi1>, vector<16xi32>
      %min3A_475 = arith.minsi %min3A_463, %select_n3A_474 : vector<16xi32>
      %eq3A_476 = arith.constant 16 : i32
      %eq3A_477 = vector.broadcast %eq3A_476 : i32 to vector<16xi32>
      %eq3A_478 = arith.cmpi eq, %min3A_475, %eq3A_477 : vector<16xi32>
      %jit3A_479 = arith.constant 0 : i32
      %broadcast_in_dim3A_480 = vector.broadcast %jit3A_479 : i32 to vector<16xi32>
      %select_n3A_481 = arith.select %eq3A_478, %broadcast_in_dim3A_480, %min3A_475 : vector<16xi1>, vector<16xi32>
      %broadcast_in_dim3A_482 = arith.constant 16 : i32
      %broadcast_in_dim3A_483 = vector.broadcast %broadcast_in_dim3A_482 : i32 to vector<16xi32>
      %broadcast_in_dim3A_484 = arith.constant 48 : i32
      %broadcast_in_dim3A_485 = vector.broadcast %broadcast_in_dim3A_484 : i32 to vector<16xi32>
      %gather3A_486 = tpu.vector_load_idx %arg5[%add3A_68, %broadcast_in_dim3A_485] : memref<256x128xf32, #tpu.memory_space<vmem>>[vector<16xi32>, vector<16xi32>], vector<16xf32>,
      %gt3A_487 = arith.constant 5.000000e-01 : f32
      %gt3A_488 = vector.broadcast %gt3A_487 : f32 to vector<16xf32>
      %gt3A_489 = arith.cmpf ogt, %gather3A_486, %gt3A_488 : vector<16xf32>
      %jit3A_490 = arith.constant 0 : i32
      %jit3A_491 = arith.constant 16 : i32
      %broadcast_in_dim3A_492 = vector.broadcast %jit3A_490 : i32 to vector<16xi32>
      %broadcast_in_dim3A_493 = vector.broadcast %jit3A_491 : i32 to vector<16xi32>
      %select_n3A_494 = arith.select %gt3A_489, %broadcast_in_dim3A_492, %broadcast_in_dim3A_493 : vector<16xi1>, vector<16xi32>
      %min3A_495 = arith.minsi %broadcast_in_dim3A_483, %select_n3A_494 : vector<16xi32>
      %broadcast_in_dim3A_496 = arith.constant 49 : i32
      %broadcast_in_dim3A_497 = vector.broadcast %broadcast_in_dim3A_496 : i32 to vector<16xi32>
      %gather3A_498 = tpu.vector_load_idx %arg5[%add3A_68, %broadcast_in_dim3A_497] : memref<256x128xf32, #tpu.memory_space<vmem>>[vector<16xi32>, vector<16xi32>], vector<16xf32>,
      %gt3A_499 = arith.constant 5.000000e-01 : f32
      %gt3A_500 = vector.broadcast %gt3A_499 : f32 to vector<16xf32>
      %gt3A_501 = arith.cmpf ogt, %gather3A_498, %gt3A_500 : vector<16xf32>
      %jit3A_502 = arith.constant 1 : i32
      %jit3A_503 = arith.constant 16 : i32
      %broadcast_in_dim3A_504 = vector.broadcast %jit3A_502 : i32 to vector<16xi32>
      %broadcast_in_dim3A_505 = vector.broadcast %jit3A_503 : i32 to vector<16xi32>
      %select_n3A_506 = arith.select %gt3A_501, %broadcast_in_dim3A_504, %broadcast_in_dim3A_505 : vector<16xi1>, vector<16xi32>
      %min3A_507 = arith.minsi %min3A_495, %select_n3A_506 : vector<16xi32>
      %broadcast_in_dim3A_508 = arith.constant 50 : i32
      %broadcast_in_dim3A_509 = vector.broadcast %broadcast_in_dim3A_508 : i32 to vector<16xi32>
      %gather3A_510 = tpu.vector_load_idx %arg5[%add3A_68, %broadcast_in_dim3A_509] : memref<256x128xf32, #tpu.memory_space<vmem>>[vector<16xi32>, vector<16xi32>], vector<16xf32>,
      %gt3A_511 = arith.constant 5.000000e-01 : f32
      %gt3A_512 = vector.broadcast %gt3A_511 : f32 to vector<16xf32>
      %gt3A_513 = arith.cmpf ogt, %gather3A_510, %gt3A_512 : vector<16xf32>
      %jit3A_514 = arith.constant 2 : i32
      %jit3A_515 = arith.constant 16 : i32
      %broadcast_in_dim3A_516 = vector.broadcast %jit3A_514 : i32 to vector<16xi32>
      %broadcast_in_dim3A_517 = vector.broadcast %jit3A_515 : i32 to vector<16xi32>
      %select_n3A_518 = arith.select %gt3A_513, %broadcast_in_dim3A_516, %broadcast_in_dim3A_517 : vector<16xi1>, vector<16xi32>
      %min3A_519 = arith.minsi %min3A_507, %select_n3A_518 : vector<16xi32>
      %broadcast_in_dim3A_520 = arith.constant 51 : i32
      %broadcast_in_dim3A_521 = vector.broadcast %broadcast_in_dim3A_520 : i32 to vector<16xi32>
      %gather3A_522 = tpu.vector_load_idx %arg5[%add3A_68, %broadcast_in_dim3A_521] : memref<256x128xf32, #tpu.memory_space<vmem>>[vector<16xi32>, vector<16xi32>], vector<16xf32>,
      %gt3A_523 = arith.constant 5.000000e-01 : f32
      %gt3A_524 = vector.broadcast %gt3A_523 : f32 to vector<16xf32>
      %gt3A_525 = arith.cmpf ogt, %gather3A_522, %gt3A_524 : vector<16xf32>
      %jit3A_526 = arith.constant 3 : i32
      %jit3A_527 = arith.constant 16 : i32
      %broadcast_in_dim3A_528 = vector.broadcast %jit3A_526 : i32 to vector<16xi32>
      %broadcast_in_dim3A_529 = vector.broadcast %jit3A_527 : i32 to vector<16xi32>
      %select_n3A_530 = arith.select %gt3A_525, %broadcast_in_dim3A_528, %broadcast_in_dim3A_529 : vector<16xi1>, vector<16xi32>
      %min3A_531 = arith.minsi %min3A_519, %select_n3A_530 : vector<16xi32>
      %broadcast_in_dim3A_532 = arith.constant 52 : i32
      %broadcast_in_dim3A_533 = vector.broadcast %broadcast_in_dim3A_532 : i32 to vector<16xi32>
      %gather3A_534 = tpu.vector_load_idx %arg5[%add3A_68, %broadcast_in_dim3A_533] : memref<256x128xf32, #tpu.memory_space<vmem>>[vector<16xi32>, vector<16xi32>], vector<16xf32>,
      %gt3A_535 = arith.constant 5.000000e-01 : f32
      %gt3A_536 = vector.broadcast %gt3A_535 : f32 to vector<16xf32>
      %gt3A_537 = arith.cmpf ogt, %gather3A_534, %gt3A_536 : vector<16xf32>
      %jit3A_538 = arith.constant 4 : i32
      %jit3A_539 = arith.constant 16 : i32
      %broadcast_in_dim3A_540 = vector.broadcast %jit3A_538 : i32 to vector<16xi32>
      %broadcast_in_dim3A_541 = vector.broadcast %jit3A_539 : i32 to vector<16xi32>
      %select_n3A_542 = arith.select %gt3A_537, %broadcast_in_dim3A_540, %broadcast_in_dim3A_541 : vector<16xi1>, vector<16xi32>
      %min3A_543 = arith.minsi %min3A_531, %select_n3A_542 : vector<16xi32>
      %broadcast_in_dim3A_544 = arith.constant 53 : i32
      %broadcast_in_dim3A_545 = vector.broadcast %broadcast_in_dim3A_544 : i32 to vector<16xi32>
      %gather3A_546 = tpu.vector_load_idx %arg5[%add3A_68, %broadcast_in_dim3A_545] : memref<256x128xf32, #tpu.memory_space<vmem>>[vector<16xi32>, vector<16xi32>], vector<16xf32>,
      %gt3A_547 = arith.constant 5.000000e-01 : f32
      %gt3A_548 = vector.broadcast %gt3A_547 : f32 to vector<16xf32>
      %gt3A_549 = arith.cmpf ogt, %gather3A_546, %gt3A_548 : vector<16xf32>
      %jit3A_550 = arith.constant 5 : i32
      %jit3A_551 = arith.constant 16 : i32
      %broadcast_in_dim3A_552 = vector.broadcast %jit3A_550 : i32 to vector<16xi32>
      %broadcast_in_dim3A_553 = vector.broadcast %jit3A_551 : i32 to vector<16xi32>
      %select_n3A_554 = arith.select %gt3A_549, %broadcast_in_dim3A_552, %broadcast_in_dim3A_553 : vector<16xi1>, vector<16xi32>
      %min3A_555 = arith.minsi %min3A_543, %select_n3A_554 : vector<16xi32>
      %broadcast_in_dim3A_556 = arith.constant 54 : i32
      %broadcast_in_dim3A_557 = vector.broadcast %broadcast_in_dim3A_556 : i32 to vector<16xi32>
      %gather3A_558 = tpu.vector_load_idx %arg5[%add3A_68, %broadcast_in_dim3A_557] : memref<256x128xf32, #tpu.memory_space<vmem>>[vector<16xi32>, vector<16xi32>], vector<16xf32>,
      %gt3A_559 = arith.constant 5.000000e-01 : f32
      %gt3A_560 = vector.broadcast %gt3A_559 : f32 to vector<16xf32>
      %gt3A_561 = arith.cmpf ogt, %gather3A_558, %gt3A_560 : vector<16xf32>
      %jit3A_562 = arith.constant 6 : i32
      %jit3A_563 = arith.constant 16 : i32
      %broadcast_in_dim3A_564 = vector.broadcast %jit3A_562 : i32 to vector<16xi32>
      %broadcast_in_dim3A_565 = vector.broadcast %jit3A_563 : i32 to vector<16xi32>
      %select_n3A_566 = arith.select %gt3A_561, %broadcast_in_dim3A_564, %broadcast_in_dim3A_565 : vector<16xi1>, vector<16xi32>
      %min3A_567 = arith.minsi %min3A_555, %select_n3A_566 : vector<16xi32>
      %broadcast_in_dim3A_568 = arith.constant 55 : i32
      %broadcast_in_dim3A_569 = vector.broadcast %broadcast_in_dim3A_568 : i32 to vector<16xi32>
      %gather3A_570 = tpu.vector_load_idx %arg5[%add3A_68, %broadcast_in_dim3A_569] : memref<256x128xf32, #tpu.memory_space<vmem>>[vector<16xi32>, vector<16xi32>], vector<16xf32>,
      %gt3A_571 = arith.constant 5.000000e-01 : f32
      %gt3A_572 = vector.broadcast %gt3A_571 : f32 to vector<16xf32>
      %gt3A_573 = arith.cmpf ogt, %gather3A_570, %gt3A_572 : vector<16xf32>
      %jit3A_574 = arith.constant 7 : i32
      %jit3A_575 = arith.constant 16 : i32
      %broadcast_in_dim3A_576 = vector.broadcast %jit3A_574 : i32 to vector<16xi32>
      %broadcast_in_dim3A_577 = vector.broadcast %jit3A_575 : i32 to vector<16xi32>
      %select_n3A_578 = arith.select %gt3A_573, %broadcast_in_dim3A_576, %broadcast_in_dim3A_577 : vector<16xi1>, vector<16xi32>
      %min3A_579 = arith.minsi %min3A_567, %select_n3A_578 : vector<16xi32>
      %broadcast_in_dim3A_580 = arith.constant 56 : i32
      %broadcast_in_dim3A_581 = vector.broadcast %broadcast_in_dim3A_580 : i32 to vector<16xi32>
      %gather3A_582 = tpu.vector_load_idx %arg5[%add3A_68, %broadcast_in_dim3A_581] : memref<256x128xf32, #tpu.memory_space<vmem>>[vector<16xi32>, vector<16xi32>], vector<16xf32>,
      %gt3A_583 = arith.constant 5.000000e-01 : f32
      %gt3A_584 = vector.broadcast %gt3A_583 : f32 to vector<16xf32>
      %gt3A_585 = arith.cmpf ogt, %gather3A_582, %gt3A_584 : vector<16xf32>
      %jit3A_586 = arith.constant 8 : i32
      %jit3A_587 = arith.constant 16 : i32
      %broadcast_in_dim3A_588 = vector.broadcast %jit3A_586 : i32 to vector<16xi32>
      %broadcast_in_dim3A_589 = vector.broadcast %jit3A_587 : i32 to vector<16xi32>
      %select_n3A_590 = arith.select %gt3A_585, %broadcast_in_dim3A_588, %broadcast_in_dim3A_589 : vector<16xi1>, vector<16xi32>
      %min3A_591 = arith.minsi %min3A_579, %select_n3A_590 : vector<16xi32>
      %broadcast_in_dim3A_592 = arith.constant 57 : i32
      %broadcast_in_dim3A_593 = vector.broadcast %broadcast_in_dim3A_592 : i32 to vector<16xi32>
      %gather3A_594 = tpu.vector_load_idx %arg5[%add3A_68, %broadcast_in_dim3A_593] : memref<256x128xf32, #tpu.memory_space<vmem>>[vector<16xi32>, vector<16xi32>], vector<16xf32>,
      %gt3A_595 = arith.constant 5.000000e-01 : f32
      %gt3A_596 = vector.broadcast %gt3A_595 : f32 to vector<16xf32>
      %gt3A_597 = arith.cmpf ogt, %gather3A_594, %gt3A_596 : vector<16xf32>
      %jit3A_598 = arith.constant 9 : i32
      %jit3A_599 = arith.constant 16 : i32
      %broadcast_in_dim3A_600 = vector.broadcast %jit3A_598 : i32 to vector<16xi32>
      %broadcast_in_dim3A_601 = vector.broadcast %jit3A_599 : i32 to vector<16xi32>
      %select_n3A_602 = arith.select %gt3A_597, %broadcast_in_dim3A_600, %broadcast_in_dim3A_601 : vector<16xi1>, vector<16xi32>
      %min3A_603 = arith.minsi %min3A_591, %select_n3A_602 : vector<16xi32>
      %broadcast_in_dim3A_604 = arith.constant 58 : i32
      %broadcast_in_dim3A_605 = vector.broadcast %broadcast_in_dim3A_604 : i32 to vector<16xi32>
      %gather3A_606 = tpu.vector_load_idx %arg5[%add3A_68, %broadcast_in_dim3A_605] : memref<256x128xf32, #tpu.memory_space<vmem>>[vector<16xi32>, vector<16xi32>], vector<16xf32>,
      %gt3A_607 = arith.constant 5.000000e-01 : f32
      %gt3A_608 = vector.broadcast %gt3A_607 : f32 to vector<16xf32>
      %gt3A_609 = arith.cmpf ogt, %gather3A_606, %gt3A_608 : vector<16xf32>
      %jit3A_610 = arith.constant 10 : i32
      %jit3A_611 = arith.constant 16 : i32
      %broadcast_in_dim3A_612 = vector.broadcast %jit3A_610 : i32 to vector<16xi32>
      %broadcast_in_dim3A_613 = vector.broadcast %jit3A_611 : i32 to vector<16xi32>
      %select_n3A_614 = arith.select %gt3A_609, %broadcast_in_dim3A_612, %broadcast_in_dim3A_613 : vector<16xi1>, vector<16xi32>
      %min3A_615 = arith.minsi %min3A_603, %select_n3A_614 : vector<16xi32>
      %broadcast_in_dim3A_616 = arith.constant 59 : i32
      %broadcast_in_dim3A_617 = vector.broadcast %broadcast_in_dim3A_616 : i32 to vector<16xi32>
      %gather3A_618 = tpu.vector_load_idx %arg5[%add3A_68, %broadcast_in_dim3A_617] : memref<256x128xf32, #tpu.memory_space<vmem>>[vector<16xi32>, vector<16xi32>], vector<16xf32>,
      %gt3A_619 = arith.constant 5.000000e-01 : f32
      %gt3A_620 = vector.broadcast %gt3A_619 : f32 to vector<16xf32>
      %gt3A_621 = arith.cmpf ogt, %gather3A_618, %gt3A_620 : vector<16xf32>
      %jit3A_622 = arith.constant 11 : i32
      %jit3A_623 = arith.constant 16 : i32
      %broadcast_in_dim3A_624 = vector.broadcast %jit3A_622 : i32 to vector<16xi32>
      %broadcast_in_dim3A_625 = vector.broadcast %jit3A_623 : i32 to vector<16xi32>
      %select_n3A_626 = arith.select %gt3A_621, %broadcast_in_dim3A_624, %broadcast_in_dim3A_625 : vector<16xi1>, vector<16xi32>
      %min3A_627 = arith.minsi %min3A_615, %select_n3A_626 : vector<16xi32>
      %broadcast_in_dim3A_628 = arith.constant 60 : i32
      %broadcast_in_dim3A_629 = vector.broadcast %broadcast_in_dim3A_628 : i32 to vector<16xi32>
      %gather3A_630 = tpu.vector_load_idx %arg5[%add3A_68, %broadcast_in_dim3A_629] : memref<256x128xf32, #tpu.memory_space<vmem>>[vector<16xi32>, vector<16xi32>], vector<16xf32>,
      %gt3A_631 = arith.constant 5.000000e-01 : f32
      %gt3A_632 = vector.broadcast %gt3A_631 : f32 to vector<16xf32>
      %gt3A_633 = arith.cmpf ogt, %gather3A_630, %gt3A_632 : vector<16xf32>
      %jit3A_634 = arith.constant 12 : i32
      %jit3A_635 = arith.constant 16 : i32
      %broadcast_in_dim3A_636 = vector.broadcast %jit3A_634 : i32 to vector<16xi32>
      %broadcast_in_dim3A_637 = vector.broadcast %jit3A_635 : i32 to vector<16xi32>
      %select_n3A_638 = arith.select %gt3A_633, %broadcast_in_dim3A_636, %broadcast_in_dim3A_637 : vector<16xi1>, vector<16xi32>
      %min3A_639 = arith.minsi %min3A_627, %select_n3A_638 : vector<16xi32>
      %broadcast_in_dim3A_640 = arith.constant 61 : i32
      %broadcast_in_dim3A_641 = vector.broadcast %broadcast_in_dim3A_640 : i32 to vector<16xi32>
      %gather3A_642 = tpu.vector_load_idx %arg5[%add3A_68, %broadcast_in_dim3A_641] : memref<256x128xf32, #tpu.memory_space<vmem>>[vector<16xi32>, vector<16xi32>], vector<16xf32>,
      %gt3A_643 = arith.constant 5.000000e-01 : f32
      %gt3A_644 = vector.broadcast %gt3A_643 : f32 to vector<16xf32>
      %gt3A_645 = arith.cmpf ogt, %gather3A_642, %gt3A_644 : vector<16xf32>
      %jit3A_646 = arith.constant 13 : i32
      %jit3A_647 = arith.constant 16 : i32
      %broadcast_in_dim3A_648 = vector.broadcast %jit3A_646 : i32 to vector<16xi32>
      %broadcast_in_dim3A_649 = vector.broadcast %jit3A_647 : i32 to vector<16xi32>
      %select_n3A_650 = arith.select %gt3A_645, %broadcast_in_dim3A_648, %broadcast_in_dim3A_649 : vector<16xi1>, vector<16xi32>
      %min3A_651 = arith.minsi %min3A_639, %select_n3A_650 : vector<16xi32>
      %broadcast_in_dim3A_652 = arith.constant 62 : i32
      %broadcast_in_dim3A_653 = vector.broadcast %broadcast_in_dim3A_652 : i32 to vector<16xi32>
      %gather3A_654 = tpu.vector_load_idx %arg5[%add3A_68, %broadcast_in_dim3A_653] : memref<256x128xf32, #tpu.memory_space<vmem>>[vector<16xi32>, vector<16xi32>], vector<16xf32>,
      %gt3A_655 = arith.constant 5.000000e-01 : f32
      %gt3A_656 = vector.broadcast %gt3A_655 : f32 to vector<16xf32>
      %gt3A_657 = arith.cmpf ogt, %gather3A_654, %gt3A_656 : vector<16xf32>
      %jit3A_658 = arith.constant 14 : i32
      %jit3A_659 = arith.constant 16 : i32
      %broadcast_in_dim3A_660 = vector.broadcast %jit3A_658 : i32 to vector<16xi32>
      %broadcast_in_dim3A_661 = vector.broadcast %jit3A_659 : i32 to vector<16xi32>
      %select_n3A_662 = arith.select %gt3A_657, %broadcast_in_dim3A_660, %broadcast_in_dim3A_661 : vector<16xi1>, vector<16xi32>
      %min3A_663 = arith.minsi %min3A_651, %select_n3A_662 : vector<16xi32>
      %broadcast_in_dim3A_664 = arith.constant 63 : i32
      %broadcast_in_dim3A_665 = vector.broadcast %broadcast_in_dim3A_664 : i32 to vector<16xi32>
      %gather3A_666 = tpu.vector_load_idx %arg5[%add3A_68, %broadcast_in_dim3A_665] : memref<256x128xf32, #tpu.memory_space<vmem>>[vector<16xi32>, vector<16xi32>], vector<16xf32>,
      %gt3A_667 = arith.constant 5.000000e-01 : f32
      %gt3A_668 = vector.broadcast %gt3A_667 : f32 to vector<16xf32>
      %gt3A_669 = arith.cmpf ogt, %gather3A_666, %gt3A_668 : vector<16xf32>
      %jit3A_670 = arith.constant 15 : i32
      %jit3A_671 = arith.constant 16 : i32
      %broadcast_in_dim3A_672 = vector.broadcast %jit3A_670 : i32 to vector<16xi32>
      %broadcast_in_dim3A_673 = vector.broadcast %jit3A_671 : i32 to vector<16xi32>
      %select_n3A_674 = arith.select %gt3A_669, %broadcast_in_dim3A_672, %broadcast_in_dim3A_673 : vector<16xi1>, vector<16xi32>
      %min3A_675 = arith.minsi %min3A_663, %select_n3A_674 : vector<16xi32>
      %eq3A_676 = arith.constant 16 : i32
      %eq3A_677 = vector.broadcast %eq3A_676 : i32 to vector<16xi32>
      %eq3A_678 = arith.cmpi eq, %min3A_675, %eq3A_677 : vector<16xi32>
      %jit3A_679 = arith.constant 0 : i32
      %broadcast_in_dim3A_680 = vector.broadcast %jit3A_679 : i32 to vector<16xi32>
      %select_n3A_681 = arith.select %eq3A_678, %broadcast_in_dim3A_680, %min3A_675 : vector<16xi1>, vector<16xi32>
      %mul3A_682 = arith.constant 16 : i32
      %mul3A_683 = vector.broadcast %mul3A_682 : i32 to vector<16xi32>
      %mul3A_684 = arith.muli %mul3A_683, %select_n3A_481 : vector<16xi32>
      %add3A_685 = arith.addi %select_n3A_281, %mul3A_684 : vector<16xi32>
      %shift_left3A = arith.shli %add3A_685, %select_n3A_681 : vector<16xi32>
      %and3A_686 = arith.constant 255 : i32
      %and3A_687 = vector.broadcast %and3A_686 : i32 to vector<16xi32>
      %and3A_688 = arith.andi %shift_left3A, %and3A_687 : vector<16xi32>
      %shift_right_arithmetic3A = arith.shrsi %add3A_685, %select_n3A_681 : vector<16xi32>
      %select_n3A_689 = arith.select %gt3A_77, %and3A_688, %shift_right_arithmetic3A : vector<16xi1>, vector<16xi32>
      %and3A_690 = arith.constant 15 : i32
      %and3A_691 = vector.broadcast %and3A_690 : i32 to vector<16xi32>
      %and3A_692 = arith.andi %select_n3A_689, %and3A_691 : vector<16xi32>
      %add3A_693 = arith.constant 96 : i32
      %add3A_694 = vector.broadcast %add3A_693 : i32 to vector<16xi32>
      %add3A_695 = arith.addi %add3A_694, %and3A_692 : vector<16xi32>
      %shift_right_arithmetic3A_696 = arith.constant 4 : i32
      %shift_right_arithmetic3A_697 = vector.broadcast %shift_right_arithmetic3A_696 : i32 to vector<16xi32>
      %shift_right_arithmetic3A_698 = arith.shrsi %select_n3A_689, %shift_right_arithmetic3A_697 : vector<16xi32>
      %add3A_699 = arith.constant 112 : i32
      %add3A_700 = vector.broadcast %add3A_699 : i32 to vector<16xi32>
      %add3A_701 = arith.addi %add3A_700, %shift_right_arithmetic3A_698 : vector<16xi32>
      %broadcast_in_dim3A_702 = arith.constant 2.000000e+00 : f32
      %broadcast_in_dim3A_703 = vector.broadcast %broadcast_in_dim3A_702 : f32 to vector<16xf32>
      tpu.vector_store_idx %arg5[%add3A_68, %add3A_695], %broadcast_in_dim3A_703 masked %and3A_85 {add = true} : memref<256x128xf32, #tpu.memory_space<vmem>>[vector<16xi32>, vector<16xi32>], vector<16xf32>, vector<16xi1>
      tpu.vector_store_idx %arg5[%add3A_68, %add3A_701], %broadcast_in_dim3A_703 masked %and3A_85 {add = true} : memref<256x128xf32, #tpu.memory_space<vmem>>[vector<16xi32>, vector<16xi32>], vector<16xf32>, vector<16xi1>
    }
    %scan3A_59 = arith.constant 16 : i32
    "tpu.region"() ({
      %run_scoped3A = tpu.sem_alloc : memref<!tpu.dma_semaphore, #tpu.memory_space<semaphore_mem>>
      %dma_start3A_64 = arith.constant 0 : i32
      %dma_start3A_65 = tpu.memref_slice %arg3[%add3A_45, %dma_start3A_64] : memref<32768x512xf32, #tpu.memory_space<hbm>> -> memref<256x128xf32, #tpu.memory_space<hbm>>
      %dma_start3A_66 = arith.constant 0 : i32
      %dma_start3A_67 = tpu.memref_slice %arg3[%add3A_45, %dma_start3A_66] : memref<32768x512xf32, #tpu.memory_space<hbm>> -> memref<256x128xf32, #tpu.memory_space<hbm>>
      tpu.enqueue_dma source(%arg5 : memref<256x128xf32, #tpu.memory_space<vmem>>) target(%dma_start3A_67 : memref<256x128xf32, #tpu.memory_space<hbm>>) target_semaphore(%run_scoped3A : memref<!tpu.dma_semaphore, #tpu.memory_space<semaphore_mem>>)
      %dma_wait3A_68 = arith.constant 0 : i32
      %dma_wait3A_69 = tpu.memref_slice %arg3[%add3A_45, %dma_wait3A_68] : memref<32768x512xf32, #tpu.memory_space<hbm>> -> memref<256x128xf32, #tpu.memory_space<hbm>>
      %dma_wait3A_70 = arith.constant 0 : i32
      %dma_wait3A_71 = tpu.memref_slice %arg3[%add3A_45, %dma_wait3A_70] : memref<32768x512xf32, #tpu.memory_space<hbm>> -> memref<256x128xf32, #tpu.memory_space<hbm>>
      tpu.wait_dma2 semaphore(%run_scoped3A : memref<!tpu.dma_semaphore, #tpu.memory_space<semaphore_mem>>) src(%arg5 : memref<256x128xf32, #tpu.memory_space<vmem>>) dst(%dma_wait3A_71 : memref<256x128xf32, #tpu.memory_space<hbm>>)
      tpu.yield
    }) : () -> ()
    %dma_wait3A_60 = arith.constant 128 : i32
    %dma_wait3A_61 = tpu.memref_slice %arg3[%add3A_45, %dma_wait3A_60] : memref<32768x512xf32, #tpu.memory_space<hbm>> -> memref<256x384xf32, #tpu.memory_space<hbm>>
    %dma_wait3A_62 = arith.constant 128 : i32
    %dma_wait3A_63 = tpu.memref_slice %arg2[%add3A_45, %dma_wait3A_62] : memref<32768x512xf32, #tpu.memory_space<hbm>> -> memref<256x384xf32, #tpu.memory_space<hbm>>
    tpu.wait_dma2 semaphore(%arg6 : memref<!tpu.dma_semaphore, #tpu.memory_space<semaphore_mem>>) src(%dma_wait3A_63 : memref<256x384xf32, #tpu.memory_space<hbm>>) dst(%dma_wait3A_61 : memref<256x384xf32, #tpu.memory_space<hbm>>)
    return
  }
}

</mosaic_0001>

<sc_bundles>
// kernel: kernel.3.cloned.1.call-start
scs
__scs_entry_jumppad:
0x0: {  	(pc) =	sbr.rel $0x88, $3  }
0x1: {  	(tag) =	ssettag $0x0;
	lr =	simm.s32 $0x1  }
0x2: {  	[smem:$0x3FA0] =	sst lr;
	_ =	strace $0xD0000000  }
0x3: {  	_ = 	snop  }
0x4: {  	_ = 	snop  }
0x5: {  	_ = 	snop  }
0x6: {  	_ = 	snop  }
0x7: {  	_ = 	snop  }
__scs_overlays_trampoline_lowered:
0x8: {  	[smem:$0x3FAF] =	sst s0  }
0x9: {  	[smem:$0x3FB0] =	sst s1  }
0xa: {  	[smem:$0x3FB1] =	sst s2  }
0xb: {  	[smem:$0x3FB2] =	sst s3  }
0xc: {  	[smem:$0x3FB3] =	sst s4  }
0xd: {  	[smem:$0x3FB4] =	sst s5  }
0xe: {  	[smem:$0x3FB5] =	sst s6  }
0xf: {  	[smem:$0x3FB6] =	sst s7  }
0x10: {  	[smem:$0x3FB7] =	sst s8  }
0x11: {  	[smem:$0x3FB8] =	sst s9;
	s0 =	simm.s32 @!p0 $0x0  }
0x12: {  	s1 =	sld [smem:$0x3F9E];
	s0 =	simm.s32 @p0 $0x1  }
0x13: {  	[smem:$0x3FB9] =	sst s0;
	s0 =	simm.s32 @!p1 $0x0  }
0x14: {  	s2 =	sld [smem:$0x3F9D];
	s0 =	simm.s32 @p1 $0x1  }
0x15: {  	[smem:$0x3FBA] =	sst s0;
	s0 =	simm.s32 @!p2 $0x0  }
0x16: {  	s3 =	sld [smem:$0x3FDB];
	s0 =	simm.s32 @p2 $0x1  }
0x17: {  	s4 =	simm.s32 $0x1BF5;
	[smem:$0x3FBC] =	sst s0  }
0x18: {  	s0 =	sld [smem:$0x3F9F];
	_ =	swait.ge [sflag:s4], $0x0  }
0x19: {  	s7 =	sld [smem:$0x3FA0]  }
0x1a: {  	s8 =	sadd.s32 $0xFFFFE003, lr  }
0x1b: {  	s9 =	sadd.s32 $0xFFFFFEF7, lr;
	s5 =	simm.s32 $0xFFFFFFFF;
	p2 =	slt.u32 s8, $0xFFFFF086  }
0x1c: {  	p1 =	slt.u32 s9, $0xF7A;
	s5 =	simm.s32 @!p2 $0x0  }
0x1d: {  	s5 =	simm.s32 @p1 $0x1;
	p0 =	seq.s32 s7, s2  }
0x1e: {  	s7 =	smul.u32 @!p0 $0xF7A, s2;
	p2 =	seq.s32 @!p0 s5, $0x0  }
0x1f: {  	s9 =	smul.u32 $0xF7A, s1;
	s8 =	simm.s32 @!p0 $0x1BF5;
	p2 =	por !p2, p0  }
0x20: {  	[sflag:s8] =	ssyncset.s32 @!p0 $0xFFFFF086;
	s6 =	sadd.s32 @!p0 s3, s7;
	s7 =	simm.s32 @!p0 $0x108  }
0x21: {  	s3 =	sadd.s32 s3, s9;
	s6 =	sadd.s32 @!p0 $0x88, s6;
	s7 =	simm.s32 @p2 $0x1082  }
0x22: {  	[simem:s7], [sflag:s8] =	dma.local @!p0 [hbm:s6], $0xF7A  }
0x23: {  	s9 =	sor.u32 $0xD0000000, s2;
	s6 =	simm.s32 $0x108;
	_ =	swait.ge @!p0 [sflag:s8], $0x0  }
0x24: {  	s3 =	sadd.s32 $0x88, s3;
	s6 =	simm.s32 @!p1 $0x1082;
	[sflag:s4] =	ssyncset.s32 $0xFFFFF086  }
0x25: {  	[simem:s6], [sflag:s4] =	dma.local [hbm:s3], $0xF7A  }
0x26: {  	[smem:$0x3FA0] =	sst s1;
	(tag) =	ssettag s2;
	_ =	strace s9  }
0x27: {  	s1 =	sld [smem:$0x3FB0]  }
0x28: {  	s2 =	sld [smem:$0x3FB1]  }
0x29: {  	s4 =	sld [smem:$0x3FB3]  }
0x2a: {  	p0 =	seq.s32 s5, $0x0;
	s5 =	sld [smem:$0x3FB4]  }
0x2b: {  	s6 =	sld [smem:$0x3FB5]  }
0x2c: {  	s7 =	sld [smem:$0x3FB6]  }
0x2d: {  	s3 =	simm.s32 $0x108;
	s8 =	sld [smem:$0x3FB7]  }
0x2e: {  	s3 =	simm.s32 @!p0 $0x1082;
	s9 =	sld [smem:$0x3FB8]  }
0x2f: {  	lr =	sadd.s32 s0, s3;
	s0 =	sld [smem:$0x3FAF]  }
0x30: {  	s3 =	sld [smem:$0x3FB2]  }
0x31: {  	[smem:$0x3FBB] =	sst s10  }
0x32: {  	s10 =	sld [smem:$0x3FB9];
	_ =	sdelay $0x3  }
0x33: {  	p0 =	seq.s32 s10, $0x1;
	s10 =	sld [smem:$0x3FBB];
	_ =	sdelay $0x3  }
0x34: {  	[smem:$0x3FBB] =	sst s10  }
0x35: {  	s10 =	sld [smem:$0x3FBA];
	_ =	sdelay $0x3  }
0x36: {  	p1 =	seq.s32 s10, $0x1;
	s10 =	sld [smem:$0x3FBB];
	_ =	sdelay $0x3  }
0x37: {  	[smem:$0x3FBB] =	sst s10  }
0x38: {  	s10 =	sld [smem:$0x3FBC]  }
0x39: {  	_ = 	snop;
	(pc) =	sbr.ind lr, $3  }
0x3a: {  	_ = 	snop  }
0x3b: {  	_ = 	snop  }
0x3c: {  	p2 =	seq.s32 s10, $0x1;
	s10 =	sld [smem:$0x3FBB]  }
0x3d: {  	_ =	shalt  }
0x3e: {  	_ =	shalt  }
0x3f: {  	_ =	shalt  }
0x40: {  	_ =	shalt  }
0x41: {  	_ =	shalt  }
0x42: {  	_ =	shalt  }
0x43: {  	_ =	shalt  }
0x44: {  	_ =	shalt  }
0x45: {  	_ =	shalt  }
0x46: {  	_ =	shalt  }
0x47: {  	_ =	shalt  }
0x48: {  	_ =	shalt  }
0x49: {  	_ =	shalt  }
0x4a: {  	_ =	shalt  }
0x4b: {  	_ =	shalt  }
0x4c: {  	_ =	shalt  }
0x4d: {  	_ =	shalt  }
0x4e: {  	_ =	shalt  }
0x4f: {  	_ =	shalt  }
0x50: {  	_ =	shalt  }
0x51: {  	_ =	shalt  }
0x52: {  	_ =	shalt  }
0x53: {  	_ =	shalt  }
0x54: {  	_ =	shalt  }
0x55: {  	_ =	shalt  }
0x56: {  	_ =	shalt  }
0x57: {  	_ =	shalt  }
0x58: {  	_ =	shalt  }
0x59: {  	_ =	shalt  }
0x5a: {  	_ =	shalt  }
0x5b: {  	_ =	shalt  }
0x5c: {  	_ =	shalt  }
0x5d: {  	_ =	shalt  }
0x5e: {  	_ =	shalt  }
0x5f: {  	_ =	shalt  }
0x60: {  	_ =	shalt  }
0x61: {  	_ =	shalt  }
0x62: {  	_ =	shalt  }
0x63: {  	_ =	shalt  }
0x64: {  	_ =	shalt  }
0x65: {  	_ =	shalt  }
0x66: {  	_ =	shalt  }
0x67: {  	_ =	shalt  }
0x68: {  	_ =	shalt  }
0x69: {  	_ =	shalt  }
0x6a: {  	_ =	shalt  }
0x6b: {  	_ =	shalt  }
0x6c: {  	_ =	shalt  }
0x6d: {  	_ =	shalt  }
0x6e: {  	_ =	shalt  }
0x6f: {  	_ =	shalt  }
0x70: {  	_ =	shalt  }
0x71: {  	_ =	shalt  }
0x72: {  	_ =	shalt  }
0x73: {  	_ =	shalt  }
0x74: {  	_ =	shalt  }
0x75: {  	_ =	shalt  }
0x76: {  	_ =	shalt  }
0x77: {  	_ =	shalt  }
0x78: {  	_ =	shalt  }
0x79: {  	_ =	shalt  }
0x7a: {  	_ =	shalt  }
0x7b: {  	_ =	shalt  }
0x7c: {  	_ =	shalt  }
0x7d: {  	_ =	shalt  }
0x7e: {  	_ =	shalt  }
0x7f: {  	_ =	shalt  }
0x80: {  	_ =	shalt  }
0x81: {  	_ =	shalt  }
0x82: {  	_ =	shalt  }
0x83: {  	_ =	shalt  }
0x84: {  	_ =	shalt  }
0x85: {  	_ =	shalt  }
0x86: {  	_ =	shalt  }
0x87: {  	_ =	shalt  }
.Lfunc_end0:
.L_simem_size_0:
called_computation_lowered:
.L_overlay_start_0:
0x88: {  	s2 =	sld [smem:$0x3FD9]  }
0x89: {  	s3 =	sld [smem:$0x3FFE];
	_ =	sdelay $0x1  }
0x8a: {  	s1 =	srdreg.scid  }
0x8b: {  	s0 =	sand.u32 $0x1, s1  }
0x8c: {  	s18 =	sshll.u32 s0, $0xA;
	s2 =	sadd.s32 s3, s2  }
0x8d: {  	s2 =	sadd.s32 s2, s18  }
0x8e: {  	[smem:$0x3FC7] =	sst s2  }
0x8f: {  	_ = 	snop  }
0x90: {  	s2 =	sld [smem:$0x3FC9]  }
0x91: {  	s19 =	sld [smem:$0x3FD0];
	(tm) =	ssettm $0x1  }
0x92: {  	s4 =	sld [smem:$0x3FFB];
	_ =	sdelay $0x3  }
0x93: {  	_ =	strace s4  }
0x94: {  	s4 =	sld [smem:$0x3FFC];
	_ =	sdelay $0x3  }
0x95: {  	_ =	strace s4  }
0x96: {  	s4 =	sld [smem:$0x3FFD];
	_ =	sdelay $0x3  }
0x97: {  	_ =	strace s4  }
0x98: {  	_ =	strace $0x8FFFFFFF  }
0x99: {  	s20 =	sld [smem:$0x3FDB];
	_ =	sdelay $0x1  }
0x9a: {  	s5 =	simm.s32 $_scs_section_size  }
0x9b: {  	s6 =	simm.s32 $_size__tile_overlayer_lowered;
	s7 =	simm.s32 $_tile_overlayer_lowered  }
0x9c: {  	s23 =	simm.s32 $0x1BFF;
	s22 =	sshll.u32 s7, $0x1;
	s4 =	sadd.s32 s5, s20  }
0x9d: {  	s8 =	simm.s32 $0x0;
	s21 =	sshll.u32 s6, $0x1;
	s6 =	sadd.s32 s22, s4  }
0x9e: {  	[timem:s8], [sflag:s23] =	dma.local [hbm:s6], s21  }
0x9f: {  	_ =	swait.ge [sflag:s23], s21  }
0xa0: {  	s5 =	ssub.s32 $0x0, s21;
	[sflag:s23] =	ssyncset.done $0x0  }
0xa1: {  	[sflag:s23] =	ssyncadd.s32 s5;
	_ =	sdelay $0x1  }
0xa2: {  	s24 =	simm.s32 $0x1B8B  }
0xa3: {  	_ =	swait.ge [sflag:s24], $0x1  }
0xa4: {  	[sflag:s24] =	ssyncset.done $0x0  }
0xa5: {  	s25 =	simm.s32 $0x1B8E;
	[sflag:s24] =	ssyncadd.s32 $0xFFFFFFFF  }
0xa6: {  	s26 =	simm.s32 $execute0_lowered;
	[smem:$0x3FD2] =	sst s25  }
0xa7: {  	s5 =	sshll.u32 s26, $0x1;
	_ =	strace $0x80000046;
	[dreg:$0x1] =	wrdreg $0xFFFFFFFF  }
0xa8: {  	s28 =	simm.s32 $_size_execute0_lowered;
	s4 =	sadd.s32 s4, s5;
	[dreg:$0x0] =	wrdreg $0x0  }
0xa9: {  	s5 =	sshll.u32 s28, $0x1;
	[dreg:$0x2] =	wrdreg s4  }
0xaa: {  	[dreg:$0x3] =	wrdreg s5  }
0xab: {  	[dreg:$0x4] =	wrdreg $0xC0  }
0xac: {  	_ =	task [dreg:s8], $0x5FFFF  }
0xad: {  	[dreg:$0x1] =	wrdreg $0xFFFFFFFF  }
0xae: {  	[dreg:$0x0] =	wrdreg $0x60  }
0xaf: {  	[dreg:$0x2] =	wrdreg s2  }
0xb0: {  	[dreg:$0x3] =	wrdreg s19  }
0xb1: {  	[dreg:$0x4] =	wrdreg $0x9  }
0xb2: {  	_ =	task.clear_ibuf [dreg:s8], $0x5FFFF;
	_ =	strace $0x90000046  }
0xb3: {  	s29 =	simm.s32 $0x9;
	_ =	strace $0x80000048  }
0xb4: {  	_ =	swait.ge [sflag:s29], $0x1  }
0xb5: {  	[sflag:s29] =	ssyncadd.s32 $0xFFFFFFFF  }
0xb6: {  	_ =	strace $0x90000048  }
0xb7: {  	_ =	sfence  }
0xb8: {  	s30 =	sld [smem:$0x0];
	_ =	sdelay $0x2  }
0xb9: {  	s31 =	sshll.u32 s1, $0xD;
	s1 =	sshrl.u32 s1, $0x2  }
0xba: {  	s3 =	sand.u32 $0x4000, s31;
	s1 =	sadd.s32 s1, s30  }
0xbb: {  	s0 =	sor.u32 s3, s0;
	s1 =	sshll.u32 s1, $0x11  }
0xbc: {  	s0 =	sor.u32 s1, s0  }
0xbd: {  	s0 =	sadd.s32 $0x8F2B, s0  }
0xbe: {  	[sflag:s0] =	ssyncadd.remote.s32 $0x1  }
0xbf: {  	_ =	sfence.sel $0xFFFF  }
0xc0: {  	[dreg:$0x0] =	wrdreg $0xFFFFFFFF;
	(pc) =	sbr.abs _section_cstart, $3  }
0xc1: {  	[dreg:$0x1] =	wrdreg $0xFFFFFFFF  }
0xc2: {  	_ =	task.clear_ibuf [dreg:s8], $0x2FFFF;
	_ =	strace $0x9FFFFFFF  }
0xc3: {  	(tm) =	ssettm $0x7FFFFFFF  }
tec
execute0_lowered:
.L_overlay_start_1:
0x0: {  	(tag) =	ssettag $0x1  }
0x1: {  	s18 =	rddreg [dreg:$0x0]  }
0x2: {  	s19 =	rddreg [dreg:$0x1]  }
0x3: {  	s0 =	rddreg [dreg:$0x2];
	s3 =	srdreg.scid  }
0x4: {  	s2 =	simm.s32 $0x0;
	s1 =	stileid.u32;
	s23 =	simm.s32 $0x400  }
0x5: {  	s24 =	simm.s32 $0x1000;
	s25 =	simm.s32 $0x2;
	s26 =	simm.s32 $0x1  }
0x6: {  	s28 =	simm.s32 $0x8000;
	s29 =	simm.s32 $0x0;
	s3 =	sand.u32 $0x1, s3  }
0x7: {  	s5 =	sshll.u32 s1, $0x11;
	[smem:$0x7FF] =	sst s2;
	s31 =	sshll.u32 s1, $0x6  }
0x8: {  	s4 =	ssub.s32 $0x2, s3;
	s3 =	sshll.u32 s3, $0x10;
	_ =	strace $0x80000047  }
0x9: {  	s6 =	sshrl.u32 s4, $0x1;
	s17 =	sor.u32 s3, s5;
	s5 =	sor.u32 $0x1C01, s31  }
0xa: {  	s20 =	ssub.s32 s4, s6;
	s30 =	sor.u32 $0x80, s17;
	s6 =	sadd.s32 s18, s17  }
0xb: {  	s9 =	sor.u32 $0x4080, s17;
	s7 =	sadd.s32 s19, s17;
	s11 =	sor.u32 $0x4000, s17  }
0xc: {  	s13 =	sor.u32 $0x8080, s17;
	s15 =	sor.u32 $0x8000, s17;
	s21 =	sor.u32 $0xC080, s17  }
0xd: {  	s22 =	sor.u32 $0xC000, s17;
	s3 =	sadd.s32 s18, s30;
	s4 =	sadd.s32 s19, s30  }
0xe: {  	s8 =	sadd.s32 s18, s9;
	s9 =	sadd.s32 s19, s9;
	s10 =	sadd.s32 s18, s11  }
0xf: {  	s11 =	sadd.s32 s19, s11;
	s12 =	sadd.s32 s18, s13;
	s13 =	sadd.s32 s19, s13  }
0x10: {  	s14 =	sadd.s32 s18, s15;
	s15 =	sadd.s32 s19, s15;
	s16 =	sadd.s32 s18, s21  }
0x11: {  	v0 =	vlaneseq.u32;
	s17 =	sadd.s32 s19, s21;
	s18 =	sadd.s32 s18, s22;
	s19 =	sadd.s32 s19, s22  }
0x12: {  	v1 =	vimm.s32 $0x10;
	v2 =	vimm.f32 $2.000000000e+00;
	v0 =	vmul.u32 $0x80, v0;
	s20 =	smax.u32 s20, $0x1;
	s21 =	simm.s32 $0x18;
	s22 =	simm.s32 $0x200  }
.LBB2_1:
0x13: {  	[hbm:s4@s22], [sflag:s5] =	dma.strided [hbm:s3@s22], $0x3000, s21, $0x10   }
0x14: {  	[tilespmem:s2], [sflag:$0x2] =	stream.strided.gather [hbm4b:s6+s23], $0x8000, s24, s23, $0x38;
	[tilespmem:$0x10000] =	vst v63  }
0x15: {  	_ =	swait.ge [sflag:s25], $0x8000  }
0x16: {  	[sflag:s25] =	ssyncset.done $0x0  }
0x17: {  	s30 =	simm.s32 $0x0;
	[sflag:s25] =	ssyncadd.s32 $0xFFFF8000  }
.LBB2_2:
0x18: {  	v3 =	vmov s30  }
0x19: {  	v3 =	vshll.u32 v3, $0x7  }
0x1a: {  	v3 =	vor.u32 v0, v3  }
0x1b: {  	v4 =	vor.u32 $0x10, v3  }
0x1c: {  	v5 =	vor.u32 $0x11, v3  }
0x1d: {  	v6 =	vor.u32 $0x12, v3  }
0x1e: {  	v7 =	vor.u32 $0x1F, v3  }
0x1f: {  	v8 =	vor.u32 $0x1E, v3  }
0x20: {  	v49 =	vor.u32 $0x1D, v3;
	v9 =	vld.idx.msk [tilespmem:v4+s2+$0x0], $0xffff  }
0x21: {  	v10 =	vor.u32 $0x1C, v3;
	v5 =	vld.idx.msk [tilespmem:v5+s2+$0x0], $0xffff  }
0x22: {  	v11 =	vor.u32 $0x1B, v3;
	v6 =	vld.idx.msk [tilespmem:v6+s2+$0x0], $0xffff  }
0x23: {  	v12 =	vor.u32 $0x1A, v3;
	v7 =	vld.idx.msk [tilespmem:v7+s2+$0x0], $0xffff  }
0x24: {  	v13 =	vor.u32 $0x19, v3;
	v8 =	vld.idx.msk [tilespmem:v8+s2+$0x0], $0xffff  }
0x25: {  	v14 =	vor.u32 $0x18, v3;
	v4 =	vld.idx.msk [tilespmem:v49+s2+$0x0], $0xffff  }
0x26: {  	v15 =	vor.u32 $0x17, v3;
	v10 =	vld.idx.msk [tilespmem:v10+s2+$0x0], $0xffff  }
0x27: {  	v16 =	vor.u32 $0x16, v3;
	v11 =	vld.idx.msk [tilespmem:v11+s2+$0x0], $0xffff  }
0x28: {  	v17 =	vor.u32 $0x15, v3;
	v12 =	vld.idx.msk [tilespmem:v12+s2+$0x0], $0xffff  }
0x29: {  	v18 =	vor.u32 $0x13, v3;
	v13 =	vld.idx.msk [tilespmem:v13+s2+$0x0], $0xffff  }
0x2a: {  	v50 =	vor.u32 $0x14, v3;
	v54 =	vor.u32 $0x20, v3;
	v14 =	vld.idx.msk [tilespmem:v14+s2+$0x0], $0xffff  }
0x2b: {  	v56 =	vor.u32 $0x21, v3;
	v58 =	vor.u32 $0x22, v3;
	v59 =	vor.u32 $0x23, v3;
	v53 =	vld.idx.msk [tilespmem:v15+s2+$0x0], $0xffff  }
0x2c: {  	v61 =	vor.u32 $0x2F, v3;
	v20 =	vor.u32 $0x2E, v3;
	v21 =	vor.u32 $0x2D, v3;
	v55 =	vld.idx.msk [tilespmem:v16+s2+$0x0], $0xffff  }
0x2d: {  	v22 =	vor.u32 $0x2C, v3;
	v25 =	vor.u32 $0x2B, v3;
	v26 =	vor.u32 $0x2A, v3;
	v57 =	vld.idx.msk [tilespmem:v17+s2+$0x0], $0xffff  }
0x2e: {  	v28 =	vor.u32 $0x29, v3;
	v30 =	vor.u32 $0x28, v3;
	v31 =	vor.u32 $0x27, v3;
	v60 =	vld.idx.msk [tilespmem:v18+s2+$0x0], $0xffff  }
0x2f: {  	v32 =	vor.u32 $0x26, v3;
	v33 =	vor.u32 $0x25, v3;
	v34 =	vor.u32 $0x24, v3;
	v63 =	vld.idx.msk [tilespmem:v54+s2+$0x0], $0xffff  }
0x30: {  	v35 =	vor.u32 $0x3F, v3;
	v36 =	vor.u32 $0x3E, v3;
	v37 =	vor.u32 $0x3D, v3;
	v24 =	vld.idx.msk [tilespmem:v59+s2+$0x0], $0xffff  }
0x31: {  	v38 =	vor.u32 $0x3C, v3;
	v39 =	vor.u32 $0x3B, v3;
	v40 =	vor.u32 $0x3A, v3;
	v15 =	vld.idx.msk [tilespmem:v21+s2+$0x0], $0xffff  }
0x32: {  	v41 =	vor.u32 $0x39, v3;
	v42 =	vor.u32 $0x38, v3;
	v43 =	vor.u32 $0x37, v3;
	v16 =	vld.idx.msk [tilespmem:v22+s2+$0x0], $0xffff  }
0x33: {  	v44 =	vor.u32 $0x36, v3;
	v45 =	vor.u32 $0x35, v3;
	v17 =	vld.idx.msk [tilespmem:v26+s2+$0x0], $0xffff;
	vm0 =	vgt.f32 v7, $5.000000000e-01  }
0x34: {  	v46 =	vor.u32 $0x34, v3;
	v18 =	vld.idx.msk [tilespmem:v32+s2+$0x0], $0xffff;
	vm1 =	vgt.f32 v8, $5.000000000e-01;
	v51 =	vsel vm0, $0xF, v1  }
0x35: {  	v47 =	vor.u32 $0x33, v3;
	vm13 =	vgt.f32 v4, $5.000000000e-01;
	v7 =	vld.idx.msk [tilespmem:v50+s2+$0x0], $0xffff;
	v52 =	vsel vm1, $0xE, v51  }
0x36: {  	vm14 =	vgt.f32 v10, $5.000000000e-01;
	vm6 =	vgt.f32 v14, $5.000000000e-01;
	v14 =	vld.idx.msk [tilespmem:v61+s2+$0x0], $0xffff;
	v4 =	vsel vm13, $0xD, v52  }
0x37: {  	v48 =	vor.u32 $0x32, v3;
	vm15 =	vgt.f32 v11, $5.000000000e-01;
	v11 =	vld.idx.msk [tilespmem:v56+s2+$0x0], $0xffff;
	v4 =	vsel vm14, $0xC, v4  }
0x38: {  	v49 =	vor.u32 $0x31, v3;
	vm4 =	vgt.f32 v12, $5.000000000e-01;
	v10 =	vld.idx.msk [tilespmem:v20+s2+$0x0], $0xffff;
	v4 =	vsel vm15, $0xB, v4  }
0x39: {  	vm5 =	vgt.f32 v13, $5.000000000e-01;
	vm7 =	vgt.f32 v53, $5.000000000e-01;
	v13 =	vld.idx.msk [tilespmem:v25+s2+$0x0], $0xffff;
	v4 =	vsel vm4, $0xA, v4  }
0x3a: {  	vm8 =	vgt.f32 v55, $5.000000000e-01;
	vm12 =	vgt.f32 v6, $5.000000000e-01;
	v6 =	vld.idx.msk [tilespmem:v30+s2+$0x0], $0xffff;
	v4 =	vsel vm5, $0x9, v4  }
0x3b: {  	vm14 =	vgt.f32 v9, $5.000000000e-01;
	v9 =	vld.idx.msk [tilespmem:v31+s2+$0x0], $0xffff;
	vm15 =	vgt.f32 v14, $5.000000000e-01;
	v62 =	vsel vm6, $0x8, v4  }
0x3c: {  	vm9 =	vgt.f32 v57, $5.000000000e-01;
	v14 =	vld.idx.msk [tilespmem:v34+s2+$0x0], $0xffff;
	v19 =	vsel vm15, $0xF, v1;
	v8 =	vsel vm7, $0x7, v62  }
0x3d: {  	vm4 =	vgt.f32 v10, $5.000000000e-01;
	vm5 =	vgt.f32 v15, $5.000000000e-01;
	v15 =	vld.idx.msk [tilespmem:v35+s2+$0x0], $0xffff;
	v8 =	vsel vm8, $0x6, v8  }
0x3e: {  	vm10 =	vgt.f32 v7, $5.000000000e-01;
	v10 =	vsel vm4, $0xE, v19;
	v19 =	vld.idx.msk [tilespmem:v45+s2+$0x0], $0xffff;
	v23 =	vsel vm9, $0x5, v8  }
0x3f: {  	vm11 =	vgt.f32 v60, $5.000000000e-01;
	vm6 =	vgt.f32 v16, $5.000000000e-01;
	v16 =	vld.idx.msk [tilespmem:v36+s2+$0x0], $0xffff;
	v7 =	vsel vm10, $0x4, v23  }
0x40: {  	v50 =	vor.u32 $0x30, v3;
	v10 =	vsel vm5, $0xD, v10;
	v27 =	vsel vm11, $0x3, v7;
	v7 =	vld.idx.msk [tilespmem:v28+s2+$0x0], $0xffff  }
0x41: {  	v55 =	vor.u32 $0x1, v3;
	v10 =	vsel vm6, $0xC, v10;
	vm7 =	vgt.f32 v13, $5.000000000e-01;
	v13 =	vld.idx.msk [tilespmem:v37+s2+$0x0], $0xffff  }
0x42: {  	v56 =	vor.u32 $0x2, v3;
	v10 =	vsel vm7, $0xB, v10;
	vm8 =	vgt.f32 v17, $5.000000000e-01;
	v17 =	vld.idx.msk [tilespmem:v38+s2+$0x0], $0xffff  }
0x43: {  	vm0 =	vgt.f32 v24, $5.000000000e-01;
	vm13 =	vgt.f32 v5, $5.000000000e-01;
	v8 =	vld.idx.msk [tilespmem:v33+s2+$0x0], $0xffff;
	v10 =	vsel vm8, $0xA, v10  }
0x44: {  	vm10 =	vgt.f32 v6, $5.000000000e-01;
	v6 =	vld.idx.msk [tilespmem:v40+s2+$0x0], $0xffff;
	vm15 =	vgt.f32 v15, $5.000000000e-01;
	vm11 =	vgt.f32 v9, $5.000000000e-01  }
0x45: {  	v15 =	vsel vm15, $0xF, v1;
	vm4 =	vgt.f32 v16, $5.000000000e-01;
	vm9 =	vgt.f32 v7, $5.000000000e-01;
	v7 =	vld.idx.msk [tilespmem:v39+s2+$0x0], $0xffff  }
0x46: {  	v9 =	vld.idx.msk [tilespmem:v41+s2+$0x0], $0xffff;
	vm15 =	vgt.f32 v19, $5.000000000e-01;
	v29 =	vsel vm12, $0x2, v27;
	vm12 =	vgt.f32 v18, $5.000000000e-01  }
0x47: {  	v12 =	vld.idx.msk [tilespmem:v58+s2+$0x0], $0xffff;
	v15 =	vsel vm4, $0xE, v15;
	vm5 =	vgt.f32 v13, $5.000000000e-01;
	v5 =	vsel vm13, $0x1, v29  }
0x48: {  	v18 =	vld.idx.msk [tilespmem:v42+s2+$0x0], $0xffff;
	v15 =	vsel vm5, $0xD, v15;
	vm6 =	vgt.f32 v17, $5.000000000e-01;
	v5 =	vsel vm14, $0x0, v5  }
0x49: {  	vm13 =	vgt.f32 v8, $5.000000000e-01;
	vm14 =	vgt.f32 v14, $5.000000000e-01;
	v8 =	vld.idx.msk [tilespmem:v43+s2+$0x0], $0xffff;
	v15 =	vsel vm6, $0xC, v15  }
0x4a: {  	v14 =	vld.idx.msk [tilespmem:v44+s2+$0x0], $0xffff;
	vm8 =	vgt.f32 v6, $5.000000000e-01;
	v10 =	vsel vm9, $0x9, v10;
	vm7 =	vgt.f32 v7, $5.000000000e-01  }
0x4b: {  	v51 =	vld.idx.msk [tilespmem:v46+s2+$0x0], $0xffff;
	vm9 =	vgt.f32 v9, $5.000000000e-01;
	v10 =	vsel vm10, $0x8, v10;
	v15 =	vsel vm7, $0xB, v15  }
0x4c: {  	v13 =	vld.idx.msk [tilespmem:v47+s2+$0x0], $0xffff;
	vm10 =	vgt.f32 v12, $5.000000000e-01;
	v10 =	vsel vm11, $0x7, v10;
	v15 =	vsel vm8, $0xA, v15  }
0x4d: {  	v53 =	vld.idx.msk [tilespmem:v48+s2+$0x0], $0xffff;
	vm11 =	vgt.f32 v18, $5.000000000e-01;
	v10 =	vsel vm12, $0x6, v10;
	v52 =	vsel vm9, $0x9, v15  }
0x4e: {  	vm12 =	vgt.f32 v8, $5.000000000e-01;
	v10 =	vsel vm13, $0x5, v10;
	v12 =	vsel vm11, $0x8, v52  }
0x4f: {  	v7 =	vld.idx.msk [tilespmem:v49+s2+$0x0], $0xffff;
	v10 =	vsel vm14, $0x4, v10;
	vm14 =	vgt.f32 v14, $5.000000000e-01;
	v54 =	vsel vm12, $0x7, v12  }
0x50: {  	vm4 =	vgt.f32 v51, $5.000000000e-01;
	v6 =	vld.idx.msk [tilespmem:v50+s2+$0x0], $0xffff;
	vm13 =	vgt.f32 v11, $5.000000000e-01;
	v11 =	vsel vm14, $0x6, v54  }
0x51: {  	vm6 =	vgt.f32 v63, $5.000000000e-01;
	vm5 =	vgt.f32 v13, $5.000000000e-01;
	v11 =	vsel vm15, $0x5, v11  }
0x52: {  	vm7 =	vgt.f32 v53, $5.000000000e-01;
	v10 =	vsel vm0, $0x3, v10;
	v11 =	vsel vm4, $0x4, v11  }
0x53: {  	v10 =	vsel vm10, $0x2, v10;
	vm9 =	veq.s32 v5, $0x10;
	v57 =	vsel vm5, $0x3, v11  }
0x54: {  	v10 =	vsel vm13, $0x1, v10;
	vm8 =	vgt.f32 v7, $5.000000000e-01;
	v4 =	vsel vm7, $0x2, v57  }
0x55: {  	v59 =	vld.idx.msk [tilespmem:v55+s2+$0x0], $0xffff;
	vm10 =	vgt.f32 v6, $5.000000000e-01;
	v58 =	vsel vm6, $0x0, v10;
	v4 =	vsel vm8, $0x1, v4  }
0x56: {  	v60 =	vld.idx.msk [tilespmem:v56+s2+$0x0], $0xffff;
	vm11 =	veq.s32 v58, $0x10;
	v8 =	vshll.u32 v58, $0x4;
	v4 =	vsel vm10, $0x0, v4  }
0x57: {  	v5 =	vsel vm9, $0x0, v5;
	v8 =	vsel vm11, $0x0, v8;
	vm12 =	veq.s32 v4, $0x10  }
0x58: {  	v61 =	vld.idx.msk [tilespmem:v3+s2+$0x0], $0xffff;
	v5 =	vadd.s32 v5, v8;
	v4 =	vsel vm12, $0x0, v4  }
0x59: {  	v8 =	vshll.u32 v5, v4  }
0x5a: {  	vm13 =	vgt.f32 v59, $5.000000000e-01;
	v4 =	vshrl.u32 v5, v4;
	v62 =	vand.u32 $0xFF, v8  }
0x5b: {  	vm14 =	vgt.f32 v60, $5.000000000e-01;
	v4 =	vsel vm13, v62, v4  }
0x5c: {  	vm0 =	vmor vm13, vm14;
	v5 =	vshrl.u32 v4, $0x4  }
0x5d: {  	vm15 =	vgt.f32 v61, $5.000000000e-01;
	v4 =	vand.u32 $0xF, v4;
	v5 =	vadd.s32 $0x70, v5  }
0x5e: {  	vm0 =	vmand vm15, vm0;
	v4 =	vor.u32 v4, v3;
	v63 =	vand.u32 $0x1FFFFF80, v5  }
0x5f: {  	v4 =	vor.u32 $0x60, v4;
	v5 =	vand.u32 $0x7F, v5;
	v3 =	vadd.s32 v3, v63  }
0x60: {  	p0 =	sne.s32 s30, $0xF0;
	v3 =	vor.u32 v5, v3  }
.Ltmp0:
0x61: {  	_ = 	snop;
	(pc) =	sbr.rel @p0 .LBB2_2-.Ltmp0, $3  }
0x62: {  	_ =	sdelay $0x1  }
0x63: {  	[tilespmem:v4+s2+$0x0] =	vst.idx.add.f32.msk vm0, v2  }
0x64: {  	s30 =	sadd.s32 $0x10, s30;
	[tilespmem:v3+s2+$0x0] =	vst.idx.add.f32.msk vm0, v2  }
0x65: {  	s30 =	simm.s32 $0x0  }
0x66: {  	[hbm4b:s7+s23] =	stream.strided.scatter [tilespmem:s30], [sflag:$0x2], $0x8000, s24, s23, $0x38;
	[tilespmem:$0x10000] =	vst v63  }
0x67: {  	_ =	swait.ge [sflag:s25], $0x8000  }
0x68: {  	[sflag:s25] =	ssyncset.done $0x0  }
0x69: {  	[sflag:s25] =	ssyncadd.s32 $0xFFFF8000  }
0x6a: {  	_ =	swait.ge [sflag:s26], $0x3000  }
0x6b: {  	[sflag:s26] =	ssyncset.done $0x0  }
0x6c: {  	[sflag:s26] =	ssyncadd.s32 $0xFFFFD000  }
0x6d: {  	[hbm:s9@s22], [sflag:s5] =	dma.strided [hbm:s8@s22], $0x3000, s21, $0x10   }
0x6e: {  	[tilespmem:s28], [sflag:$0x2] =	stream.strided.gather [hbm4b:s10+s23], $0x8000, s24, s23, $0x38;
	[tilespmem:$0x10000] =	vst v63  }
0x6f: {  	_ =	swait.ge [sflag:s25], $0x8000  }
0x70: {  	[sflag:s25] =	ssyncset.done $0x0  }
0x71: {  	[sflag:s25] =	ssyncadd.s32 $0xFFFF8000  }
.LBB2_4:
0x72: {  	v3 =	vmov s30  }
0x73: {  	v3 =	vshll.u32 v3, $0x7  }
0x74: {  	v3 =	vor.u32 v0, v3  }
0x75: {  	v4 =	vor.u32 $0x10, v3  }
0x76: {  	v5 =	vor.u32 $0x11, v3  }
0x77: {  	v6 =	vor.u32 $0x12, v3  }
0x78: {  	v7 =	vor.u32 $0x1F, v3  }
0x79: {  	v8 =	vor.u32 $0x1E, v3  }
0x7a: {  	v49 =	vor.u32 $0x1D, v3;
	v9 =	vld.idx.msk [tilespmem:v4+s28+$0x0], $0xffff  }
0x7b: {  	v10 =	vor.u32 $0x1C, v3;
	v5 =	vld.idx.msk [tilespmem:v5+s28+$0x0], $0xffff  }
0x7c: {  	v11 =	vor.u32 $0x1B, v3;
	v6 =	vld.idx.msk [tilespmem:v6+s28+$0x0], $0xffff  }
0x7d: {  	v12 =	vor.u32 $0x1A, v3;
	v7 =	vld.idx.msk [tilespmem:v7+s28+$0x0], $0xffff  }
0x7e: {  	v13 =	vor.u32 $0x19, v3;
	v8 =	vld.idx.msk [tilespmem:v8+s28+$0x0], $0xffff  }
0x7f: {  	v14 =	vor.u32 $0x18, v3;
	v4 =	vld.idx.msk [tilespmem:v49+s28+$0x0], $0xffff  }
0x80: {  	v15 =	vor.u32 $0x17, v3;
	v10 =	vld.idx.msk [tilespmem:v10+s28+$0x0], $0xffff  }
0x81: {  	v16 =	vor.u32 $0x16, v3;
	v11 =	vld.idx.msk [tilespmem:v11+s28+$0x0], $0xffff  }
0x82: {  	v17 =	vor.u32 $0x15, v3;
	v12 =	vld.idx.msk [tilespmem:v12+s28+$0x0], $0xffff  }
0x83: {  	v18 =	vor.u32 $0x13, v3;
	v13 =	vld.idx.msk [tilespmem:v13+s28+$0x0], $0xffff  }
0x84: {  	v50 =	vor.u32 $0x14, v3;
	v54 =	vor.u32 $0x20, v3;
	v14 =	vld.idx.msk [tilespmem:v14+s28+$0x0], $0xffff  }
0x85: {  	v56 =	vor.u32 $0x21, v3;
	v58 =	vor.u32 $0x22, v3;
	v59 =	vor.u32 $0x23, v3;
	v53 =	vld.idx.msk [tilespmem:v15+s28+$0x0], $0xffff  }
0x86: {  	v61 =	vor.u32 $0x2F, v3;
	v20 =	vor.u32 $0x2E, v3;
	v21 =	vor.u32 $0x2D, v3;
	v55 =	vld.idx.msk [tilespmem:v16+s28+$0x0], $0xffff  }
0x87: {  	v22 =	vor.u32 $0x2C, v3;
	v25 =	vor.u32 $0x2B, v3;
	v26 =	vor.u32 $0x2A, v3;
	v57 =	vld.idx.msk [tilespmem:v17+s28+$0x0], $0xffff  }
0x88: {  	v28 =	vor.u32 $0x29, v3;
	v30 =	vor.u32 $0x28, v3;
	v31 =	vor.u32 $0x27, v3;
	v60 =	vld.idx.msk [tilespmem:v18+s28+$0x0], $0xffff  }
0x89: {  	v32 =	vor.u32 $0x26, v3;
	v33 =	vor.u32 $0x25, v3;
	v34 =	vor.u32 $0x24, v3;
	v63 =	vld.idx.msk [tilespmem:v54+s28+$0x0], $0xffff  }
0x8a: {  	v35 =	vor.u32 $0x3F, v3;
	v36 =	vor.u32 $0x3E, v3;
	v37 =	vor.u32 $0x3D, v3;
	v24 =	vld.idx.msk [tilespmem:v59+s28+$0x0], $0xffff  }
0x8b: {  	v38 =	vor.u32 $0x3C, v3;
	v39 =	vor.u32 $0x3B, v3;
	v40 =	vor.u32 $0x3A, v3;
	v15 =	vld.idx.msk [tilespmem:v21+s28+$0x0], $0xffff  }
0x8c: {  	v41 =	vor.u32 $0x39, v3;
	v42 =	vor.u32 $0x38, v3;
	v43 =	vor.u32 $0x37, v3;
	v16 =	vld.idx.msk [tilespmem:v22+s28+$0x0], $0xffff  }
0x8d: {  	v44 =	vor.u32 $0x36, v3;
	v45 =	vor.u32 $0x35, v3;
	v17 =	vld.idx.msk [tilespmem:v26+s28+$0x0], $0xffff;
	vm0 =	vgt.f32 v7, $5.000000000e-01  }
0x8e: {  	v46 =	vor.u32 $0x34, v3;
	v18 =	vld.idx.msk [tilespmem:v32+s28+$0x0], $0xffff;
	vm1 =	vgt.f32 v8, $5.000000000e-01;
	v51 =	vsel vm0, $0xF, v1  }
0x8f: {  	v47 =	vor.u32 $0x33, v3;
	vm13 =	vgt.f32 v4, $5.000000000e-01;
	v7 =	vld.idx.msk [tilespmem:v50+s28+$0x0], $0xffff;
	v52 =	vsel vm1, $0xE, v51  }
0x90: {  	vm14 =	vgt.f32 v10, $5.000000000e-01;
	vm6 =	vgt.f32 v14, $5.000000000e-01;
	v14 =	vld.idx.msk [tilespmem:v61+s28+$0x0], $0xffff;
	v4 =	vsel vm13, $0xD, v52  }
0x91: {  	v48 =	vor.u32 $0x32, v3;
	vm15 =	vgt.f32 v11, $5.000000000e-01;
	v11 =	vld.idx.msk [tilespmem:v56+s28+$0x0], $0xffff;
	v4 =	vsel vm14, $0xC, v4  }
0x92: {  	v49 =	vor.u32 $0x31, v3;
	vm4 =	vgt.f32 v12, $5.000000000e-01;
	v10 =	vld.idx.msk [tilespmem:v20+s28+$0x0], $0xffff;
	v4 =	vsel vm15, $0xB, v4  }
0x93: {  	vm5 =	vgt.f32 v13, $5.000000000e-01;
	vm7 =	vgt.f32 v53, $5.000000000e-01;
	v13 =	vld.idx.msk [tilespmem:v25+s28+$0x0], $0xffff;
	v4 =	vsel vm4, $0xA, v4  }
0x94: {  	vm8 =	vgt.f32 v55, $5.000000000e-01;
	vm12 =	vgt.f32 v6, $5.000000000e-01;
	v6 =	vld.idx.msk [tilespmem:v30+s28+$0x0], $0xffff;
	v4 =	vsel vm5, $0x9, v4  }
0x95: {  	vm14 =	vgt.f32 v9, $5.000000000e-01;
	v9 =	vld.idx.msk [tilespmem:v31+s28+$0x0], $0xffff;
	vm15 =	vgt.f32 v14, $5.000000000e-01;
	v62 =	vsel vm6, $0x8, v4  }
0x96: {  	vm9 =	vgt.f32 v57, $5.000000000e-01;
	v14 =	vld.idx.msk [tilespmem:v34+s28+$0x0], $0xffff;
	v19 =	vsel vm15, $0xF, v1;
	v8 =	vsel vm7, $0x7, v62  }
0x97: {  	vm4 =	vgt.f32 v10, $5.000000000e-01;
	vm5 =	vgt.f32 v15, $5.000000000e-01;
	v15 =	vld.idx.msk [tilespmem:v35+s28+$0x0], $0xffff;
	v8 =	vsel vm8, $0x6, v8  }
0x98: {  	vm10 =	vgt.f32 v7, $5.000000000e-01;
	v10 =	vsel vm4, $0xE, v19;
	v19 =	vld.idx.msk [tilespmem:v45+s28+$0x0], $0xffff;
	v23 =	vsel vm9, $0x5, v8  }
0x99: {  	vm11 =	vgt.f32 v60, $5.000000000e-01;
	vm6 =	vgt.f32 v16, $5.000000000e-01;
	v16 =	vld.idx.msk [tilespmem:v36+s28+$0x0], $0xffff;
	v7 =	vsel vm10, $0x4, v23  }
0x9a: {  	v50 =	vor.u32 $0x30, v3;
	v10 =	vsel vm5, $0xD, v10;
	v27 =	vsel vm11, $0x3, v7;
	v7 =	vld.idx.msk [tilespmem:v28+s28+$0x0], $0xffff  }
0x9b: {  	v55 =	vor.u32 $0x1, v3;
	v10 =	vsel vm6, $0xC, v10;
	vm7 =	vgt.f32 v13, $5.000000000e-01;
	v13 =	vld.idx.msk [tilespmem:v37+s28+$0x0], $0xffff  }
0x9c: {  	v56 =	vor.u32 $0x2, v3;
	v10 =	vsel vm7, $0xB, v10;
	vm8 =	vgt.f32 v17, $5.000000000e-01;
	v17 =	vld.idx.msk [tilespmem:v38+s28+$0x0], $0xffff  }
0x9d: {  	vm0 =	vgt.f32 v24, $5.000000000e-01;
	vm13 =	vgt.f32 v5, $5.000000000e-01;
	v8 =	vld.idx.msk [tilespmem:v33+s28+$0x0], $0xffff;
	v10 =	vsel vm8, $0xA, v10  }
0x9e: {  	vm10 =	vgt.f32 v6, $5.000000000e-01;
	v6 =	vld.idx.msk [tilespmem:v40+s28+$0x0], $0xffff;
	vm15 =	vgt.f32 v15, $5.000000000e-01;
	vm11 =	vgt.f32 v9, $5.000000000e-01  }
0x9f: {  	v15 =	vsel vm15, $0xF, v1;
	vm4 =	vgt.f32 v16, $5.000000000e-01;
	vm9 =	vgt.f32 v7, $5.000000000e-01;
	v7 =	vld.idx.msk [tilespmem:v39+s28+$0x0], $0xffff  }
0xa0: {  	v9 =	vld.idx.msk [tilespmem:v41+s28+$0x0], $0xffff;
	vm15 =	vgt.f32 v19, $5.000000000e-01;
	v29 =	vsel vm12, $0x2, v27;
	vm12 =	vgt.f32 v18, $5.000000000e-01  }
0xa1: {  	v12 =	vld.idx.msk [tilespmem:v58+s28+$0x0], $0xffff;
	v15 =	vsel vm4, $0xE, v15;
	vm5 =	vgt.f32 v13, $5.000000000e-01;
	v5 =	vsel vm13, $0x1, v29  }
0xa2: {  	v18 =	vld.idx.msk [tilespmem:v42+s28+$0x0], $0xffff;
	v15 =	vsel vm5, $0xD, v15;
	vm6 =	vgt.f32 v17, $5.000000000e-01;
	v5 =	vsel vm14, $0x0, v5  }
0xa3: {  	vm13 =	vgt.f32 v8, $5.000000000e-01;
	vm14 =	vgt.f32 v14, $5.000000000e-01;
	v8 =	vld.idx.msk [tilespmem:v43+s28+$0x0], $0xffff;
	v15 =	vsel vm6, $0xC, v15  }
0xa4: {  	v14 =	vld.idx.msk [tilespmem:v44+s28+$0x0], $0xffff;
	vm8 =	vgt.f32 v6, $5.000000000e-01;
	v10 =	vsel vm9, $0x9, v10;
	vm7 =	vgt.f32 v7, $5.000000000e-01  }
0xa5: {  	v51 =	vld.idx.msk [tilespmem:v46+s28+$0x0], $0xffff;
	vm9 =	vgt.f32 v9, $5.000000000e-01;
	v10 =	vsel vm10, $0x8, v10;
	v15 =	vsel vm7, $0xB, v15  }
0xa6: {  	v13 =	vld.idx.msk [tilespmem:v47+s28+$0x0], $0xffff;
	vm10 =	vgt.f32 v12, $5.000000000e-01;
	v10 =	vsel vm11, $0x7, v10;
	v15 =	vsel vm8, $0xA, v15  }
0xa7: {  	v53 =	vld.idx.msk [tilespmem:v48+s28+$0x0], $0xffff;
	vm11 =	vgt.f32 v18, $5.000000000e-01;
	v10 =	vsel vm12, $0x6, v10;
	v52 =	vsel vm9, $0x9, v15  }
0xa8: {  	vm12 =	vgt.f32 v8, $5.000000000e-01;
	v10 =	vsel vm13, $0x5, v10;
	v12 =	vsel vm11, $0x8, v52  }
0xa9: {  	v7 =	vld.idx.msk [tilespmem:v49+s28+$0x0], $0xffff;
	v10 =	vsel vm14, $0x4, v10;
	vm14 =	vgt.f32 v14, $5.000000000e-01;
	v54 =	vsel vm12, $0x7, v12  }
0xaa: {  	vm4 =	vgt.f32 v51, $5.000000000e-01;
	v6 =	vld.idx.msk [tilespmem:v50+s28+$0x0], $0xffff;
	vm13 =	vgt.f32 v11, $5.000000000e-01;
	v11 =	vsel vm14, $0x6, v54  }
0xab: {  	vm6 =	vgt.f32 v63, $5.000000000e-01;
	vm5 =	vgt.f32 v13, $5.000000000e-01;
	v11 =	vsel vm15, $0x5, v11  }
0xac: {  	vm7 =	vgt.f32 v53, $5.000000000e-01;
	v10 =	vsel vm0, $0x3, v10;
	v11 =	vsel vm4, $0x4, v11  }
0xad: {  	v10 =	vsel vm10, $0x2, v10;
	vm9 =	veq.s32 v5, $0x10;
	v57 =	vsel vm5, $0x3, v11  }
0xae: {  	v10 =	vsel vm13, $0x1, v10;
	vm8 =	vgt.f32 v7, $5.000000000e-01;
	v4 =	vsel vm7, $0x2, v57  }
0xaf: {  	v59 =	vld.idx.msk [tilespmem:v55+s28+$0x0], $0xffff;
	vm10 =	vgt.f32 v6, $5.000000000e-01;
	v58 =	vsel vm6, $0x0, v10;
	v4 =	vsel vm8, $0x1, v4  }
0xb0: {  	v60 =	vld.idx.msk [tilespmem:v56+s28+$0x0], $0xffff;
	vm11 =	veq.s32 v58, $0x10;
	v8 =	vshll.u32 v58, $0x4;
	v4 =	vsel vm10, $0x0, v4  }
0xb1: {  	v5 =	vsel vm9, $0x0, v5;
	v8 =	vsel vm11, $0x0, v8;
	vm12 =	veq.s32 v4, $0x10  }
0xb2: {  	v61 =	vld.idx.msk [tilespmem:v3+s28+$0x0], $0xffff;
	v5 =	vadd.s32 v5, v8;
	v4 =	vsel vm12, $0x0, v4  }
0xb3: {  	v8 =	vshll.u32 v5, v4  }
0xb4: {  	vm13 =	vgt.f32 v59, $5.000000000e-01;
	v4 =	vshrl.u32 v5, v4;
	v62 =	vand.u32 $0xFF, v8  }
0xb5: {  	vm14 =	vgt.f32 v60, $5.000000000e-01;
	v4 =	vsel vm13, v62, v4  }
0xb6: {  	vm0 =	vmor vm13, vm14;
	v5 =	vshrl.u32 v4, $0x4  }
0xb7: {  	vm15 =	vgt.f32 v61, $5.000000000e-01;
	v4 =	vand.u32 $0xF, v4;
	v5 =	vadd.s32 $0x70, v5  }
0xb8: {  	vm0 =	vmand vm15, vm0;
	v4 =	vor.u32 v4, v3;
	v63 =	vand.u32 $0x1FFFFF80, v5  }
0xb9: {  	v4 =	vor.u32 $0x60, v4;
	v5 =	vand.u32 $0x7F, v5;
	v3 =	vadd.s32 v3, v63  }
0xba: {  	p0 =	sne.s32 s30, $0xF0;
	v3 =	vor.u32 v5, v3  }
.Ltmp1:
0xbb: {  	_ = 	snop;
	(pc) =	sbr.rel @p0 .LBB2_4-.Ltmp1, $3  }
0xbc: {  	_ =	sdelay $0x1  }
0xbd: {  	[tilespmem:v4+s28+$0x0] =	vst.idx.add.f32.msk vm0, v2  }
0xbe: {  	s30 =	sadd.s32 $0x10, s30;
	[tilespmem:v3+s28+$0x0] =	vst.idx.add.f32.msk vm0, v2  }
0xbf: {  	[hbm4b:s11+s23] =	stream.strided.scatter [tilespmem:s28], [sflag:$0x2], $0x8000, s24, s23, $0x38;
	[tilespmem:$0x10000] =	vst v63  }
0xc0: {  	_ =	swait.ge [sflag:s25], $0x8000  }
0xc1: {  	[sflag:s25] =	ssyncset.done $0x0  }
0xc2: {  	[sflag:s25] =	ssyncadd.s32 $0xFFFF8000  }
0xc3: {  	_ =	swait.ge [sflag:s26], $0x3000  }
0xc4: {  	[sflag:s26] =	ssyncset.done $0x0  }
0xc5: {  	s30 =	simm.s32 $0x0;
	[sflag:s26] =	ssyncadd.s32 $0xFFFFD000  }
0xc6: {  	[hbm:s13@s22], [sflag:s5] =	dma.strided [hbm:s12@s22], $0x3000, s21, $0x10   }
0xc7: {  	[tilespmem:s30], [sflag:$0x2] =	stream.strided.gather [hbm4b:s14+s23], $0x8000, s24, s23, $0x38;
	[tilespmem:$0x10000] =	vst v63  }
0xc8: {  	_ =	swait.ge [sflag:s25], $0x8000  }
0xc9: {  	[sflag:s25] =	ssyncset.done $0x0  }
0xca: {  	[sflag:s25] =	ssyncadd.s32 $0xFFFF8000  }
.LBB2_6:
0xcb: {  	v3 =	vmov s30  }
0xcc: {  	v3 =	vshll.u32 v3, $0x7  }
0xcd: {  	v3 =	vor.u32 v0, v3  }
0xce: {  	v4 =	vor.u32 $0x10, v3  }
0xcf: {  	v5 =	vor.u32 $0x11, v3  }
0xd0: {  	v6 =	vor.u32 $0x12, v3  }
0xd1: {  	v7 =	vor.u32 $0x1F, v3  }
0xd2: {  	v8 =	vor.u32 $0x1E, v3  }
0xd3: {  	v49 =	vor.u32 $0x1D, v3;
	v9 =	vld.idx.msk [tilespmem:v4+s2+$0x0], $0xffff  }
0xd4: {  	v10 =	vor.u32 $0x1C, v3;
	v5 =	vld.idx.msk [tilespmem:v5+s2+$0x0], $0xffff  }
0xd5: {  	v11 =	vor.u32 $0x1B, v3;
	v6 =	vld.idx.msk [tilespmem:v6+s2+$0x0], $0xffff  }
0xd6: {  	v12 =	vor.u32 $0x1A, v3;
	v7 =	vld.idx.msk [tilespmem:v7+s2+$0x0], $0xffff  }
0xd7: {  	v13 =	vor.u32 $0x19, v3;
	v8 =	vld.idx.msk [tilespmem:v8+s2+$0x0], $0xffff  }
0xd8: {  	v14 =	vor.u32 $0x18, v3;
	v4 =	vld.idx.msk [tilespmem:v49+s2+$0x0], $0xffff  }
0xd9: {  	v15 =	vor.u32 $0x17, v3;
	v10 =	vld.idx.msk [tilespmem:v10+s2+$0x0], $0xffff  }
0xda: {  	v16 =	vor.u32 $0x16, v3;
	v11 =	vld.idx.msk [tilespmem:v11+s2+$0x0], $0xffff  }
0xdb: {  	v17 =	vor.u32 $0x15, v3;
	v12 =	vld.idx.msk [tilespmem:v12+s2+$0x0], $0xffff  }
0xdc: {  	v18 =	vor.u32 $0x13, v3;
	v13 =	vld.idx.msk [tilespmem:v13+s2+$0x0], $0xffff  }
0xdd: {  	v50 =	vor.u32 $0x14, v3;
	v54 =	vor.u32 $0x20, v3;
	v14 =	vld.idx.msk [tilespmem:v14+s2+$0x0], $0xffff  }
0xde: {  	v56 =	vor.u32 $0x21, v3;
	v58 =	vor.u32 $0x22, v3;
	v59 =	vor.u32 $0x23, v3;
	v53 =	vld.idx.msk [tilespmem:v15+s2+$0x0], $0xffff  }
0xdf: {  	v61 =	vor.u32 $0x2F, v3;
	v20 =	vor.u32 $0x2E, v3;
	v21 =	vor.u32 $0x2D, v3;
	v55 =	vld.idx.msk [tilespmem:v16+s2+$0x0], $0xffff  }
0xe0: {  	v22 =	vor.u32 $0x2C, v3;
	v25 =	vor.u32 $0x2B, v3;
	v26 =	vor.u32 $0x2A, v3;
	v57 =	vld.idx.msk [tilespmem:v17+s2+$0x0], $0xffff  }
0xe1: {  	v28 =	vor.u32 $0x29, v3;
	v30 =	vor.u32 $0x28, v3;
	v31 =	vor.u32 $0x27, v3;
	v60 =	vld.idx.msk [tilespmem:v18+s2+$0x0], $0xffff  }
0xe2: {  	v32 =	vor.u32 $0x26, v3;
	v33 =	vor.u32 $0x25, v3;
	v34 =	vor.u32 $0x24, v3;
	v63 =	vld.idx.msk [tilespmem:v54+s2+$0x0], $0xffff  }
0xe3: {  	v35 =	vor.u32 $0x3F, v3;
	v36 =	vor.u32 $0x3E, v3;
	v37 =	vor.u32 $0x3D, v3;
	v24 =	vld.idx.msk [tilespmem:v59+s2+$0x0], $0xffff  }
0xe4: {  	v38 =	vor.u32 $0x3C, v3;
	v39 =	vor.u32 $0x3B, v3;
	v40 =	vor.u32 $0x3A, v3;
	v15 =	vld.idx.msk [tilespmem:v21+s2+$0x0], $0xffff  }
0xe5: {  	v41 =	vor.u32 $0x39, v3;
	v42 =	vor.u32 $0x38, v3;
	v43 =	vor.u32 $0x37, v3;
	v16 =	vld.idx.msk [tilespmem:v22+s2+$0x0], $0xffff  }
0xe6: {  	v44 =	vor.u32 $0x36, v3;
	v45 =	vor.u32 $0x35, v3;
	v17 =	vld.idx.msk [tilespmem:v26+s2+$0x0], $0xffff;
	vm0 =	vgt.f32 v7, $5.000000000e-01  }
0xe7: {  	v46 =	vor.u32 $0x34, v3;
	v18 =	vld.idx.msk [tilespmem:v32+s2+$0x0], $0xffff;
	vm1 =	vgt.f32 v8, $5.000000000e-01;
	v51 =	vsel vm0, $0xF, v1  }
0xe8: {  	v47 =	vor.u32 $0x33, v3;
	vm13 =	vgt.f32 v4, $5.000000000e-01;
	v7 =	vld.idx.msk [tilespmem:v50+s2+$0x0], $0xffff;
	v52 =	vsel vm1, $0xE, v51  }
0xe9: {  	vm14 =	vgt.f32 v10, $5.000000000e-01;
	vm6 =	vgt.f32 v14, $5.000000000e-01;
	v14 =	vld.idx.msk [tilespmem:v61+s2+$0x0], $0xffff;
	v4 =	vsel vm13, $0xD, v52  }
0xea: {  	v48 =	vor.u32 $0x32, v3;
	vm15 =	vgt.f32 v11, $5.000000000e-01;
	v11 =	vld.idx.msk [tilespmem:v56+s2+$0x0], $0xffff;
	v4 =	vsel vm14, $0xC, v4  }
0xeb: {  	v49 =	vor.u32 $0x31, v3;
	vm4 =	vgt.f32 v12, $5.000000000e-01;
	v10 =	vld.idx.msk [tilespmem:v20+s2+$0x0], $0xffff;
	v4 =	vsel vm15, $0xB, v4  }
0xec: {  	vm5 =	vgt.f32 v13, $5.000000000e-01;
	vm7 =	vgt.f32 v53, $5.000000000e-01;
	v13 =	vld.idx.msk [tilespmem:v25+s2+$0x0], $0xffff;
	v4 =	vsel vm4, $0xA, v4  }
0xed: {  	vm8 =	vgt.f32 v55, $5.000000000e-01;
	vm12 =	vgt.f32 v6, $5.000000000e-01;
	v6 =	vld.idx.msk [tilespmem:v30+s2+$0x0], $0xffff;
	v4 =	vsel vm5, $0x9, v4  }
0xee: {  	vm14 =	vgt.f32 v9, $5.000000000e-01;
	v9 =	vld.idx.msk [tilespmem:v31+s2+$0x0], $0xffff;
	vm15 =	vgt.f32 v14, $5.000000000e-01;
	v62 =	vsel vm6, $0x8, v4  }
0xef: {  	vm9 =	vgt.f32 v57, $5.000000000e-01;
	v14 =	vld.idx.msk [tilespmem:v34+s2+$0x0], $0xffff;
	v19 =	vsel vm15, $0xF, v1;
	v8 =	vsel vm7, $0x7, v62  }
0xf0: {  	vm4 =	vgt.f32 v10, $5.000000000e-01;
	vm5 =	vgt.f32 v15, $5.000000000e-01;
	v15 =	vld.idx.msk [tilespmem:v35+s2+$0x0], $0xffff;
	v8 =	vsel vm8, $0x6, v8  }
0xf1: {  	vm10 =	vgt.f32 v7, $5.000000000e-01;
	v10 =	vsel vm4, $0xE, v19;
	v19 =	vld.idx.msk [tilespmem:v45+s2+$0x0], $0xffff;
	v23 =	vsel vm9, $0x5, v8  }
0xf2: {  	vm11 =	vgt.f32 v60, $5.000000000e-01;
	vm6 =	vgt.f32 v16, $5.000000000e-01;
	v16 =	vld.idx.msk [tilespmem:v36+s2+$0x0], $0xffff;
	v7 =	vsel vm10, $0x4, v23  }
0xf3: {  	v50 =	vor.u32 $0x30, v3;
	v10 =	vsel vm5, $0xD, v10;
	v27 =	vsel vm11, $0x3, v7;
	v7 =	vld.idx.msk [tilespmem:v28+s2+$0x0], $0xffff  }
0xf4: {  	v55 =	vor.u32 $0x1, v3;
	v10 =	vsel vm6, $0xC, v10;
	vm7 =	vgt.f32 v13, $5.000000000e-01;
	v13 =	vld.idx.msk [tilespmem:v37+s2+$0x0], $0xffff  }
0xf5: {  	v56 =	vor.u32 $0x2, v3;
	v10 =	vsel vm7, $0xB, v10;
	vm8 =	vgt.f32 v17, $5.000000000e-01;
	v17 =	vld.idx.msk [tilespmem:v38+s2+$0x0], $0xffff  }
0xf6: {  	vm0 =	vgt.f32 v24, $5.000000000e-01;
	vm13 =	vgt.f32 v5, $5.000000000e-01;
	v8 =	vld.idx.msk [tilespmem:v33+s2+$0x0], $0xffff;
	v10 =	vsel vm8, $0xA, v10  }
0xf7: {  	vm10 =	vgt.f32 v6, $5.000000000e-01;
	v6 =	vld.idx.msk [tilespmem:v40+s2+$0x0], $0xffff;
	vm15 =	vgt.f32 v15, $5.000000000e-01;
	vm11 =	vgt.f32 v9, $5.000000000e-01  }
0xf8: {  	v15 =	vsel vm15, $0xF, v1;
	vm4 =	vgt.f32 v16, $5.000000000e-01;
	vm9 =	vgt.f32 v7, $5.000000000e-01;
	v7 =	vld.idx.msk [tilespmem:v39+s2+$0x0], $0xffff  }
0xf9: {  	v9 =	vld.idx.msk [tilespmem:v41+s2+$0x0], $0xffff;
	vm15 =	vgt.f32 v19, $5.000000000e-01;
	v29 =	vsel vm12, $0x2, v27;
	vm12 =	vgt.f32 v18, $5.000000000e-01  }
0xfa: {  	v12 =	vld.idx.msk [tilespmem:v58+s2+$0x0], $0xffff;
	v15 =	vsel vm4, $0xE, v15;
	vm5 =	vgt.f32 v13, $5.000000000e-01;
	v5 =	vsel vm13, $0x1, v29  }
0xfb: {  	v18 =	vld.idx.msk [tilespmem:v42+s2+$0x0], $0xffff;
	v15 =	vsel vm5, $0xD, v15;
	vm6 =	vgt.f32 v17, $5.000000000e-01;
	v5 =	vsel vm14, $0x0, v5  }
0xfc: {  	vm13 =	vgt.f32 v8, $5.000000000e-01;
	vm14 =	vgt.f32 v14, $5.000000000e-01;
	v8 =	vld.idx.msk [tilespmem:v43+s2+$0x0], $0xffff;
	v15 =	vsel vm6, $0xC, v15  }
0xfd: {  	v14 =	vld.idx.msk [tilespmem:v44+s2+$0x0], $0xffff;
	vm8 =	vgt.f32 v6, $5.000000000e-01;
	v10 =	vsel vm9, $0x9, v10;
	vm7 =	vgt.f32 v7, $5.000000000e-01  }
0xfe: {  	v51 =	vld.idx.msk [tilespmem:v46+s2+$0x0], $0xffff;
	vm9 =	vgt.f32 v9, $5.000000000e-01;
	v10 =	vsel vm10, $0x8, v10;
	v15 =	vsel vm7, $0xB, v15  }
0xff: {  	v13 =	vld.idx.msk [tilespmem:v47+s2+$0x0], $0xffff;
	vm10 =	vgt.f32 v12, $5.000000000e-01;
	v10 =	vsel vm11, $0x7, v10;
	v15 =	vsel vm8, $0xA, v15  }
0x100: {  	v53 =	vld.idx.msk [tilespmem:v48+s2+$0x0], $0xffff;
	vm11 =	vgt.f32 v18, $5.000000000e-01;
	v10 =	vsel vm12, $0x6, v10;
	v52 =	vsel vm9, $0x9, v15  }
0x101: {  	vm12 =	vgt.f32 v8, $5.000000000e-01;
	v10 =	vsel vm13, $0x5, v10;
	v12 =	vsel vm11, $0x8, v52  }
0x102: {  	v7 =	vld.idx.msk [tilespmem:v49+s2+$0x0], $0xffff;
	v10 =	vsel vm14, $0x4, v10;
	vm14 =	vgt.f32 v14, $5.000000000e-01;
	v54 =	vsel vm12, $0x7, v12  }
0x103: {  	vm4 =	vgt.f32 v51, $5.000000000e-01;
	v6 =	vld.idx.msk [tilespmem:v50+s2+$0x0], $0xffff;
	vm13 =	vgt.f32 v11, $5.000000000e-01;
	v11 =	vsel vm14, $0x6, v54  }
0x104: {  	vm6 =	vgt.f32 v63, $5.000000000e-01;
	vm5 =	vgt.f32 v13, $5.000000000e-01;
	v11 =	vsel vm15, $0x5, v11  }
0x105: {  	vm7 =	vgt.f32 v53, $5.000000000e-01;
	v10 =	vsel vm0, $0x3, v10;
	v11 =	vsel vm4, $0x4, v11  }
0x106: {  	v10 =	vsel vm10, $0x2, v10;
	vm9 =	veq.s32 v5, $0x10;
	v57 =	vsel vm5, $0x3, v11  }
0x107: {  	v10 =	vsel vm13, $0x1, v10;
	vm8 =	vgt.f32 v7, $5.000000000e-01;
	v4 =	vsel vm7, $0x2, v57  }
0x108: {  	v59 =	vld.idx.msk [tilespmem:v55+s2+$0x0], $0xffff;
	vm10 =	vgt.f32 v6, $5.000000000e-01;
	v58 =	vsel vm6, $0x0, v10;
	v4 =	vsel vm8, $0x1, v4  }
0x109: {  	v60 =	vld.idx.msk [tilespmem:v56+s2+$0x0], $0xffff;
	vm11 =	veq.s32 v58, $0x10;
	v8 =	vshll.u32 v58, $0x4;
	v4 =	vsel vm10, $0x0, v4  }
0x10a: {  	v5 =	vsel vm9, $0x0, v5;
	v8 =	vsel vm11, $0x0, v8;
	vm12 =	veq.s32 v4, $0x10  }
0x10b: {  	v61 =	vld.idx.msk [tilespmem:v3+s2+$0x0], $0xffff;
	v5 =	vadd.s32 v5, v8;
	v4 =	vsel vm12, $0x0, v4  }
0x10c: {  	v8 =	vshll.u32 v5, v4  }
0x10d: {  	vm13 =	vgt.f32 v59, $5.000000000e-01;
	v4 =	vshrl.u32 v5, v4;
	v62 =	vand.u32 $0xFF, v8  }
0x10e: {  	vm14 =	vgt.f32 v60, $5.000000000e-01;
	v4 =	vsel vm13, v62, v4  }
0x10f: {  	vm0 =	vmor vm13, vm14;
	v5 =	vshrl.u32 v4, $0x4  }
0x110: {  	vm15 =	vgt.f32 v61, $5.000000000e-01;
	v4 =	vand.u32 $0xF, v4;
	v5 =	vadd.s32 $0x70, v5  }
0x111: {  	vm0 =	vmand vm15, vm0;
	v4 =	vor.u32 v4, v3;
	v63 =	vand.u32 $0x1FFFFF80, v5  }
0x112: {  	v4 =	vor.u32 $0x60, v4;
	v5 =	vand.u32 $0x7F, v5;
	v3 =	vadd.s32 v3, v63  }
0x113: {  	p0 =	sne.s32 s30, $0xF0;
	v3 =	vor.u32 v5, v3  }
.Ltmp2:
0x114: {  	_ = 	snop;
	(pc) =	sbr.rel @p0 .LBB2_6-.Ltmp2, $3  }
0x115: {  	_ =	sdelay $0x1  }
0x116: {  	[tilespmem:v4+s2+$0x0] =	vst.idx.add.f32.msk vm0, v2  }
0x117: {  	s30 =	sadd.s32 $0x10, s30;
	[tilespmem:v3+s2+$0x0] =	vst.idx.add.f32.msk vm0, v2  }
0x118: {  	s30 =	simm.s32 $0x0  }
0x119: {  	[hbm4b:s15+s23] =	stream.strided.scatter [tilespmem:s30], [sflag:$0x2], $0x8000, s24, s23, $0x38;
	[tilespmem:$0x10000] =	vst v63  }
0x11a: {  	_ =	swait.ge [sflag:s25], $0x8000  }
0x11b: {  	[sflag:s25] =	ssyncset.done $0x0  }
0x11c: {  	[sflag:s25] =	ssyncadd.s32 $0xFFFF8000  }
0x11d: {  	_ =	swait.ge [sflag:s26], $0x3000  }
0x11e: {  	[sflag:s26] =	ssyncset.done $0x0  }
0x11f: {  	[sflag:s26] =	ssyncadd.s32 $0xFFFFD000  }
0x120: {  	[hbm:s17@s22], [sflag:s5] =	dma.strided [hbm:s16@s22], $0x3000, s21, $0x10   }
0x121: {  	[tilespmem:s28], [sflag:$0x2] =	stream.strided.gather [hbm4b:s18+s23], $0x8000, s24, s23, $0x38;
	[tilespmem:$0x10000] =	vst v63  }
0x122: {  	_ =	swait.ge [sflag:s25], $0x8000  }
0x123: {  	[sflag:s25] =	ssyncset.done $0x0  }
0x124: {  	[sflag:s25] =	ssyncadd.s32 $0xFFFF8000  }
.LBB2_8:
0x125: {  	v3 =	vmov s30  }
0x126: {  	v3 =	vshll.u32 v3, $0x7  }
0x127: {  	v3 =	vor.u32 v0, v3  }
0x128: {  	v4 =	vor.u32 $0x10, v3  }
0x129: {  	v5 =	vor.u32 $0x11, v3  }
0x12a: {  	v6 =	vor.u32 $0x12, v3  }
0x12b: {  	v7 =	vor.u32 $0x1F, v3  }
0x12c: {  	v8 =	vor.u32 $0x1E, v3  }
0x12d: {  	v49 =	vor.u32 $0x1D, v3;
	v9 =	vld.idx.msk [tilespmem:v4+s28+$0x0], $0xffff  }
0x12e: {  	v10 =	vor.u32 $0x1C, v3;
	v5 =	vld.idx.msk [tilespmem:v5+s28+$0x0], $0xffff  }
0x12f: {  	v11 =	vor.u32 $0x1B, v3;
	v6 =	vld.idx.msk [tilespmem:v6+s28+$0x0], $0xffff  }
0x130: {  	v12 =	vor.u32 $0x1A, v3;
	v7 =	vld.idx.msk [tilespmem:v7+s28+$0x0], $0xffff  }
0x131: {  	v13 =	vor.u32 $0x19, v3;
	v8 =	vld.idx.msk [tilespmem:v8+s28+$0x0], $0xffff  }
0x132: {  	v14 =	vor.u32 $0x18, v3;
	v4 =	vld.idx.msk [tilespmem:v49+s28+$0x0], $0xffff  }
0x133: {  	v15 =	vor.u32 $0x17, v3;
	v10 =	vld.idx.msk [tilespmem:v10+s28+$0x0], $0xffff  }
0x134: {  	v16 =	vor.u32 $0x16, v3;
	v11 =	vld.idx.msk [tilespmem:v11+s28+$0x0], $0xffff  }
0x135: {  	v17 =	vor.u32 $0x15, v3;
	v12 =	vld.idx.msk [tilespmem:v12+s28+$0x0], $0xffff  }
0x136: {  	v18 =	vor.u32 $0x13, v3;
	v13 =	vld.idx.msk [tilespmem:v13+s28+$0x0], $0xffff  }
0x137: {  	v50 =	vor.u32 $0x14, v3;
	v54 =	vor.u32 $0x20, v3;
	v14 =	vld.idx.msk [tilespmem:v14+s28+$0x0], $0xffff  }
0x138: {  	v56 =	vor.u32 $0x21, v3;
	v58 =	vor.u32 $0x22, v3;
	v59 =	vor.u32 $0x23, v3;
	v53 =	vld.idx.msk [tilespmem:v15+s28+$0x0], $0xffff  }
0x139: {  	v61 =	vor.u32 $0x2F, v3;
	v20 =	vor.u32 $0x2E, v3;
	v21 =	vor.u32 $0x2D, v3;
	v55 =	vld.idx.msk [tilespmem:v16+s28+$0x0], $0xffff  }
0x13a: {  	v22 =	vor.u32 $0x2C, v3;
	v25 =	vor.u32 $0x2B, v3;
	v26 =	vor.u32 $0x2A, v3;
	v57 =	vld.idx.msk [tilespmem:v17+s28+$0x0], $0xffff  }
0x13b: {  	v28 =	vor.u32 $0x29, v3;
	v30 =	vor.u32 $0x28, v3;
	v31 =	vor.u32 $0x27, v3;
	v60 =	vld.idx.msk [tilespmem:v18+s28+$0x0], $0xffff  }
0x13c: {  	v32 =	vor.u32 $0x26, v3;
	v33 =	vor.u32 $0x25, v3;
	v34 =	vor.u32 $0x24, v3;
	v63 =	vld.idx.msk [tilespmem:v54+s28+$0x0], $0xffff  }
0x13d: {  	v35 =	vor.u32 $0x3F, v3;
	v36 =	vor.u32 $0x3E, v3;
	v37 =	vor.u32 $0x3D, v3;
	v24 =	vld.idx.msk [tilespmem:v59+s28+$0x0], $0xffff  }
0x13e: {  	v38 =	vor.u32 $0x3C, v3;
	v39 =	vor.u32 $0x3B, v3;
	v40 =	vor.u32 $0x3A, v3;
	v15 =	vld.idx.msk [tilespmem:v21+s28+$0x0], $0xffff  }
0x13f: {  	v41 =	vor.u32 $0x39, v3;
	v42 =	vor.u32 $0x38, v3;
	v43 =	vor.u32 $0x37, v3;
	v16 =	vld.idx.msk [tilespmem:v22+s28+$0x0], $0xffff  }
0x140: {  	v44 =	vor.u32 $0x36, v3;
	v45 =	vor.u32 $0x35, v3;
	v17 =	vld.idx.msk [tilespmem:v26+s28+$0x0], $0xffff;
	vm0 =	vgt.f32 v7, $5.000000000e-01  }
0x141: {  	v46 =	vor.u32 $0x34, v3;
	v18 =	vld.idx.msk [tilespmem:v32+s28+$0x0], $0xffff;
	vm1 =	vgt.f32 v8, $5.000000000e-01;
	v51 =	vsel vm0, $0xF, v1  }
0x142: {  	v47 =	vor.u32 $0x33, v3;
	vm13 =	vgt.f32 v4, $5.000000000e-01;
	v7 =	vld.idx.msk [tilespmem:v50+s28+$0x0], $0xffff;
	v52 =	vsel vm1, $0xE, v51  }
0x143: {  	vm14 =	vgt.f32 v10, $5.000000000e-01;
	vm6 =	vgt.f32 v14, $5.000000000e-01;
	v14 =	vld.idx.msk [tilespmem:v61+s28+$0x0], $0xffff;
	v4 =	vsel vm13, $0xD, v52  }
0x144: {  	v48 =	vor.u32 $0x32, v3;
	vm15 =	vgt.f32 v11, $5.000000000e-01;
	v11 =	vld.idx.msk [tilespmem:v56+s28+$0x0], $0xffff;
	v4 =	vsel vm14, $0xC, v4  }
0x145: {  	v49 =	vor.u32 $0x31, v3;
	vm4 =	vgt.f32 v12, $5.000000000e-01;
	v10 =	vld.idx.msk [tilespmem:v20+s28+$0x0], $0xffff;
	v4 =	vsel vm15, $0xB, v4  }
0x146: {  	vm5 =	vgt.f32 v13, $5.000000000e-01;
	vm7 =	vgt.f32 v53, $5.000000000e-01;
	v13 =	vld.idx.msk [tilespmem:v25+s28+$0x0], $0xffff;
	v4 =	vsel vm4, $0xA, v4  }
0x147: {  	vm8 =	vgt.f32 v55, $5.000000000e-01;
	vm12 =	vgt.f32 v6, $5.000000000e-01;
	v6 =	vld.idx.msk [tilespmem:v30+s28+$0x0], $0xffff;
	v4 =	vsel vm5, $0x9, v4  }
0x148: {  	vm14 =	vgt.f32 v9, $5.000000000e-01;
	v9 =	vld.idx.msk [tilespmem:v31+s28+$0x0], $0xffff;
	vm15 =	vgt.f32 v14, $5.000000000e-01;
	v62 =	vsel vm6, $0x8, v4  }
0x149: {  	vm9 =	vgt.f32 v57, $5.000000000e-01;
	v14 =	vld.idx.msk [tilespmem:v34+s28+$0x0], $0xffff;
	v19 =	vsel vm15, $0xF, v1;
	v8 =	vsel vm7, $0x7, v62  }
0x14a: {  	vm4 =	vgt.f32 v10, $5.000000000e-01;
	vm5 =	vgt.f32 v15, $5.000000000e-01;
	v15 =	vld.idx.msk [tilespmem:v35+s28+$0x0], $0xffff;
	v8 =	vsel vm8, $0x6, v8  }
0x14b: {  	vm10 =	vgt.f32 v7, $5.000000000e-01;
	v10 =	vsel vm4, $0xE, v19;
	v19 =	vld.idx.msk [tilespmem:v45+s28+$0x0], $0xffff;
	v23 =	vsel vm9, $0x5, v8  }
0x14c: {  	vm11 =	vgt.f32 v60, $5.000000000e-01;
	vm6 =	vgt.f32 v16, $5.000000000e-01;
	v16 =	vld.idx.msk [tilespmem:v36+s28+$0x0], $0xffff;
	v7 =	vsel vm10, $0x4, v23  }
0x14d: {  	v50 =	vor.u32 $0x30, v3;
	v10 =	vsel vm5, $0xD, v10;
	v27 =	vsel vm11, $0x3, v7;
	v7 =	vld.idx.msk [tilespmem:v28+s28+$0x0], $0xffff  }
0x14e: {  	v55 =	vor.u32 $0x1, v3;
	v10 =	vsel vm6, $0xC, v10;
	vm7 =	vgt.f32 v13, $5.000000000e-01;
	v13 =	vld.idx.msk [tilespmem:v37+s28+$0x0], $0xffff  }
0x14f: {  	v56 =	vor.u32 $0x2, v3;
	v10 =	vsel vm7, $0xB, v10;
	vm8 =	vgt.f32 v17, $5.000000000e-01;
	v17 =	vld.idx.msk [tilespmem:v38+s28+$0x0], $0xffff  }
0x150: {  	vm0 =	vgt.f32 v24, $5.000000000e-01;
	vm13 =	vgt.f32 v5, $5.000000000e-01;
	v8 =	vld.idx.msk [tilespmem:v33+s28+$0x0], $0xffff;
	v10 =	vsel vm8, $0xA, v10  }
0x151: {  	vm10 =	vgt.f32 v6, $5.000000000e-01;
	v6 =	vld.idx.msk [tilespmem:v40+s28+$0x0], $0xffff;
	vm15 =	vgt.f32 v15, $5.000000000e-01;
	vm11 =	vgt.f32 v9, $5.000000000e-01  }
0x152: {  	v15 =	vsel vm15, $0xF, v1;
	vm4 =	vgt.f32 v16, $5.000000000e-01;
	vm9 =	vgt.f32 v7, $5.000000000e-01;
	v7 =	vld.idx.msk [tilespmem:v39+s28+$0x0], $0xffff  }
0x153: {  	v9 =	vld.idx.msk [tilespmem:v41+s28+$0x0], $0xffff;
	vm15 =	vgt.f32 v19, $5.000000000e-01;
	v29 =	vsel vm12, $0x2, v27;
	vm12 =	vgt.f32 v18, $5.000000000e-01  }
0x154: {  	v12 =	vld.idx.msk [tilespmem:v58+s28+$0x0], $0xffff;
	v15 =	vsel vm4, $0xE, v15;
	vm5 =	vgt.f32 v13, $5.000000000e-01;
	v5 =	vsel vm13, $0x1, v29  }
0x155: {  	v18 =	vld.idx.msk [tilespmem:v42+s28+$0x0], $0xffff;
	v15 =	vsel vm5, $0xD, v15;
	vm6 =	vgt.f32 v17, $5.000000000e-01;
	v5 =	vsel vm14, $0x0, v5  }
0x156: {  	vm13 =	vgt.f32 v8, $5.000000000e-01;
	vm14 =	vgt.f32 v14, $5.000000000e-01;
	v8 =	vld.idx.msk [tilespmem:v43+s28+$0x0], $0xffff;
	v15 =	vsel vm6, $0xC, v15  }
0x157: {  	v14 =	vld.idx.msk [tilespmem:v44+s28+$0x0], $0xffff;
	vm8 =	vgt.f32 v6, $5.000000000e-01;
	v10 =	vsel vm9, $0x9, v10;
	vm7 =	vgt.f32 v7, $5.000000000e-01  }
0x158: {  	v51 =	vld.idx.msk [tilespmem:v46+s28+$0x0], $0xffff;
	vm9 =	vgt.f32 v9, $5.000000000e-01;
	v10 =	vsel vm10, $0x8, v10;
	v15 =	vsel vm7, $0xB, v15  }
0x159: {  	v13 =	vld.idx.msk [tilespmem:v47+s28+$0x0], $0xffff;
	vm10 =	vgt.f32 v12, $5.000000000e-01;
	v10 =	vsel vm11, $0x7, v10;
	v15 =	vsel vm8, $0xA, v15  }
0x15a: {  	v53 =	vld.idx.msk [tilespmem:v48+s28+$0x0], $0xffff;
	vm11 =	vgt.f32 v18, $5.000000000e-01;
	v10 =	vsel vm12, $0x6, v10;
	v52 =	vsel vm9, $0x9, v15  }
0x15b: {  	vm12 =	vgt.f32 v8, $5.000000000e-01;
	v10 =	vsel vm13, $0x5, v10;
	v12 =	vsel vm11, $0x8, v52  }
0x15c: {  	v7 =	vld.idx.msk [tilespmem:v49+s28+$0x0], $0xffff;
	v10 =	vsel vm14, $0x4, v10;
	vm14 =	vgt.f32 v14, $5.000000000e-01;
	v54 =	vsel vm12, $0x7, v12  }
0x15d: {  	vm4 =	vgt.f32 v51, $5.000000000e-01;
	v6 =	vld.idx.msk [tilespmem:v50+s28+$0x0], $0xffff;
	vm13 =	vgt.f32 v11, $5.000000000e-01;
	v11 =	vsel vm14, $0x6, v54  }
0x15e: {  	vm6 =	vgt.f32 v63, $5.000000000e-01;
	vm5 =	vgt.f32 v13, $5.000000000e-01;
	v11 =	vsel vm15, $0x5, v11  }
0x15f: {  	vm7 =	vgt.f32 v53, $5.000000000e-01;
	v10 =	vsel vm0, $0x3, v10;
	v11 =	vsel vm4, $0x4, v11  }
0x160: {  	v10 =	vsel vm10, $0x2, v10;
	vm9 =	veq.s32 v5, $0x10;
	v57 =	vsel vm5, $0x3, v11  }
0x161: {  	v10 =	vsel vm13, $0x1, v10;
	vm8 =	vgt.f32 v7, $5.000000000e-01;
	v4 =	vsel vm7, $0x2, v57  }
0x162: {  	v59 =	vld.idx.msk [tilespmem:v55+s28+$0x0], $0xffff;
	vm10 =	vgt.f32 v6, $5.000000000e-01;
	v58 =	vsel vm6, $0x0, v10;
	v4 =	vsel vm8, $0x1, v4  }
0x163: {  	v60 =	vld.idx.msk [tilespmem:v56+s28+$0x0], $0xffff;
	vm11 =	veq.s32 v58, $0x10;
	v8 =	vshll.u32 v58, $0x4;
	v4 =	vsel vm10, $0x0, v4  }
0x164: {  	v5 =	vsel vm9, $0x0, v5;
	v8 =	vsel vm11, $0x0, v8;
	vm12 =	veq.s32 v4, $0x10  }
0x165: {  	v61 =	vld.idx.msk [tilespmem:v3+s28+$0x0], $0xffff;
	v5 =	vadd.s32 v5, v8;
	v4 =	vsel vm12, $0x0, v4  }
0x166: {  	v8 =	vshll.u32 v5, v4  }
0x167: {  	vm13 =	vgt.f32 v59, $5.000000000e-01;
	v4 =	vshrl.u32 v5, v4;
	v62 =	vand.u32 $0xFF, v8  }
0x168: {  	vm14 =	vgt.f32 v60, $5.000000000e-01;
	v4 =	vsel vm13, v62, v4  }
0x169: {  	vm0 =	vmor vm13, vm14;
	v5 =	vshrl.u32 v4, $0x4  }
0x16a: {  	vm15 =	vgt.f32 v61, $5.000000000e-01;
	v4 =	vand.u32 $0xF, v4;
	v5 =	vadd.s32 $0x70, v5  }
0x16b: {  	vm0 =	vmand vm15, vm0;
	v4 =	vor.u32 v4, v3;
	v63 =	vand.u32 $0x1FFFFF80, v5  }
0x16c: {  	v4 =	vor.u32 $0x60, v4;
	v5 =	vand.u32 $0x7F, v5;
	v3 =	vadd.s32 v3, v63  }
0x16d: {  	p0 =	sne.s32 s30, $0xF0;
	v3 =	vor.u32 v5, v3  }
.Ltmp3:
0x16e: {  	_ = 	snop;
	(pc) =	sbr.rel @p0 .LBB2_8-.Ltmp3, $3  }
0x16f: {  	_ =	sdelay $0x1  }
0x170: {  	[tilespmem:v4+s28+$0x0] =	vst.idx.add.f32.msk vm0, v2  }
0x171: {  	s30 =	sadd.s32 $0x10, s30;
	[tilespmem:v3+s28+$0x0] =	vst.idx.add.f32.msk vm0, v2  }
0x172: {  	[hbm4b:s19+s23] =	stream.strided.scatter [tilespmem:s28], [sflag:$0x2], $0x8000, s24, s23, $0x38;
	[tilespmem:$0x10000] =	vst v63  }
0x173: {  	s29 =	sadd.s32 $0x1, s29  }
0x174: {  	_ =	swait.ge [sflag:s25], $0x8000;
	p0 =	sne.s32 s29, s20  }
.Ltmp4:
0x175: {  	[sflag:s25] =	ssyncset.done $0x0;
	(pc) =	sbr.rel @p0 .LBB2_1-.Ltmp4, $4  }
0x176: {  	[sflag:s25] =	ssyncadd.s32 $0xFFFF8000  }
0x177: {  	_ =	swait.ge [sflag:s26], $0x3000  }
0x178: {  	[sflag:s26] =	ssyncset.done $0x0  }
0x179: {  	[sflag:s26] =	ssyncadd.s32 $0xFFFFD000  }
0x17a: {  	_ =	sfence.sel $0x180000  }
0x17b: {  	[bflag:$0x0] =	sbarrier.arrive $0xFFFF  }
0x17c: {  	p0 =	sne.s32 s1, $0x0;
	_ =	strace $0x90000047  }
0x17d: {  	s0 =	sadd.s32 @!p0 $0x100000, s0;
	[bflag:$0x2] =	sbarrier.arrive $0xFFFF  }
0x17e: {  	[sflag:s0] =	ssyncadd.tile.s32 @!p0 $0x1;
	_ =	shalt  }
.Lfunc_end2:
_tile_overlayer_lowered:
.L_overlay_start_2:
0x17f: {  	(tag) =	ssettag $0x2  }
0x180: {  	s0 =	rddreg [dreg:$0x0];
	s2 =	stileid.u32  }
0x181: {  	s1 =	rddreg [dreg:$0x1];
	p0 =	sne.s32 s2, $0x0  }
0x182: {  	s3 =	rddreg [dreg:$0x2];
	[bflag:$0x3] =	sbarrier.arrive $0xFFFF;
	s2 =	simm.s32 @!p0 $0x1C02  }
0x183: {  	[timem:s3], [sflag:s2] =	dma.local @!p0 [hbm:s0], s1  }
0x184: {  	s0 =	simm.s32 @!p0 $0x2  }
0x185: {  	_ =	swait.ge @!p0 [sflag:s0], s1  }
0x186: {  	s1 =	ssub.s32 @!p0 $0x0, s1;
	[sflag:s0] =	ssyncset.done @!p0 $0x0  }
0x187: {  	[sflag:s0] =	ssyncadd.s32 @!p0 s1  }
0x188: {  	[bflag:$0x3] =	sbarrier.arrive $0xFFFF  }
0x189: {  	_ =	shalt  }

</sc_bundles>
